<compile_context>
chip_gen: v7x
topology: tpu7x:2x2x1
jax: 0.10.2.dev20260603
libtpu: 0.0.44.dev20260713+nightly
codegen_flags: <defaults>
</compile_context>

<pallas_src>
import functools

import jax
import jax.numpy as jnp
from jax import lax
from jax.experimental import pallas as pl
from jax.experimental.pallas import tpu as pltpu
from jax.experimental.pallas import tpu_sc as plsc

NUM_BINS = 10
VARIANCE_WEIGHT = 0.1
RANGE_WEIGHT = 0.05

_NC = 2
_NS = 16
_L = 16
_NW = _NC * _NS
_CHUNK = 16384
_UNROLL = 2
_SEC = 512

_SC_SHARE_UNITS = 8

_BLK_ROWS = 1024
_LANES = 128
_SUB = 8

_EDGES = (
    0.10000000149011612,
    0.20000000298023224,
    0.30000001192092896,
    0.4000000059604645,
    0.5,
    0.6000000238418579,
    0.699999988079071,
    0.800000011920929,
    0.9000000357627869,
)


def _sc_body(p_hbm, t_hbm, part_hbm,
             pb0, pb1, tb0, tb1, stage_v, sem0, sem1, *, sc_base, sc_n):
    wid = lax.axis_index("s") * _NC + lax.axis_index("c")
    per_w = sc_n // _NW
    n_chunks = per_w // _CHUNK
    base = sc_base + wid * per_w

    zeros16 = jnp.zeros((_L,), jnp.float32)
    inf16 = jnp.full((_L,), jnp.inf, jnp.float32)

    pbufs = (pb0, pb1)
    tbufs = (tb0, tb1)
    sems = (sem0, sem1)

    def start(c, b):
        off = base + c * _CHUNK
        pltpu.async_copy(p_hbm.at[pl.ds(off, _CHUNK)], pbufs[b], sems[b])
        pltpu.async_copy(t_hbm.at[pl.ds(off, _CHUNK)], tbufs[b], sems[b])

    def wait(b):
        pltpu.make_async_copy(
            p_hbm.at[pl.ds(0, _CHUNK)], pbufs[b], sems[b]).wait()
        pltpu.make_async_copy(
            t_hbm.at[pl.ds(0, _CHUNK)], tbufs[b], sems[b]).wait()

    start(0, 0)

    def chunk_compute(pb, tb, carry):
        def body(v, carry):
            (cnt, tj, sqtot, sp, sp2, st, st2, mnp, mxp, mnt, mxt) = carry
            cnt = list(cnt)
            tj = list(tj)
            for u in range(_UNROLL):
                off = v + u * _L
                p16 = pb[pl.ds(off, _L)]
                t16 = tb[pl.ds(off, _L)]
                d = p16 - t16
                sqv = d * d
                for j in range(9):
                    m = t16 > _EDGES[j]
                    cnt[j] = cnt[j] + jnp.where(m, 1.0, 0.0)
                    tj[j] = tj[j] + jnp.where(m, sqv, 0.0)
                sqtot = sqtot + sqv
                sp = sp + p16
                st = st + t16
                sp2 = sp2 + p16 * p16
                st2 = st2 + t16 * t16
                mnp = jnp.minimum(mnp, p16)
                mxp = jnp.maximum(mxp, p16)
                mnt = jnp.minimum(mnt, t16)
                mxt = jnp.maximum(mxt, t16)
            return (tuple(cnt), tuple(tj), sqtot,
                    sp, sp2, st, st2, mnp, mxp, mnt, mxt)
        return plsc.parallel_loop(
            0, _CHUNK, step=_L * _UNROLL, unroll=1, carry=carry)(body)

    carry = ((zeros16,) * 9, (zeros16,) * 9, zeros16,
             zeros16, zeros16, zeros16, zeros16,
             inf16, -inf16, inf16, -inf16)

    def outer(g, carry):
        for b in range(2):
            c = g * 2 + b

            @pl.when(c + 1 < n_chunks)
            def _():
                start(c + 1, b ^ 1)

            wait(b)
            carry = chunk_compute(pbufs[b], tbufs[b], carry)
        return carry

    carry = lax.fori_loop(0, n_chunks // 2, outer, carry)
    (cnt, tj, sqtot, sp, sp2, st, st2, mnp, mxp, mnt, mxt) = carry

    vecs = (list(cnt) + list(tj)
            + [sqtot, sp, sp2, st, st2, mnp, mxp, mnt, mxt])
    for i, vec in enumerate(vecs):
        stage_v[pl.ds(i * _L, _L)] = vec
    pltpu.sync_copy(stage_v, part_hbm.at[wid])


def _tc_partial_kernel(p_ref, t_ref, out_ref, acc_ref, mm_ref, *, nsteps):
    pid = pl.program_id(0)

    @pl.when(pid == 0)
    def _init():
        acc_ref[...] = jnp.zeros_like(acc_ref)
        inf = jnp.full((_SUB, _LANES), jnp.inf, dtype=jnp.float32)
        mm_ref[0] = inf
        mm_ref[1] = -inf
        mm_ref[2] = inf
        mm_ref[3] = -inf

    p = p_ref[...]
    t = t_ref[...]
    d = p - t
    sq = d * d

    def rsum(x):
        return jnp.sum(x.reshape(_BLK_ROWS // _SUB, _SUB, _LANES), axis=0)

    for j in range(9):
        mf = (t > _EDGES[j]).astype(jnp.float32)
        acc_ref[j] = acc_ref[j] + rsum(mf)
        acc_ref[9 + j] = acc_ref[9 + j] + rsum(mf * sq)

    acc_ref[18] = acc_ref[18] + rsum(sq)
    acc_ref[19] = acc_ref[19] + rsum(p)
    acc_ref[20] = acc_ref[20] + rsum(p * p)
    acc_ref[21] = acc_ref[21] + rsum(t)
    acc_ref[22] = acc_ref[22] + rsum(t * t)

    p3 = p.reshape(_BLK_ROWS // _SUB, _SUB, _LANES)
    t3 = t.reshape(_BLK_ROWS // _SUB, _SUB, _LANES)
    mm_ref[0] = jnp.minimum(mm_ref[0], jnp.min(p3, axis=0))
    mm_ref[1] = jnp.maximum(mm_ref[1], jnp.max(p3, axis=0))
    mm_ref[2] = jnp.minimum(mm_ref[2], jnp.min(t3, axis=0))
    mm_ref[3] = jnp.maximum(mm_ref[3], jnp.max(t3, axis=0))

    @pl.when(pid == nsteps - 1)
    def _epilogue():
        for j in range(23):
            out_ref[0, j] = jnp.sum(acc_ref[j])
        out_ref[0, 23] = jnp.min(mm_ref[0])
        out_ref[0, 24] = jnp.max(mm_ref[1])
        out_ref[0, 25] = jnp.min(mm_ref[2])
        out_ref[0, 26] = jnp.max(mm_ref[3])


def _combine_kernel(sc_ref, tc_ref, out_ref, *, n_total):
    x = sc_ref[...]
    n_f = jnp.float32(n_total)

    def sec(i):
        return x[:, i * _L:(i + 1) * _L]

    def tc(i):
        return tc_ref[0, i]

    G = [jnp.sum(sec(j)) + tc(j) for j in range(9)]
    T = [jnp.sum(sec(9 + j)) + tc(9 + j) for j in range(9)]
    sqtot = jnp.sum(sec(18)) + tc(18)
    sum_p = jnp.sum(sec(19)) + tc(19)
    sum_p2 = jnp.sum(sec(20)) + tc(20)
    sum_t = jnp.sum(sec(21)) + tc(21)
    sum_t2 = jnp.sum(sec(22)) + tc(22)
    min_p = jnp.minimum(jnp.min(sec(23)), tc(23))
    max_p = jnp.maximum(jnp.max(sec(24)), tc(24))
    min_t = jnp.minimum(jnp.min(sec(25)), tc(25))
    max_t = jnp.maximum(jnp.max(sec(26)), tc(26))

    cnts = [n_f - G[0]] + [G[b - 1] - G[b] for b in range(1, 9)] + [G[8]]
    S = [sqtot - T[0]] + [T[b - 1] - T[b] for b in range(1, 9)] + [T[8]]

    w_raw = [jnp.where(c > 0.0, 1.0 / (c + 1e-6), jnp.float32(0.0))
             for c in cnts]
    w_sum = functools.reduce(lambda a, b: a + b, w_raw)
    w_mean = w_sum / jnp.float32(NUM_BINS)
    wS = functools.reduce(lambda a, b: a + b,
                          [w * s for w, s in zip(w_raw, S)])
    mse = wS / w_mean / n_f

    var_p = sum_p2 / n_f - (sum_p / n_f) ** 2
    var_t = sum_t2 / n_f - (sum_t / n_f) ** 2
    variance_loss = jnp.abs(var_p - var_t)
    range_loss = jnp.maximum(
        jnp.float32(0.0), (max_t - min_t) * 0.5 - (max_p - min_p))
    out_ref[0, 0] = (mse + VARIANCE_WEIGHT * variance_loss
                     + RANGE_WEIGHT * range_loss)


def kernel(predictions, targets):
    n = predictions.shape[0]
    sc_n = _SC_SHARE_UNITS * _NW * _CHUNK
    tc_n = n - sc_n
    nsteps = tc_n // (_BLK_ROWS * _LANES)
    rows = n // _LANES

    mesh = plsc.VectorSubcoreMesh(
        core_axis_name="c", subcore_axis_name="s",
        num_cores=_NC, num_subcores=_NS)
    sc_parts = pl.kernel(
        functools.partial(_sc_body, sc_base=tc_n, sc_n=sc_n),
        out_type=jax.ShapeDtypeStruct((_NW, _SEC), jnp.float32),
        mesh=mesh,
        scratch_types=[
            pltpu.VMEM((_CHUNK,), jnp.float32),
            pltpu.VMEM((_CHUNK,), jnp.float32),
            pltpu.VMEM((_CHUNK,), jnp.float32),
            pltpu.VMEM((_CHUNK,), jnp.float32),
            pltpu.VMEM((_SEC,), jnp.float32),
            pltpu.SemaphoreType.DMA,
            pltpu.SemaphoreType.DMA,
        ],
    )(predictions, targets)

    p2 = predictions.reshape(rows, _LANES)
    t2 = targets.reshape(rows, _LANES)
    tc_parts = pl.pallas_call(
        functools.partial(_tc_partial_kernel, nsteps=nsteps),
        grid=(nsteps,),
        in_specs=[
            pl.BlockSpec((_BLK_ROWS, _LANES), lambda i: (i, 0)),
            pl.BlockSpec((_BLK_ROWS, _LANES), lambda i: (i, 0)),
        ],
        out_specs=pl.BlockSpec(memory_space=pltpu.SMEM),
        out_shape=jax.ShapeDtypeStruct((1, 27), jnp.float32),
        scratch_shapes=[
            pltpu.VMEM((23, _SUB, _LANES), jnp.float32),
            pltpu.VMEM((4, _SUB, _LANES), jnp.float32),
        ],
        interpret=False,
    )(p2, t2)

    out = pl.pallas_call(
        functools.partial(_combine_kernel, n_total=n),
        in_specs=[
            pl.BlockSpec((_NW, _SEC), lambda: (0, 0)),
            pl.BlockSpec(memory_space=pltpu.SMEM),
        ],
        out_specs=pl.BlockSpec(memory_space=pltpu.SMEM),
        out_shape=jax.ShapeDtypeStruct((1, 1), jnp.float32),
        interpret=False,
    )(sc_parts, tc_parts)
    return out.reshape(())

# --- scband reference (transcript-rebuilt; emitter-appended) ---
"""Pipeline reference for scband-distribution-aware-loss-25005299597977 (READ-ONLY COPY).

The authoritative reference and input builder live on the scoring server;
editing this copy changes nothing except your own understanding.
"""

import jax, jax.numpy as jnp
import numpy as np

LABEL_RANGE = (0.0, 1.0)
NUM_BINS = 10
VARIANCE_WEIGHT = 0.1
RANGE_WEIGHT = 0.05
N = 16777216


def setup_inputs(seed: int = 0) -> dict:
    key = jax.random.key(seed)
    k1, k2 = jax.random.split(key)
    predictions = jax.random.uniform(k1, (N,), dtype=jnp.float32)
    targets = jax.random.uniform(k2, (N,), dtype=jnp.float32)
    return {"predictions": predictions, "targets": targets}


def reference(predictions, targets):
    bin_edges = jnp.linspace(LABEL_RANGE[0], LABEL_RANGE[1], NUM_BINS + 1, dtype=jnp.float32)
    # sample weights from target histogram
    bin_indices = jnp.searchsorted(bin_edges, targets, side='left') - 1
    bin_indices = jnp.clip(bin_indices, 0, NUM_BINS - 1)
    bin_counts = jnp.bincount(bin_indices, length=NUM_BINS).astype(jnp.float32)
    bin_weights = jnp.where(bin_counts > 0, 1.0 / (bin_counts + 1e-06), jnp.zeros_like(bin_counts))
    bin_weights = bin_weights / bin_weights.mean()
    sample_weights = bin_weights[bin_indices]
    # weighted MSE (reduction='mean')
    weighted_mse = sample_weights * (predictions - targets) ** 2
    mse_loss = weighted_mse.mean()
    # variance matching (unbiased=False -> ddof=0, jnp default)
    pred_var = jnp.var(predictions)
    target_var = jnp.var(targets)
    variance_loss = jnp.abs(pred_var - target_var)
    # range penalty
    pred_range = predictions.max() - predictions.min()
    target_range = targets.max() - targets.min()
    range_loss = jax.nn.relu(target_range * 0.5 - pred_range)
    total_loss = mse_loss + VARIANCE_WEIGHT * variance_loss + RANGE_WEIGHT * range_loss
    return total_loss

if __name__ == "__main__":
    import jax
    _d = setup_inputs()
    print(jax.jit(kernel)(*tuple(_d.values())))

</pallas_src>

<mosaic_0001>
#map = affine_map<(d0, d1) -> (0)>
#map1 = affine_map<(d0, d1) -> (0, 0)>
module attributes {stable_mosaic.version = 14 : i64} {
  func.func @_sc_body(%arg0: i32, %arg1: i32, %arg2: memref<16777216xf32, #tpu.memory_space<hbm>>, %arg3: memref<16777216xf32, #tpu.memory_space<hbm>>, %arg4: memref<32x512xf32, #tpu.memory_space<hbm>>, %arg5: memref<16384xf32, #tpu.memory_space<vmem>>, %arg6: memref<16384xf32, #tpu.memory_space<vmem>>, %arg7: memref<16384xf32, #tpu.memory_space<vmem>>, %arg8: memref<16384xf32, #tpu.memory_space<vmem>>, %arg9: memref<512xf32, #tpu.memory_space<vmem>>, %arg10: memref<!tpu.dma_semaphore, #tpu.memory_space<semaphore_mem>>, %arg11: memref<!tpu.dma_semaphore, #tpu.memory_space<semaphore_mem>>) attributes {dimension_semantics = [#tpu.dimension_semantics<core_parallel>, #tpu.dimension_semantics<subcore_parallel>], iteration_bounds = array<i64: 2, 16>, scalar_prefetch = 0 : i64, scratch_operands = 7 : i64, tpu.core_type = #tpu.core_type<sc_vector_subcore>, window_params = [{transform_indices = #map}, {transform_indices = #map}, {transform_indices = #map1}]} {
    %mul3A = arith.constant 2 : i32
    %mul3A_0 = arith.muli %arg1, %mul3A : i32
    %add3A = arith.addi %mul3A_0, %arg0 : i32
    %mul3A_1 = arith.constant 131072 : i32
    %mul3A_2 = arith.muli %add3A, %mul3A_1 : i32
    %add3A_3 = arith.constant 12582912 : i32
    %add3A_4 = arith.addi %add3A_3, %mul3A_2 : i32
    %broadcast_in_dim3A = arith.constant 0.000000e+00 : f32
    %broadcast_in_dim3A_5 = vector.broadcast %broadcast_in_dim3A : f32 to vector<16xf32>
    %broadcast_in_dim3A_6 = arith.constant 0x7F800000 : f32
    %broadcast_in_dim3A_7 = vector.broadcast %broadcast_in_dim3A_6 : f32 to vector<16xf32>
    %add3A_8 = arith.constant 0 : i32
    %add3A_9 = arith.addi %add3A_4, %add3A_8 : i32
    %dma_start3A = tpu.memref_slice %arg2[%add3A_9] : memref<16777216xf32, #tpu.memory_space<hbm>> -> memref<16384xf32, #tpu.memory_space<hbm>>
    %dma_start3A_10 = tpu.memref_slice %arg2[%add3A_9] : memref<16777216xf32, #tpu.memory_space<hbm>> -> memref<16384xf32, #tpu.memory_space<hbm>>
    tpu.enqueue_dma source(%dma_start3A_10 : memref<16384xf32, #tpu.memory_space<hbm>>) target(%arg5 : memref<16384xf32, #tpu.memory_space<vmem>>) target_semaphore(%arg10 : memref<!tpu.dma_semaphore, #tpu.memory_space<semaphore_mem>>)
    %dma_start3A_11 = tpu.memref_slice %arg3[%add3A_9] : memref<16777216xf32, #tpu.memory_space<hbm>> -> memref<16384xf32, #tpu.memory_space<hbm>>
    %dma_start3A_12 = tpu.memref_slice %arg3[%add3A_9] : memref<16777216xf32, #tpu.memory_space<hbm>> -> memref<16384xf32, #tpu.memory_space<hbm>>
    tpu.enqueue_dma source(%dma_start3A_12 : memref<16384xf32, #tpu.memory_space<hbm>>) target(%arg7 : memref<16384xf32, #tpu.memory_space<vmem>>) target_semaphore(%arg10 : memref<!tpu.dma_semaphore, #tpu.memory_space<semaphore_mem>>)
    %neg3A = arith.constant 0.000000e+00 : f32
    %neg3A_13 = vector.broadcast %neg3A : f32 to vector<16xf32>
    %neg3A_14 = arith.subf %neg3A_13, %broadcast_in_dim3A_7 : vector<16xf32>
    %neg3A_15 = arith.constant 0.000000e+00 : f32
    %neg3A_16 = vector.broadcast %neg3A_15 : f32 to vector<16xf32>
    %neg3A_17 = arith.subf %neg3A_16, %broadcast_in_dim3A_7 : vector<16xf32>
    %scan3A = arith.constant 0 : i32
    %scan3A_18 = arith.constant 4 : i32
    %scan3A_19 = arith.addi %scan3A, %scan3A_18 : i32
    %scan3A_20 = arith.constant 1 : i32
    %scan3A_21:27 = scf.for %scan3A_130 = %scan3A to %scan3A_19 step %scan3A_20 iter_args(%scan3A_131 = %broadcast_in_dim3A_5, %scan3A_132 = %broadcast_in_dim3A_5, %scan3A_133 = %broadcast_in_dim3A_5, %scan3A_134 = %broadcast_in_dim3A_5, %scan3A_135 = %broadcast_in_dim3A_5, %scan3A_136 = %broadcast_in_dim3A_5, %scan3A_137 = %broadcast_in_dim3A_5, %scan3A_138 = %broadcast_in_dim3A_5, %scan3A_139 = %broadcast_in_dim3A_5, %scan3A_140 = %broadcast_in_dim3A_5, %scan3A_141 = %broadcast_in_dim3A_5, %scan3A_142 = %broadcast_in_dim3A_5, %scan3A_143 = %broadcast_in_dim3A_5, %scan3A_144 = %broadcast_in_dim3A_5, %scan3A_145 = %broadcast_in_dim3A_5, %scan3A_146 = %broadcast_in_dim3A_5, %scan3A_147 = %broadcast_in_dim3A_5, %scan3A_148 = %broadcast_in_dim3A_5, %scan3A_149 = %broadcast_in_dim3A_5, %scan3A_150 = %broadcast_in_dim3A_5, %scan3A_151 = %broadcast_in_dim3A_5, %scan3A_152 = %broadcast_in_dim3A_5, %scan3A_153 = %broadcast_in_dim3A_5, %scan3A_154 = %broadcast_in_dim3A_7, %scan3A_155 = %neg3A_14, %scan3A_156 = %broadcast_in_dim3A_7, %scan3A_157 = %neg3A_17) -> (vector<16xf32>, vector<16xf32>, vector<16xf32>, vector<16xf32>, vector<16xf32>, vector<16xf32>, vector<16xf32>, vector<16xf32>, vector<16xf32>, vector<16xf32>, vector<16xf32>, vector<16xf32>, vector<16xf32>, vector<16xf32>, vector<16xf32>, vector<16xf32>, vector<16xf32>, vector<16xf32>, vector<16xf32>, vector<16xf32>, vector<16xf32>, vector<16xf32>, vector<16xf32>, vector<16xf32>, vector<16xf32>, vector<16xf32>, vector<16xf32>)  : i32 {
      %mul3A_158 = arith.constant 2 : i32
      %mul3A_159 = arith.muli %scan3A_130, %mul3A_158 : i32
      %add3A_160 = arith.constant 0 : i32
      %add3A_161 = arith.addi %mul3A_159, %add3A_160 : i32
      %add3A_162 = arith.constant 1 : i32
      %add3A_163 = arith.addi %add3A_161, %add3A_162 : i32
      %lt3A = arith.constant 8 : i32
      %lt3A_164 = arith.cmpi slt, %add3A_163, %lt3A : i32
      %convert_element_type3A = arith.extui %lt3A_164 : i1 to i32
      %cond3A = arith.constant 0 : i32
      %cond3A_165 = arith.cmpi ne, %convert_element_type3A, %cond3A : i32
      scf.if %cond3A_165 {
        %add3A_199 = arith.constant 1 : i32
        %add3A_200 = arith.addi %add3A_161, %add3A_199 : i32
        %mul3A_201 = arith.constant 16384 : i32
        %mul3A_202 = arith.muli %add3A_200, %mul3A_201 : i32
        %add3A_203 = arith.addi %add3A_4, %mul3A_202 : i32
        %dma_start3A_204 = tpu.memref_slice %arg2[%add3A_203] : memref<16777216xf32, #tpu.memory_space<hbm>> -> memref<16384xf32, #tpu.memory_space<hbm>>
        %dma_start3A_205 = tpu.memref_slice %arg2[%add3A_203] : memref<16777216xf32, #tpu.memory_space<hbm>> -> memref<16384xf32, #tpu.memory_space<hbm>>
        tpu.enqueue_dma source(%dma_start3A_205 : memref<16384xf32, #tpu.memory_space<hbm>>) target(%arg6 : memref<16384xf32, #tpu.memory_space<vmem>>) target_semaphore(%arg11 : memref<!tpu.dma_semaphore, #tpu.memory_space<semaphore_mem>>)
        %dma_start3A_206 = tpu.memref_slice %arg3[%add3A_203] : memref<16777216xf32, #tpu.memory_space<hbm>> -> memref<16384xf32, #tpu.memory_space<hbm>>
        %dma_start3A_207 = tpu.memref_slice %arg3[%add3A_203] : memref<16777216xf32, #tpu.memory_space<hbm>> -> memref<16384xf32, #tpu.memory_space<hbm>>
        tpu.enqueue_dma source(%dma_start3A_207 : memref<16384xf32, #tpu.memory_space<hbm>>) target(%arg8 : memref<16384xf32, #tpu.memory_space<vmem>>) target_semaphore(%arg11 : memref<!tpu.dma_semaphore, #tpu.memory_space<semaphore_mem>>)
      } else {
      }
      %dma_wait3A = arith.constant 0 : i32
      %dma_wait3A_166 = tpu.memref_slice %arg2[%dma_wait3A] : memref<16777216xf32, #tpu.memory_space<hbm>> -> memref<16384xf32, #tpu.memory_space<hbm>>
      %dma_wait3A_167 = arith.constant 0 : i32
      %dma_wait3A_168 = tpu.memref_slice %arg2[%dma_wait3A_167] : memref<16777216xf32, #tpu.memory_space<hbm>> -> memref<16384xf32, #tpu.memory_space<hbm>>
      tpu.wait_dma2 semaphore(%arg10 : memref<!tpu.dma_semaphore, #tpu.memory_space<semaphore_mem>>) src(%dma_wait3A_168 : memref<16384xf32, #tpu.memory_space<hbm>>) dst(%arg5 : memref<16384xf32, #tpu.memory_space<vmem>>)
      %dma_wait3A_169 = arith.constant 0 : i32
      %dma_wait3A_170 = tpu.memref_slice %arg3[%dma_wait3A_169] : memref<16777216xf32, #tpu.memory_space<hbm>> -> memref<16384xf32, #tpu.memory_space<hbm>>
      %dma_wait3A_171 = arith.constant 0 : i32
      %dma_wait3A_172 = tpu.memref_slice %arg3[%dma_wait3A_171] : memref<16777216xf32, #tpu.memory_space<hbm>> -> memref<16384xf32, #tpu.memory_space<hbm>>
      tpu.wait_dma2 semaphore(%arg10 : memref<!tpu.dma_semaphore, #tpu.memory_space<semaphore_mem>>) src(%dma_wait3A_172 : memref<16384xf32, #tpu.memory_space<hbm>>) dst(%arg7 : memref<16384xf32, #tpu.memory_space<vmem>>)
      %parallel_loop3A = arith.constant 0 : i32
      %parallel_loop3A_173 = arith.constant 16384 : i32
      %parallel_loop3A_174 = arith.constant 32 : i32
      %parallel_loop3A_175:27 = scf.for %parallel_loop3A_199 = %parallel_loop3A to %parallel_loop3A_173 step %parallel_loop3A_174 iter_args(%parallel_loop3A_200 = %scan3A_131, %parallel_loop3A_201 = %scan3A_132, %parallel_loop3A_202 = %scan3A_133, %parallel_loop3A_203 = %scan3A_134, %parallel_loop3A_204 = %scan3A_135, %parallel_loop3A_205 = %scan3A_136, %parallel_loop3A_206 = %scan3A_137, %parallel_loop3A_207 = %scan3A_138, %parallel_loop3A_208 = %scan3A_139, %parallel_loop3A_209 = %scan3A_140, %parallel_loop3A_210 = %scan3A_141, %parallel_loop3A_211 = %scan3A_142, %parallel_loop3A_212 = %scan3A_143, %parallel_loop3A_213 = %scan3A_144, %parallel_loop3A_214 = %scan3A_145, %parallel_loop3A_215 = %scan3A_146, %parallel_loop3A_216 = %scan3A_147, %parallel_loop3A_217 = %scan3A_148, %parallel_loop3A_218 = %scan3A_149, %parallel_loop3A_219 = %scan3A_150, %parallel_loop3A_220 = %scan3A_151, %parallel_loop3A_221 = %scan3A_152, %parallel_loop3A_222 = %scan3A_153, %parallel_loop3A_223 = %scan3A_154, %parallel_loop3A_224 = %scan3A_155, %parallel_loop3A_225 = %scan3A_156, %parallel_loop3A_226 = %scan3A_157) -> (vector<16xf32>, vector<16xf32>, vector<16xf32>, vector<16xf32>, vector<16xf32>, vector<16xf32>, vector<16xf32>, vector<16xf32>, vector<16xf32>, vector<16xf32>, vector<16xf32>, vector<16xf32>, vector<16xf32>, vector<16xf32>, vector<16xf32>, vector<16xf32>, vector<16xf32>, vector<16xf32>, vector<16xf32>, vector<16xf32>, vector<16xf32>, vector<16xf32>, vector<16xf32>, vector<16xf32>, vector<16xf32>, vector<16xf32>, vector<16xf32>)  : i32 {
        %parallel_loop3A_227 = arith.constant 0 : i32
        %parallel_loop3A_228 = arith.addi %parallel_loop3A_199, %parallel_loop3A_227 : i32
        %parallel_loop3A_229 = arith.index_cast %parallel_loop3A_228 : i32 to index
        %parallel_loop3A_230 = tpu.vector_load %arg5[%parallel_loop3A_229] {strides = array<i32>} : memref<16384xf32, #tpu.memory_space<vmem>>, vector<16xf32>,
        %parallel_loop3A_231 = vector.shape_cast %parallel_loop3A_230 : vector<16xf32> to vector<16xf32>
        %parallel_loop3A_232 = arith.index_cast %parallel_loop3A_228 : i32 to index
        %parallel_loop3A_233 = tpu.vector_load %arg7[%parallel_loop3A_232] {strides = array<i32>} : memref<16384xf32, #tpu.memory_space<vmem>>, vector<16xf32>,
        %parallel_loop3A_234 = vector.shape_cast %parallel_loop3A_233 : vector<16xf32> to vector<16xf32>
        %parallel_loop3A_235 = arith.subf %parallel_loop3A_231, %parallel_loop3A_234 : vector<16xf32>
        %parallel_loop3A_236 = arith.mulf %parallel_loop3A_235, %parallel_loop3A_235 : vector<16xf32>
        %parallel_loop3A_237 = arith.constant 1.000000e-01 : f32
        %parallel_loop3A_238 = vector.broadcast %parallel_loop3A_237 : f32 to vector<16xf32>
        %parallel_loop3A_239 = arith.cmpf ogt, %parallel_loop3A_234, %parallel_loop3A_238 : vector<16xf32>
        %parallel_loop3A_240 = arith.constant 1.000000e+00 : f32
        %parallel_loop3A_241 = arith.constant 0.000000e+00 : f32
        %parallel_loop3A_242 = vector.broadcast %parallel_loop3A_240 : f32 to vector<16xf32>
        %parallel_loop3A_243 = vector.broadcast %parallel_loop3A_241 : f32 to vector<16xf32>
        %parallel_loop3A_244 = arith.select %parallel_loop3A_239, %parallel_loop3A_242, %parallel_loop3A_243 : vector<16xi1>, vector<16xf32>
        %parallel_loop3A_245 = arith.addf %parallel_loop3A_200, %parallel_loop3A_244 : vector<16xf32>
        %parallel_loop3A_246 = arith.constant 0.000000e+00 : f32
        %parallel_loop3A_247 = vector.broadcast %parallel_loop3A_246 : f32 to vector<16xf32>
        %parallel_loop3A_248 = arith.select %parallel_loop3A_239, %parallel_loop3A_236, %parallel_loop3A_247 : vector<16xi1>, vector<16xf32>
        %parallel_loop3A_249 = arith.addf %parallel_loop3A_209, %parallel_loop3A_248 : vector<16xf32>
        %parallel_loop3A_250 = arith.constant 2.000000e-01 : f32
        %parallel_loop3A_251 = vector.broadcast %parallel_loop3A_250 : f32 to vector<16xf32>
        %parallel_loop3A_252 = arith.cmpf ogt, %parallel_loop3A_234, %parallel_loop3A_251 : vector<16xf32>
        %parallel_loop3A_253 = arith.constant 1.000000e+00 : f32
        %parallel_loop3A_254 = arith.constant 0.000000e+00 : f32
        %parallel_loop3A_255 = vector.broadcast %parallel_loop3A_253 : f32 to vector<16xf32>
        %parallel_loop3A_256 = vector.broadcast %parallel_loop3A_254 : f32 to vector<16xf32>
        %parallel_loop3A_257 = arith.select %parallel_loop3A_252, %parallel_loop3A_255, %parallel_loop3A_256 : vector<16xi1>, vector<16xf32>
        %parallel_loop3A_258 = arith.addf %parallel_loop3A_201, %parallel_loop3A_257 : vector<16xf32>
        %parallel_loop3A_259 = arith.constant 0.000000e+00 : f32
        %parallel_loop3A_260 = vector.broadcast %parallel_loop3A_259 : f32 to vector<16xf32>
        %parallel_loop3A_261 = arith.select %parallel_loop3A_252, %parallel_loop3A_236, %parallel_loop3A_260 : vector<16xi1>, vector<16xf32>
        %parallel_loop3A_262 = arith.addf %parallel_loop3A_210, %parallel_loop3A_261 : vector<16xf32>
        %parallel_loop3A_263 = arith.constant 3.000000e-01 : f32
        %parallel_loop3A_264 = vector.broadcast %parallel_loop3A_263 : f32 to vector<16xf32>
        %parallel_loop3A_265 = arith.cmpf ogt, %parallel_loop3A_234, %parallel_loop3A_264 : vector<16xf32>
        %parallel_loop3A_266 = arith.constant 1.000000e+00 : f32
        %parallel_loop3A_267 = arith.constant 0.000000e+00 : f32
        %parallel_loop3A_268 = vector.broadcast %parallel_loop3A_266 : f32 to vector<16xf32>
        %parallel_loop3A_269 = vector.broadcast %parallel_loop3A_267 : f32 to vector<16xf32>
        %parallel_loop3A_270 = arith.select %parallel_loop3A_265, %parallel_loop3A_268, %parallel_loop3A_269 : vector<16xi1>, vector<16xf32>
        %parallel_loop3A_271 = arith.addf %parallel_loop3A_202, %parallel_loop3A_270 : vector<16xf32>
        %parallel_loop3A_272 = arith.constant 0.000000e+00 : f32
        %parallel_loop3A_273 = vector.broadcast %parallel_loop3A_272 : f32 to vector<16xf32>
        %parallel_loop3A_274 = arith.select %parallel_loop3A_265, %parallel_loop3A_236, %parallel_loop3A_273 : vector<16xi1>, vector<16xf32>
        %parallel_loop3A_275 = arith.addf %parallel_loop3A_211, %parallel_loop3A_274 : vector<16xf32>
        %parallel_loop3A_276 = arith.constant 4.000000e-01 : f32
        %parallel_loop3A_277 = vector.broadcast %parallel_loop3A_276 : f32 to vector<16xf32>
        %parallel_loop3A_278 = arith.cmpf ogt, %parallel_loop3A_234, %parallel_loop3A_277 : vector<16xf32>
        %parallel_loop3A_279 = arith.constant 1.000000e+00 : f32
        %parallel_loop3A_280 = arith.constant 0.000000e+00 : f32
        %parallel_loop3A_281 = vector.broadcast %parallel_loop3A_279 : f32 to vector<16xf32>
        %parallel_loop3A_282 = vector.broadcast %parallel_loop3A_280 : f32 to vector<16xf32>
        %parallel_loop3A_283 = arith.select %parallel_loop3A_278, %parallel_loop3A_281, %parallel_loop3A_282 : vector<16xi1>, vector<16xf32>
        %parallel_loop3A_284 = arith.addf %parallel_loop3A_203, %parallel_loop3A_283 : vector<16xf32>
        %parallel_loop3A_285 = arith.constant 0.000000e+00 : f32
        %parallel_loop3A_286 = vector.broadcast %parallel_loop3A_285 : f32 to vector<16xf32>
        %parallel_loop3A_287 = arith.select %parallel_loop3A_278, %parallel_loop3A_236, %parallel_loop3A_286 : vector<16xi1>, vector<16xf32>
        %parallel_loop3A_288 = arith.addf %parallel_loop3A_212, %parallel_loop3A_287 : vector<16xf32>
        %parallel_loop3A_289 = arith.constant 5.000000e-01 : f32
        %parallel_loop3A_290 = vector.broadcast %parallel_loop3A_289 : f32 to vector<16xf32>
        %parallel_loop3A_291 = arith.cmpf ogt, %parallel_loop3A_234, %parallel_loop3A_290 : vector<16xf32>
        %parallel_loop3A_292 = arith.constant 1.000000e+00 : f32
        %parallel_loop3A_293 = arith.constant 0.000000e+00 : f32
        %parallel_loop3A_294 = vector.broadcast %parallel_loop3A_292 : f32 to vector<16xf32>
        %parallel_loop3A_295 = vector.broadcast %parallel_loop3A_293 : f32 to vector<16xf32>
        %parallel_loop3A_296 = arith.select %parallel_loop3A_291, %parallel_loop3A_294, %parallel_loop3A_295 : vector<16xi1>, vector<16xf32>
        %parallel_loop3A_297 = arith.addf %parallel_loop3A_204, %parallel_loop3A_296 : vector<16xf32>
        %parallel_loop3A_298 = arith.constant 0.000000e+00 : f32
        %parallel_loop3A_299 = vector.broadcast %parallel_loop3A_298 : f32 to vector<16xf32>
        %parallel_loop3A_300 = arith.select %parallel_loop3A_291, %parallel_loop3A_236, %parallel_loop3A_299 : vector<16xi1>, vector<16xf32>
        %parallel_loop3A_301 = arith.addf %parallel_loop3A_213, %parallel_loop3A_300 : vector<16xf32>
        %parallel_loop3A_302 = arith.constant 6.000000e-01 : f32
        %parallel_loop3A_303 = vector.broadcast %parallel_loop3A_302 : f32 to vector<16xf32>
        %parallel_loop3A_304 = arith.cmpf ogt, %parallel_loop3A_234, %parallel_loop3A_303 : vector<16xf32>
        %parallel_loop3A_305 = arith.constant 1.000000e+00 : f32
        %parallel_loop3A_306 = arith.constant 0.000000e+00 : f32
        %parallel_loop3A_307 = vector.broadcast %parallel_loop3A_305 : f32 to vector<16xf32>
        %parallel_loop3A_308 = vector.broadcast %parallel_loop3A_306 : f32 to vector<16xf32>
        %parallel_loop3A_309 = arith.select %parallel_loop3A_304, %parallel_loop3A_307, %parallel_loop3A_308 : vector<16xi1>, vector<16xf32>
        %parallel_loop3A_310 = arith.addf %parallel_loop3A_205, %parallel_loop3A_309 : vector<16xf32>
        %parallel_loop3A_311 = arith.constant 0.000000e+00 : f32
        %parallel_loop3A_312 = vector.broadcast %parallel_loop3A_311 : f32 to vector<16xf32>
        %parallel_loop3A_313 = arith.select %parallel_loop3A_304, %parallel_loop3A_236, %parallel_loop3A_312 : vector<16xi1>, vector<16xf32>
        %parallel_loop3A_314 = arith.addf %parallel_loop3A_214, %parallel_loop3A_313 : vector<16xf32>
        %parallel_loop3A_315 = arith.constant 0.699999988 : f32
        %parallel_loop3A_316 = vector.broadcast %parallel_loop3A_315 : f32 to vector<16xf32>
        %parallel_loop3A_317 = arith.cmpf ogt, %parallel_loop3A_234, %parallel_loop3A_316 : vector<16xf32>
        %parallel_loop3A_318 = arith.constant 1.000000e+00 : f32
        %parallel_loop3A_319 = arith.constant 0.000000e+00 : f32
        %parallel_loop3A_320 = vector.broadcast %parallel_loop3A_318 : f32 to vector<16xf32>
        %parallel_loop3A_321 = vector.broadcast %parallel_loop3A_319 : f32 to vector<16xf32>
        %parallel_loop3A_322 = arith.select %parallel_loop3A_317, %parallel_loop3A_320, %parallel_loop3A_321 : vector<16xi1>, vector<16xf32>
        %parallel_loop3A_323 = arith.addf %parallel_loop3A_206, %parallel_loop3A_322 : vector<16xf32>
        %parallel_loop3A_324 = arith.constant 0.000000e+00 : f32
        %parallel_loop3A_325 = vector.broadcast %parallel_loop3A_324 : f32 to vector<16xf32>
        %parallel_loop3A_326 = arith.select %parallel_loop3A_317, %parallel_loop3A_236, %parallel_loop3A_325 : vector<16xi1>, vector<16xf32>
        %parallel_loop3A_327 = arith.addf %parallel_loop3A_215, %parallel_loop3A_326 : vector<16xf32>
        %parallel_loop3A_328 = arith.constant 8.000000e-01 : f32
        %parallel_loop3A_329 = vector.broadcast %parallel_loop3A_328 : f32 to vector<16xf32>
        %parallel_loop3A_330 = arith.cmpf ogt, %parallel_loop3A_234, %parallel_loop3A_329 : vector<16xf32>
        %parallel_loop3A_331 = arith.constant 1.000000e+00 : f32
        %parallel_loop3A_332 = arith.constant 0.000000e+00 : f32
        %parallel_loop3A_333 = vector.broadcast %parallel_loop3A_331 : f32 to vector<16xf32>
        %parallel_loop3A_334 = vector.broadcast %parallel_loop3A_332 : f32 to vector<16xf32>
        %parallel_loop3A_335 = arith.select %parallel_loop3A_330, %parallel_loop3A_333, %parallel_loop3A_334 : vector<16xi1>, vector<16xf32>
        %parallel_loop3A_336 = arith.addf %parallel_loop3A_207, %parallel_loop3A_335 : vector<16xf32>
        %parallel_loop3A_337 = arith.constant 0.000000e+00 : f32
        %parallel_loop3A_338 = vector.broadcast %parallel_loop3A_337 : f32 to vector<16xf32>
        %parallel_loop3A_339 = arith.select %parallel_loop3A_330, %parallel_loop3A_236, %parallel_loop3A_338 : vector<16xi1>, vector<16xf32>
        %parallel_loop3A_340 = arith.addf %parallel_loop3A_216, %parallel_loop3A_339 : vector<16xf32>
        %parallel_loop3A_341 = arith.constant 0.900000035 : f32
        %parallel_loop3A_342 = vector.broadcast %parallel_loop3A_341 : f32 to vector<16xf32>
        %parallel_loop3A_343 = arith.cmpf ogt, %parallel_loop3A_234, %parallel_loop3A_342 : vector<16xf32>
        %parallel_loop3A_344 = arith.constant 1.000000e+00 : f32
        %parallel_loop3A_345 = arith.constant 0.000000e+00 : f32
        %parallel_loop3A_346 = vector.broadcast %parallel_loop3A_344 : f32 to vector<16xf32>
        %parallel_loop3A_347 = vector.broadcast %parallel_loop3A_345 : f32 to vector<16xf32>
        %parallel_loop3A_348 = arith.select %parallel_loop3A_343, %parallel_loop3A_346, %parallel_loop3A_347 : vector<16xi1>, vector<16xf32>
        %parallel_loop3A_349 = arith.addf %parallel_loop3A_208, %parallel_loop3A_348 : vector<16xf32>
        %parallel_loop3A_350 = arith.constant 0.000000e+00 : f32
        %parallel_loop3A_351 = vector.broadcast %parallel_loop3A_350 : f32 to vector<16xf32>
        %parallel_loop3A_352 = arith.select %parallel_loop3A_343, %parallel_loop3A_236, %parallel_loop3A_351 : vector<16xi1>, vector<16xf32>
        %parallel_loop3A_353 = arith.addf %parallel_loop3A_217, %parallel_loop3A_352 : vector<16xf32>
        %parallel_loop3A_354 = arith.addf %parallel_loop3A_218, %parallel_loop3A_236 : vector<16xf32>
        %parallel_loop3A_355 = arith.addf %parallel_loop3A_219, %parallel_loop3A_231 : vector<16xf32>
        %parallel_loop3A_356 = arith.addf %parallel_loop3A_221, %parallel_loop3A_234 : vector<16xf32>
        %parallel_loop3A_357 = arith.mulf %parallel_loop3A_231, %parallel_loop3A_231 : vector<16xf32>
        %parallel_loop3A_358 = arith.addf %parallel_loop3A_220, %parallel_loop3A_357 : vector<16xf32>
        %parallel_loop3A_359 = arith.mulf %parallel_loop3A_234, %parallel_loop3A_234 : vector<16xf32>
        %parallel_loop3A_360 = arith.addf %parallel_loop3A_222, %parallel_loop3A_359 : vector<16xf32>
        %parallel_loop3A_361 = arith.minimumf %parallel_loop3A_223, %parallel_loop3A_231 : vector<16xf32>
        %parallel_loop3A_362 = arith.maximumf %parallel_loop3A_224, %parallel_loop3A_231 : vector<16xf32>
        %parallel_loop3A_363 = arith.minimumf %parallel_loop3A_225, %parallel_loop3A_234 : vector<16xf32>
        %parallel_loop3A_364 = arith.maximumf %parallel_loop3A_226, %parallel_loop3A_234 : vector<16xf32>
        %parallel_loop3A_365 = arith.constant 16 : i32
        %parallel_loop3A_366 = arith.addi %parallel_loop3A_199, %parallel_loop3A_365 : i32
        %parallel_loop3A_367 = arith.index_cast %parallel_loop3A_366 : i32 to index
        %parallel_loop3A_368 = tpu.vector_load %arg5[%parallel_loop3A_367] {strides = array<i32>} : memref<16384xf32, #tpu.memory_space<vmem>>, vector<16xf32>,
        %parallel_loop3A_369 = vector.shape_cast %parallel_loop3A_368 : vector<16xf32> to vector<16xf32>
        %parallel_loop3A_370 = arith.index_cast %parallel_loop3A_366 : i32 to index
        %parallel_loop3A_371 = tpu.vector_load %arg7[%parallel_loop3A_370] {strides = array<i32>} : memref<16384xf32, #tpu.memory_space<vmem>>, vector<16xf32>,
        %parallel_loop3A_372 = vector.shape_cast %parallel_loop3A_371 : vector<16xf32> to vector<16xf32>
        %parallel_loop3A_373 = arith.subf %parallel_loop3A_369, %parallel_loop3A_372 : vector<16xf32>
        %parallel_loop3A_374 = arith.mulf %parallel_loop3A_373, %parallel_loop3A_373 : vector<16xf32>
        %parallel_loop3A_375 = arith.constant 1.000000e-01 : f32
        %parallel_loop3A_376 = vector.broadcast %parallel_loop3A_375 : f32 to vector<16xf32>
        %parallel_loop3A_377 = arith.cmpf ogt, %parallel_loop3A_372, %parallel_loop3A_376 : vector<16xf32>
        %parallel_loop3A_378 = arith.constant 1.000000e+00 : f32
        %parallel_loop3A_379 = arith.constant 0.000000e+00 : f32
        %parallel_loop3A_380 = vector.broadcast %parallel_loop3A_378 : f32 to vector<16xf32>
        %parallel_loop3A_381 = vector.broadcast %parallel_loop3A_379 : f32 to vector<16xf32>
        %parallel_loop3A_382 = arith.select %parallel_loop3A_377, %parallel_loop3A_380, %parallel_loop3A_381 : vector<16xi1>, vector<16xf32>
        %parallel_loop3A_383 = arith.addf %parallel_loop3A_245, %parallel_loop3A_382 : vector<16xf32>
        %parallel_loop3A_384 = arith.constant 0.000000e+00 : f32
        %parallel_loop3A_385 = vector.broadcast %parallel_loop3A_384 : f32 to vector<16xf32>
        %parallel_loop3A_386 = arith.select %parallel_loop3A_377, %parallel_loop3A_374, %parallel_loop3A_385 : vector<16xi1>, vector<16xf32>
        %parallel_loop3A_387 = arith.addf %parallel_loop3A_249, %parallel_loop3A_386 : vector<16xf32>
        %parallel_loop3A_388 = arith.constant 2.000000e-01 : f32
        %parallel_loop3A_389 = vector.broadcast %parallel_loop3A_388 : f32 to vector<16xf32>
        %parallel_loop3A_390 = arith.cmpf ogt, %parallel_loop3A_372, %parallel_loop3A_389 : vector<16xf32>
        %parallel_loop3A_391 = arith.constant 1.000000e+00 : f32
        %parallel_loop3A_392 = arith.constant 0.000000e+00 : f32
        %parallel_loop3A_393 = vector.broadcast %parallel_loop3A_391 : f32 to vector<16xf32>
        %parallel_loop3A_394 = vector.broadcast %parallel_loop3A_392 : f32 to vector<16xf32>
        %parallel_loop3A_395 = arith.select %parallel_loop3A_390, %parallel_loop3A_393, %parallel_loop3A_394 : vector<16xi1>, vector<16xf32>
        %parallel_loop3A_396 = arith.addf %parallel_loop3A_258, %parallel_loop3A_395 : vector<16xf32>
        %parallel_loop3A_397 = arith.constant 0.000000e+00 : f32
        %parallel_loop3A_398 = vector.broadcast %parallel_loop3A_397 : f32 to vector<16xf32>
        %parallel_loop3A_399 = arith.select %parallel_loop3A_390, %parallel_loop3A_374, %parallel_loop3A_398 : vector<16xi1>, vector<16xf32>
        %parallel_loop3A_400 = arith.addf %parallel_loop3A_262, %parallel_loop3A_399 : vector<16xf32>
        %parallel_loop3A_401 = arith.constant 3.000000e-01 : f32
        %parallel_loop3A_402 = vector.broadcast %parallel_loop3A_401 : f32 to vector<16xf32>
        %parallel_loop3A_403 = arith.cmpf ogt, %parallel_loop3A_372, %parallel_loop3A_402 : vector<16xf32>
        %parallel_loop3A_404 = arith.constant 1.000000e+00 : f32
        %parallel_loop3A_405 = arith.constant 0.000000e+00 : f32
        %parallel_loop3A_406 = vector.broadcast %parallel_loop3A_404 : f32 to vector<16xf32>
        %parallel_loop3A_407 = vector.broadcast %parallel_loop3A_405 : f32 to vector<16xf32>
        %parallel_loop3A_408 = arith.select %parallel_loop3A_403, %parallel_loop3A_406, %parallel_loop3A_407 : vector<16xi1>, vector<16xf32>
        %parallel_loop3A_409 = arith.addf %parallel_loop3A_271, %parallel_loop3A_408 : vector<16xf32>
        %parallel_loop3A_410 = arith.constant 0.000000e+00 : f32
        %parallel_loop3A_411 = vector.broadcast %parallel_loop3A_410 : f32 to vector<16xf32>
        %parallel_loop3A_412 = arith.select %parallel_loop3A_403, %parallel_loop3A_374, %parallel_loop3A_411 : vector<16xi1>, vector<16xf32>
        %parallel_loop3A_413 = arith.addf %parallel_loop3A_275, %parallel_loop3A_412 : vector<16xf32>
        %parallel_loop3A_414 = arith.constant 4.000000e-01 : f32
        %parallel_loop3A_415 = vector.broadcast %parallel_loop3A_414 : f32 to vector<16xf32>
        %parallel_loop3A_416 = arith.cmpf ogt, %parallel_loop3A_372, %parallel_loop3A_415 : vector<16xf32>
        %parallel_loop3A_417 = arith.constant 1.000000e+00 : f32
        %parallel_loop3A_418 = arith.constant 0.000000e+00 : f32
        %parallel_loop3A_419 = vector.broadcast %parallel_loop3A_417 : f32 to vector<16xf32>
        %parallel_loop3A_420 = vector.broadcast %parallel_loop3A_418 : f32 to vector<16xf32>
        %parallel_loop3A_421 = arith.select %parallel_loop3A_416, %parallel_loop3A_419, %parallel_loop3A_420 : vector<16xi1>, vector<16xf32>
        %parallel_loop3A_422 = arith.addf %parallel_loop3A_284, %parallel_loop3A_421 : vector<16xf32>
        %parallel_loop3A_423 = arith.constant 0.000000e+00 : f32
        %parallel_loop3A_424 = vector.broadcast %parallel_loop3A_423 : f32 to vector<16xf32>
        %parallel_loop3A_425 = arith.select %parallel_loop3A_416, %parallel_loop3A_374, %parallel_loop3A_424 : vector<16xi1>, vector<16xf32>
        %parallel_loop3A_426 = arith.addf %parallel_loop3A_288, %parallel_loop3A_425 : vector<16xf32>
        %parallel_loop3A_427 = arith.constant 5.000000e-01 : f32
        %parallel_loop3A_428 = vector.broadcast %parallel_loop3A_427 : f32 to vector<16xf32>
        %parallel_loop3A_429 = arith.cmpf ogt, %parallel_loop3A_372, %parallel_loop3A_428 : vector<16xf32>
        %parallel_loop3A_430 = arith.constant 1.000000e+00 : f32
        %parallel_loop3A_431 = arith.constant 0.000000e+00 : f32
        %parallel_loop3A_432 = vector.broadcast %parallel_loop3A_430 : f32 to vector<16xf32>
        %parallel_loop3A_433 = vector.broadcast %parallel_loop3A_431 : f32 to vector<16xf32>
        %parallel_loop3A_434 = arith.select %parallel_loop3A_429, %parallel_loop3A_432, %parallel_loop3A_433 : vector<16xi1>, vector<16xf32>
        %parallel_loop3A_435 = arith.addf %parallel_loop3A_297, %parallel_loop3A_434 : vector<16xf32>
        %parallel_loop3A_436 = arith.constant 0.000000e+00 : f32
        %parallel_loop3A_437 = vector.broadcast %parallel_loop3A_436 : f32 to vector<16xf32>
        %parallel_loop3A_438 = arith.select %parallel_loop3A_429, %parallel_loop3A_374, %parallel_loop3A_437 : vector<16xi1>, vector<16xf32>
        %parallel_loop3A_439 = arith.addf %parallel_loop3A_301, %parallel_loop3A_438 : vector<16xf32>
        %parallel_loop3A_440 = arith.constant 6.000000e-01 : f32
        %parallel_loop3A_441 = vector.broadcast %parallel_loop3A_440 : f32 to vector<16xf32>
        %parallel_loop3A_442 = arith.cmpf ogt, %parallel_loop3A_372, %parallel_loop3A_441 : vector<16xf32>
        %parallel_loop3A_443 = arith.constant 1.000000e+00 : f32
        %parallel_loop3A_444 = arith.constant 0.000000e+00 : f32
        %parallel_loop3A_445 = vector.broadcast %parallel_loop3A_443 : f32 to vector<16xf32>
        %parallel_loop3A_446 = vector.broadcast %parallel_loop3A_444 : f32 to vector<16xf32>
        %parallel_loop3A_447 = arith.select %parallel_loop3A_442, %parallel_loop3A_445, %parallel_loop3A_446 : vector<16xi1>, vector<16xf32>
        %parallel_loop3A_448 = arith.addf %parallel_loop3A_310, %parallel_loop3A_447 : vector<16xf32>
        %parallel_loop3A_449 = arith.constant 0.000000e+00 : f32
        %parallel_loop3A_450 = vector.broadcast %parallel_loop3A_449 : f32 to vector<16xf32>
        %parallel_loop3A_451 = arith.select %parallel_loop3A_442, %parallel_loop3A_374, %parallel_loop3A_450 : vector<16xi1>, vector<16xf32>
        %parallel_loop3A_452 = arith.addf %parallel_loop3A_314, %parallel_loop3A_451 : vector<16xf32>
        %parallel_loop3A_453 = arith.constant 0.699999988 : f32
        %parallel_loop3A_454 = vector.broadcast %parallel_loop3A_453 : f32 to vector<16xf32>
        %parallel_loop3A_455 = arith.cmpf ogt, %parallel_loop3A_372, %parallel_loop3A_454 : vector<16xf32>
        %parallel_loop3A_456 = arith.constant 1.000000e+00 : f32
        %parallel_loop3A_457 = arith.constant 0.000000e+00 : f32
        %parallel_loop3A_458 = vector.broadcast %parallel_loop3A_456 : f32 to vector<16xf32>
        %parallel_loop3A_459 = vector.broadcast %parallel_loop3A_457 : f32 to vector<16xf32>
        %parallel_loop3A_460 = arith.select %parallel_loop3A_455, %parallel_loop3A_458, %parallel_loop3A_459 : vector<16xi1>, vector<16xf32>
        %parallel_loop3A_461 = arith.addf %parallel_loop3A_323, %parallel_loop3A_460 : vector<16xf32>
        %parallel_loop3A_462 = arith.constant 0.000000e+00 : f32
        %parallel_loop3A_463 = vector.broadcast %parallel_loop3A_462 : f32 to vector<16xf32>
        %parallel_loop3A_464 = arith.select %parallel_loop3A_455, %parallel_loop3A_374, %parallel_loop3A_463 : vector<16xi1>, vector<16xf32>
        %parallel_loop3A_465 = arith.addf %parallel_loop3A_327, %parallel_loop3A_464 : vector<16xf32>
        %parallel_loop3A_466 = arith.constant 8.000000e-01 : f32
        %parallel_loop3A_467 = vector.broadcast %parallel_loop3A_466 : f32 to vector<16xf32>
        %parallel_loop3A_468 = arith.cmpf ogt, %parallel_loop3A_372, %parallel_loop3A_467 : vector<16xf32>
        %parallel_loop3A_469 = arith.constant 1.000000e+00 : f32
        %parallel_loop3A_470 = arith.constant 0.000000e+00 : f32
        %parallel_loop3A_471 = vector.broadcast %parallel_loop3A_469 : f32 to vector<16xf32>
        %parallel_loop3A_472 = vector.broadcast %parallel_loop3A_470 : f32 to vector<16xf32>
        %parallel_loop3A_473 = arith.select %parallel_loop3A_468, %parallel_loop3A_471, %parallel_loop3A_472 : vector<16xi1>, vector<16xf32>
        %parallel_loop3A_474 = arith.addf %parallel_loop3A_336, %parallel_loop3A_473 : vector<16xf32>
        %parallel_loop3A_475 = arith.constant 0.000000e+00 : f32
        %parallel_loop3A_476 = vector.broadcast %parallel_loop3A_475 : f32 to vector<16xf32>
        %parallel_loop3A_477 = arith.select %parallel_loop3A_468, %parallel_loop3A_374, %parallel_loop3A_476 : vector<16xi1>, vector<16xf32>
        %parallel_loop3A_478 = arith.addf %parallel_loop3A_340, %parallel_loop3A_477 : vector<16xf32>
        %parallel_loop3A_479 = arith.constant 0.900000035 : f32
        %parallel_loop3A_480 = vector.broadcast %parallel_loop3A_479 : f32 to vector<16xf32>
        %parallel_loop3A_481 = arith.cmpf ogt, %parallel_loop3A_372, %parallel_loop3A_480 : vector<16xf32>
        %parallel_loop3A_482 = arith.constant 1.000000e+00 : f32
        %parallel_loop3A_483 = arith.constant 0.000000e+00 : f32
        %parallel_loop3A_484 = vector.broadcast %parallel_loop3A_482 : f32 to vector<16xf32>
        %parallel_loop3A_485 = vector.broadcast %parallel_loop3A_483 : f32 to vector<16xf32>
        %parallel_loop3A_486 = arith.select %parallel_loop3A_481, %parallel_loop3A_484, %parallel_loop3A_485 : vector<16xi1>, vector<16xf32>
        %parallel_loop3A_487 = arith.addf %parallel_loop3A_349, %parallel_loop3A_486 : vector<16xf32>
        %parallel_loop3A_488 = arith.constant 0.000000e+00 : f32
        %parallel_loop3A_489 = vector.broadcast %parallel_loop3A_488 : f32 to vector<16xf32>
        %parallel_loop3A_490 = arith.select %parallel_loop3A_481, %parallel_loop3A_374, %parallel_loop3A_489 : vector<16xi1>, vector<16xf32>
        %parallel_loop3A_491 = arith.addf %parallel_loop3A_353, %parallel_loop3A_490 : vector<16xf32>
        %parallel_loop3A_492 = arith.addf %parallel_loop3A_354, %parallel_loop3A_374 : vector<16xf32>
        %parallel_loop3A_493 = arith.addf %parallel_loop3A_355, %parallel_loop3A_369 : vector<16xf32>
        %parallel_loop3A_494 = arith.addf %parallel_loop3A_356, %parallel_loop3A_372 : vector<16xf32>
        %parallel_loop3A_495 = arith.mulf %parallel_loop3A_369, %parallel_loop3A_369 : vector<16xf32>
        %parallel_loop3A_496 = arith.addf %parallel_loop3A_358, %parallel_loop3A_495 : vector<16xf32>
        %parallel_loop3A_497 = arith.mulf %parallel_loop3A_372, %parallel_loop3A_372 : vector<16xf32>
        %parallel_loop3A_498 = arith.addf %parallel_loop3A_360, %parallel_loop3A_497 : vector<16xf32>
        %parallel_loop3A_499 = arith.minimumf %parallel_loop3A_361, %parallel_loop3A_369 : vector<16xf32>
        %parallel_loop3A_500 = arith.maximumf %parallel_loop3A_362, %parallel_loop3A_369 : vector<16xf32>
        %parallel_loop3A_501 = arith.minimumf %parallel_loop3A_363, %parallel_loop3A_372 : vector<16xf32>
        %parallel_loop3A_502 = arith.maximumf %parallel_loop3A_364, %parallel_loop3A_372 : vector<16xf32>
        scf.yield %parallel_loop3A_383, %parallel_loop3A_396, %parallel_loop3A_409, %parallel_loop3A_422, %parallel_loop3A_435, %parallel_loop3A_448, %parallel_loop3A_461, %parallel_loop3A_474, %parallel_loop3A_487, %parallel_loop3A_387, %parallel_loop3A_400, %parallel_loop3A_413, %parallel_loop3A_426, %parallel_loop3A_439, %parallel_loop3A_452, %parallel_loop3A_465, %parallel_loop3A_478, %parallel_loop3A_491, %parallel_loop3A_492, %parallel_loop3A_493, %parallel_loop3A_496, %parallel_loop3A_494, %parallel_loop3A_498, %parallel_loop3A_499, %parallel_loop3A_500, %parallel_loop3A_501, %parallel_loop3A_502 : vector<16xf32>, vector<16xf32>, vector<16xf32>, vector<16xf32>, vector<16xf32>, vector<16xf32>, vector<16xf32>, vector<16xf32>, vector<16xf32>, vector<16xf32>, vector<16xf32>, vector<16xf32>, vector<16xf32>, vector<16xf32>, vector<16xf32>, vector<16xf32>, vector<16xf32>, vector<16xf32>, vector<16xf32>, vector<16xf32>, vector<16xf32>, vector<16xf32>, vector<16xf32>, vector<16xf32>, vector<16xf32>, vector<16xf32>, vector<16xf32>
      } {sc.loop_unroll_factor = 1 : i64, sc.parallel_access}
      %mul3A_176 = arith.constant 2 : i32
      %mul3A_177 = arith.muli %scan3A_130, %mul3A_176 : i32
      %add3A_178 = arith.constant 1 : i32
      %add3A_179 = arith.addi %mul3A_177, %add3A_178 : i32
      %add3A_180 = arith.constant 1 : i32
      %add3A_181 = arith.addi %add3A_179, %add3A_180 : i32
      %lt3A_182 = arith.constant 8 : i32
      %lt3A_183 = arith.cmpi slt, %add3A_181, %lt3A_182 : i32
      %convert_element_type3A_184 = arith.extui %lt3A_183 : i1 to i32
      %cond3A_185 = arith.constant 0 : i32
      %cond3A_186 = arith.cmpi ne, %convert_element_type3A_184, %cond3A_185 : i32
      scf.if %cond3A_186 {
        %add3A_199 = arith.constant 1 : i32
        %add3A_200 = arith.addi %add3A_179, %add3A_199 : i32
        %mul3A_201 = arith.constant 16384 : i32
        %mul3A_202 = arith.muli %add3A_200, %mul3A_201 : i32
        %add3A_203 = arith.addi %add3A_4, %mul3A_202 : i32
        %dma_start3A_204 = tpu.memref_slice %arg2[%add3A_203] : memref<16777216xf32, #tpu.memory_space<hbm>> -> memref<16384xf32, #tpu.memory_space<hbm>>
        %dma_start3A_205 = tpu.memref_slice %arg2[%add3A_203] : memref<16777216xf32, #tpu.memory_space<hbm>> -> memref<16384xf32, #tpu.memory_space<hbm>>
        tpu.enqueue_dma source(%dma_start3A_205 : memref<16384xf32, #tpu.memory_space<hbm>>) target(%arg5 : memref<16384xf32, #tpu.memory_space<vmem>>) target_semaphore(%arg10 : memref<!tpu.dma_semaphore, #tpu.memory_space<semaphore_mem>>)
        %dma_start3A_206 = tpu.memref_slice %arg3[%add3A_203] : memref<16777216xf32, #tpu.memory_space<hbm>> -> memref<16384xf32, #tpu.memory_space<hbm>>
        %dma_start3A_207 = tpu.memref_slice %arg3[%add3A_203] : memref<16777216xf32, #tpu.memory_space<hbm>> -> memref<16384xf32, #tpu.memory_space<hbm>>
        tpu.enqueue_dma source(%dma_start3A_207 : memref<16384xf32, #tpu.memory_space<hbm>>) target(%arg7 : memref<16384xf32, #tpu.memory_space<vmem>>) target_semaphore(%arg10 : memref<!tpu.dma_semaphore, #tpu.memory_space<semaphore_mem>>)
      } else {
      }
      %dma_wait3A_187 = arith.constant 0 : i32
      %dma_wait3A_188 = tpu.memref_slice %arg2[%dma_wait3A_187] : memref<16777216xf32, #tpu.memory_space<hbm>> -> memref<16384xf32, #tpu.memory_space<hbm>>
      %dma_wait3A_189 = arith.constant 0 : i32
      %dma_wait3A_190 = tpu.memref_slice %arg2[%dma_wait3A_189] : memref<16777216xf32, #tpu.memory_space<hbm>> -> memref<16384xf32, #tpu.memory_space<hbm>>
      tpu.wait_dma2 semaphore(%arg11 : memref<!tpu.dma_semaphore, #tpu.memory_space<semaphore_mem>>) src(%dma_wait3A_190 : memref<16384xf32, #tpu.memory_space<hbm>>) dst(%arg6 : memref<16384xf32, #tpu.memory_space<vmem>>)
      %dma_wait3A_191 = arith.constant 0 : i32
      %dma_wait3A_192 = tpu.memref_slice %arg3[%dma_wait3A_191] : memref<16777216xf32, #tpu.memory_space<hbm>> -> memref<16384xf32, #tpu.memory_space<hbm>>
      %dma_wait3A_193 = arith.constant 0 : i32
      %dma_wait3A_194 = tpu.memref_slice %arg3[%dma_wait3A_193] : memref<16777216xf32, #tpu.memory_space<hbm>> -> memref<16384xf32, #tpu.memory_space<hbm>>
      tpu.wait_dma2 semaphore(%arg11 : memref<!tpu.dma_semaphore, #tpu.memory_space<semaphore_mem>>) src(%dma_wait3A_194 : memref<16384xf32, #tpu.memory_space<hbm>>) dst(%arg8 : memref<16384xf32, #tpu.memory_space<vmem>>)
      %parallel_loop3A_195 = arith.constant 0 : i32
      %parallel_loop3A_196 = arith.constant 16384 : i32
      %parallel_loop3A_197 = arith.constant 32 : i32
      %parallel_loop3A_198:27 = scf.for %parallel_loop3A_199 = %parallel_loop3A_195 to %parallel_loop3A_196 step %parallel_loop3A_197 iter_args(%parallel_loop3A_200 = %parallel_loop3A_175#0, %parallel_loop3A_201 = %parallel_loop3A_175#1, %parallel_loop3A_202 = %parallel_loop3A_175#2, %parallel_loop3A_203 = %parallel_loop3A_175#3, %parallel_loop3A_204 = %parallel_loop3A_175#4, %parallel_loop3A_205 = %parallel_loop3A_175#5, %parallel_loop3A_206 = %parallel_loop3A_175#6, %parallel_loop3A_207 = %parallel_loop3A_175#7, %parallel_loop3A_208 = %parallel_loop3A_175#8, %parallel_loop3A_209 = %parallel_loop3A_175#9, %parallel_loop3A_210 = %parallel_loop3A_175#10, %parallel_loop3A_211 = %parallel_loop3A_175#11, %parallel_loop3A_212 = %parallel_loop3A_175#12, %parallel_loop3A_213 = %parallel_loop3A_175#13, %parallel_loop3A_214 = %parallel_loop3A_175#14, %parallel_loop3A_215 = %parallel_loop3A_175#15, %parallel_loop3A_216 = %parallel_loop3A_175#16, %parallel_loop3A_217 = %parallel_loop3A_175#17, %parallel_loop3A_218 = %parallel_loop3A_175#18, %parallel_loop3A_219 = %parallel_loop3A_175#19, %parallel_loop3A_220 = %parallel_loop3A_175#20, %parallel_loop3A_221 = %parallel_loop3A_175#21, %parallel_loop3A_222 = %parallel_loop3A_175#22, %parallel_loop3A_223 = %parallel_loop3A_175#23, %parallel_loop3A_224 = %parallel_loop3A_175#24, %parallel_loop3A_225 = %parallel_loop3A_175#25, %parallel_loop3A_226 = %parallel_loop3A_175#26) -> (vector<16xf32>, vector<16xf32>, vector<16xf32>, vector<16xf32>, vector<16xf32>, vector<16xf32>, vector<16xf32>, vector<16xf32>, vector<16xf32>, vector<16xf32>, vector<16xf32>, vector<16xf32>, vector<16xf32>, vector<16xf32>, vector<16xf32>, vector<16xf32>, vector<16xf32>, vector<16xf32>, vector<16xf32>, vector<16xf32>, vector<16xf32>, vector<16xf32>, vector<16xf32>, vector<16xf32>, vector<16xf32>, vector<16xf32>, vector<16xf32>)  : i32 {
        %parallel_loop3A_227 = arith.constant 0 : i32
        %parallel_loop3A_228 = arith.addi %parallel_loop3A_199, %parallel_loop3A_227 : i32
        %parallel_loop3A_229 = arith.index_cast %parallel_loop3A_228 : i32 to index
        %parallel_loop3A_230 = tpu.vector_load %arg6[%parallel_loop3A_229] {strides = array<i32>} : memref<16384xf32, #tpu.memory_space<vmem>>, vector<16xf32>,
        %parallel_loop3A_231 = vector.shape_cast %parallel_loop3A_230 : vector<16xf32> to vector<16xf32>
        %parallel_loop3A_232 = arith.index_cast %parallel_loop3A_228 : i32 to index
        %parallel_loop3A_233 = tpu.vector_load %arg8[%parallel_loop3A_232] {strides = array<i32>} : memref<16384xf32, #tpu.memory_space<vmem>>, vector<16xf32>,
        %parallel_loop3A_234 = vector.shape_cast %parallel_loop3A_233 : vector<16xf32> to vector<16xf32>
        %parallel_loop3A_235 = arith.subf %parallel_loop3A_231, %parallel_loop3A_234 : vector<16xf32>
        %parallel_loop3A_236 = arith.mulf %parallel_loop3A_235, %parallel_loop3A_235 : vector<16xf32>
        %parallel_loop3A_237 = arith.constant 1.000000e-01 : f32
        %parallel_loop3A_238 = vector.broadcast %parallel_loop3A_237 : f32 to vector<16xf32>
        %parallel_loop3A_239 = arith.cmpf ogt, %parallel_loop3A_234, %parallel_loop3A_238 : vector<16xf32>
        %parallel_loop3A_240 = arith.constant 1.000000e+00 : f32
        %parallel_loop3A_241 = arith.constant 0.000000e+00 : f32
        %parallel_loop3A_242 = vector.broadcast %parallel_loop3A_240 : f32 to vector<16xf32>
        %parallel_loop3A_243 = vector.broadcast %parallel_loop3A_241 : f32 to vector<16xf32>
        %parallel_loop3A_244 = arith.select %parallel_loop3A_239, %parallel_loop3A_242, %parallel_loop3A_243 : vector<16xi1>, vector<16xf32>
        %parallel_loop3A_245 = arith.addf %parallel_loop3A_200, %parallel_loop3A_244 : vector<16xf32>
        %parallel_loop3A_246 = arith.constant 0.000000e+00 : f32
        %parallel_loop3A_247 = vector.broadcast %parallel_loop3A_246 : f32 to vector<16xf32>
        %parallel_loop3A_248 = arith.select %parallel_loop3A_239, %parallel_loop3A_236, %parallel_loop3A_247 : vector<16xi1>, vector<16xf32>
        %parallel_loop3A_249 = arith.addf %parallel_loop3A_209, %parallel_loop3A_248 : vector<16xf32>
        %parallel_loop3A_250 = arith.constant 2.000000e-01 : f32
        %parallel_loop3A_251 = vector.broadcast %parallel_loop3A_250 : f32 to vector<16xf32>
        %parallel_loop3A_252 = arith.cmpf ogt, %parallel_loop3A_234, %parallel_loop3A_251 : vector<16xf32>
        %parallel_loop3A_253 = arith.constant 1.000000e+00 : f32
        %parallel_loop3A_254 = arith.constant 0.000000e+00 : f32
        %parallel_loop3A_255 = vector.broadcast %parallel_loop3A_253 : f32 to vector<16xf32>
        %parallel_loop3A_256 = vector.broadcast %parallel_loop3A_254 : f32 to vector<16xf32>
        %parallel_loop3A_257 = arith.select %parallel_loop3A_252, %parallel_loop3A_255, %parallel_loop3A_256 : vector<16xi1>, vector<16xf32>
        %parallel_loop3A_258 = arith.addf %parallel_loop3A_201, %parallel_loop3A_257 : vector<16xf32>
        %parallel_loop3A_259 = arith.constant 0.000000e+00 : f32
        %parallel_loop3A_260 = vector.broadcast %parallel_loop3A_259 : f32 to vector<16xf32>
        %parallel_loop3A_261 = arith.select %parallel_loop3A_252, %parallel_loop3A_236, %parallel_loop3A_260 : vector<16xi1>, vector<16xf32>
        %parallel_loop3A_262 = arith.addf %parallel_loop3A_210, %parallel_loop3A_261 : vector<16xf32>
        %parallel_loop3A_263 = arith.constant 3.000000e-01 : f32
        %parallel_loop3A_264 = vector.broadcast %parallel_loop3A_263 : f32 to vector<16xf32>
        %parallel_loop3A_265 = arith.cmpf ogt, %parallel_loop3A_234, %parallel_loop3A_264 : vector<16xf32>
        %parallel_loop3A_266 = arith.constant 1.000000e+00 : f32
        %parallel_loop3A_267 = arith.constant 0.000000e+00 : f32
        %parallel_loop3A_268 = vector.broadcast %parallel_loop3A_266 : f32 to vector<16xf32>
        %parallel_loop3A_269 = vector.broadcast %parallel_loop3A_267 : f32 to vector<16xf32>
        %parallel_loop3A_270 = arith.select %parallel_loop3A_265, %parallel_loop3A_268, %parallel_loop3A_269 : vector<16xi1>, vector<16xf32>
        %parallel_loop3A_271 = arith.addf %parallel_loop3A_202, %parallel_loop3A_270 : vector<16xf32>
        %parallel_loop3A_272 = arith.constant 0.000000e+00 : f32
        %parallel_loop3A_273 = vector.broadcast %parallel_loop3A_272 : f32 to vector<16xf32>
        %parallel_loop3A_274 = arith.select %parallel_loop3A_265, %parallel_loop3A_236, %parallel_loop3A_273 : vector<16xi1>, vector<16xf32>
        %parallel_loop3A_275 = arith.addf %parallel_loop3A_211, %parallel_loop3A_274 : vector<16xf32>
        %parallel_loop3A_276 = arith.constant 4.000000e-01 : f32
        %parallel_loop3A_277 = vector.broadcast %parallel_loop3A_276 : f32 to vector<16xf32>
        %parallel_loop3A_278 = arith.cmpf ogt, %parallel_loop3A_234, %parallel_loop3A_277 : vector<16xf32>
        %parallel_loop3A_279 = arith.constant 1.000000e+00 : f32
        %parallel_loop3A_280 = arith.constant 0.000000e+00 : f32
        %parallel_loop3A_281 = vector.broadcast %parallel_loop3A_279 : f32 to vector<16xf32>
        %parallel_loop3A_282 = vector.broadcast %parallel_loop3A_280 : f32 to vector<16xf32>
        %parallel_loop3A_283 = arith.select %parallel_loop3A_278, %parallel_loop3A_281, %parallel_loop3A_282 : vector<16xi1>, vector<16xf32>
        %parallel_loop3A_284 = arith.addf %parallel_loop3A_203, %parallel_loop3A_283 : vector<16xf32>
        %parallel_loop3A_285 = arith.constant 0.000000e+00 : f32
        %parallel_loop3A_286 = vector.broadcast %parallel_loop3A_285 : f32 to vector<16xf32>
        %parallel_loop3A_287 = arith.select %parallel_loop3A_278, %parallel_loop3A_236, %parallel_loop3A_286 : vector<16xi1>, vector<16xf32>
        %parallel_loop3A_288 = arith.addf %parallel_loop3A_212, %parallel_loop3A_287 : vector<16xf32>
        %parallel_loop3A_289 = arith.constant 5.000000e-01 : f32
        %parallel_loop3A_290 = vector.broadcast %parallel_loop3A_289 : f32 to vector<16xf32>
        %parallel_loop3A_291 = arith.cmpf ogt, %parallel_loop3A_234, %parallel_loop3A_290 : vector<16xf32>
        %parallel_loop3A_292 = arith.constant 1.000000e+00 : f32
        %parallel_loop3A_293 = arith.constant 0.000000e+00 : f32
        %parallel_loop3A_294 = vector.broadcast %parallel_loop3A_292 : f32 to vector<16xf32>
        %parallel_loop3A_295 = vector.broadcast %parallel_loop3A_293 : f32 to vector<16xf32>
        %parallel_loop3A_296 = arith.select %parallel_loop3A_291, %parallel_loop3A_294, %parallel_loop3A_295 : vector<16xi1>, vector<16xf32>
        %parallel_loop3A_297 = arith.addf %parallel_loop3A_204, %parallel_loop3A_296 : vector<16xf32>
        %parallel_loop3A_298 = arith.constant 0.000000e+00 : f32
        %parallel_loop3A_299 = vector.broadcast %parallel_loop3A_298 : f32 to vector<16xf32>
        %parallel_loop3A_300 = arith.select %parallel_loop3A_291, %parallel_loop3A_236, %parallel_loop3A_299 : vector<16xi1>, vector<16xf32>
        %parallel_loop3A_301 = arith.addf %parallel_loop3A_213, %parallel_loop3A_300 : vector<16xf32>
        %parallel_loop3A_302 = arith.constant 6.000000e-01 : f32
        %parallel_loop3A_303 = vector.broadcast %parallel_loop3A_302 : f32 to vector<16xf32>
        %parallel_loop3A_304 = arith.cmpf ogt, %parallel_loop3A_234, %parallel_loop3A_303 : vector<16xf32>
        %parallel_loop3A_305 = arith.constant 1.000000e+00 : f32
        %parallel_loop3A_306 = arith.constant 0.000000e+00 : f32
        %parallel_loop3A_307 = vector.broadcast %parallel_loop3A_305 : f32 to vector<16xf32>
        %parallel_loop3A_308 = vector.broadcast %parallel_loop3A_306 : f32 to vector<16xf32>
        %parallel_loop3A_309 = arith.select %parallel_loop3A_304, %parallel_loop3A_307, %parallel_loop3A_308 : vector<16xi1>, vector<16xf32>
        %parallel_loop3A_310 = arith.addf %parallel_loop3A_205, %parallel_loop3A_309 : vector<16xf32>
        %parallel_loop3A_311 = arith.constant 0.000000e+00 : f32
        %parallel_loop3A_312 = vector.broadcast %parallel_loop3A_311 : f32 to vector<16xf32>
        %parallel_loop3A_313 = arith.select %parallel_loop3A_304, %parallel_loop3A_236, %parallel_loop3A_312 : vector<16xi1>, vector<16xf32>
        %parallel_loop3A_314 = arith.addf %parallel_loop3A_214, %parallel_loop3A_313 : vector<16xf32>
        %parallel_loop3A_315 = arith.constant 0.699999988 : f32
        %parallel_loop3A_316 = vector.broadcast %parallel_loop3A_315 : f32 to vector<16xf32>
        %parallel_loop3A_317 = arith.cmpf ogt, %parallel_loop3A_234, %parallel_loop3A_316 : vector<16xf32>
        %parallel_loop3A_318 = arith.constant 1.000000e+00 : f32
        %parallel_loop3A_319 = arith.constant 0.000000e+00 : f32
        %parallel_loop3A_320 = vector.broadcast %parallel_loop3A_318 : f32 to vector<16xf32>
        %parallel_loop3A_321 = vector.broadcast %parallel_loop3A_319 : f32 to vector<16xf32>
        %parallel_loop3A_322 = arith.select %parallel_loop3A_317, %parallel_loop3A_320, %parallel_loop3A_321 : vector<16xi1>, vector<16xf32>
        %parallel_loop3A_323 = arith.addf %parallel_loop3A_206, %parallel_loop3A_322 : vector<16xf32>
        %parallel_loop3A_324 = arith.constant 0.000000e+00 : f32
        %parallel_loop3A_325 = vector.broadcast %parallel_loop3A_324 : f32 to vector<16xf32>
        %parallel_loop3A_326 = arith.select %parallel_loop3A_317, %parallel_loop3A_236, %parallel_loop3A_325 : vector<16xi1>, vector<16xf32>
        %parallel_loop3A_327 = arith.addf %parallel_loop3A_215, %parallel_loop3A_326 : vector<16xf32>
        %parallel_loop3A_328 = arith.constant 8.000000e-01 : f32
        %parallel_loop3A_329 = vector.broadcast %parallel_loop3A_328 : f32 to vector<16xf32>
        %parallel_loop3A_330 = arith.cmpf ogt, %parallel_loop3A_234, %parallel_loop3A_329 : vector<16xf32>
        %parallel_loop3A_331 = arith.constant 1.000000e+00 : f32
        %parallel_loop3A_332 = arith.constant 0.000000e+00 : f32
        %parallel_loop3A_333 = vector.broadcast %parallel_loop3A_331 : f32 to vector<16xf32>
        %parallel_loop3A_334 = vector.broadcast %parallel_loop3A_332 : f32 to vector<16xf32>
        %parallel_loop3A_335 = arith.select %parallel_loop3A_330, %parallel_loop3A_333, %parallel_loop3A_334 : vector<16xi1>, vector<16xf32>
        %parallel_loop3A_336 = arith.addf %parallel_loop3A_207, %parallel_loop3A_335 : vector<16xf32>
        %parallel_loop3A_337 = arith.constant 0.000000e+00 : f32
        %parallel_loop3A_338 = vector.broadcast %parallel_loop3A_337 : f32 to vector<16xf32>
        %parallel_loop3A_339 = arith.select %parallel_loop3A_330, %parallel_loop3A_236, %parallel_loop3A_338 : vector<16xi1>, vector<16xf32>
        %parallel_loop3A_340 = arith.addf %parallel_loop3A_216, %parallel_loop3A_339 : vector<16xf32>
        %parallel_loop3A_341 = arith.constant 0.900000035 : f32
        %parallel_loop3A_342 = vector.broadcast %parallel_loop3A_341 : f32 to vector<16xf32>
        %parallel_loop3A_343 = arith.cmpf ogt, %parallel_loop3A_234, %parallel_loop3A_342 : vector<16xf32>
        %parallel_loop3A_344 = arith.constant 1.000000e+00 : f32
        %parallel_loop3A_345 = arith.constant 0.000000e+00 : f32
        %parallel_loop3A_346 = vector.broadcast %parallel_loop3A_344 : f32 to vector<16xf32>
        %parallel_loop3A_347 = vector.broadcast %parallel_loop3A_345 : f32 to vector<16xf32>
        %parallel_loop3A_348 = arith.select %parallel_loop3A_343, %parallel_loop3A_346, %parallel_loop3A_347 : vector<16xi1>, vector<16xf32>
        %parallel_loop3A_349 = arith.addf %parallel_loop3A_208, %parallel_loop3A_348 : vector<16xf32>
        %parallel_loop3A_350 = arith.constant 0.000000e+00 : f32
        %parallel_loop3A_351 = vector.broadcast %parallel_loop3A_350 : f32 to vector<16xf32>
        %parallel_loop3A_352 = arith.select %parallel_loop3A_343, %parallel_loop3A_236, %parallel_loop3A_351 : vector<16xi1>, vector<16xf32>
        %parallel_loop3A_353 = arith.addf %parallel_loop3A_217, %parallel_loop3A_352 : vector<16xf32>
        %parallel_loop3A_354 = arith.addf %parallel_loop3A_218, %parallel_loop3A_236 : vector<16xf32>
        %parallel_loop3A_355 = arith.addf %parallel_loop3A_219, %parallel_loop3A_231 : vector<16xf32>
        %parallel_loop3A_356 = arith.addf %parallel_loop3A_221, %parallel_loop3A_234 : vector<16xf32>
        %parallel_loop3A_357 = arith.mulf %parallel_loop3A_231, %parallel_loop3A_231 : vector<16xf32>
        %parallel_loop3A_358 = arith.addf %parallel_loop3A_220, %parallel_loop3A_357 : vector<16xf32>
        %parallel_loop3A_359 = arith.mulf %parallel_loop3A_234, %parallel_loop3A_234 : vector<16xf32>
        %parallel_loop3A_360 = arith.addf %parallel_loop3A_222, %parallel_loop3A_359 : vector<16xf32>
        %parallel_loop3A_361 = arith.minimumf %parallel_loop3A_223, %parallel_loop3A_231 : vector<16xf32>
        %parallel_loop3A_362 = arith.maximumf %parallel_loop3A_224, %parallel_loop3A_231 : vector<16xf32>
        %parallel_loop3A_363 = arith.minimumf %parallel_loop3A_225, %parallel_loop3A_234 : vector<16xf32>
        %parallel_loop3A_364 = arith.maximumf %parallel_loop3A_226, %parallel_loop3A_234 : vector<16xf32>
        %parallel_loop3A_365 = arith.constant 16 : i32
        %parallel_loop3A_366 = arith.addi %parallel_loop3A_199, %parallel_loop3A_365 : i32
        %parallel_loop3A_367 = arith.index_cast %parallel_loop3A_366 : i32 to index
        %parallel_loop3A_368 = tpu.vector_load %arg6[%parallel_loop3A_367] {strides = array<i32>} : memref<16384xf32, #tpu.memory_space<vmem>>, vector<16xf32>,
        %parallel_loop3A_369 = vector.shape_cast %parallel_loop3A_368 : vector<16xf32> to vector<16xf32>
        %parallel_loop3A_370 = arith.index_cast %parallel_loop3A_366 : i32 to index
        %parallel_loop3A_371 = tpu.vector_load %arg8[%parallel_loop3A_370] {strides = array<i32>} : memref<16384xf32, #tpu.memory_space<vmem>>, vector<16xf32>,
        %parallel_loop3A_372 = vector.shape_cast %parallel_loop3A_371 : vector<16xf32> to vector<16xf32>
        %parallel_loop3A_373 = arith.subf %parallel_loop3A_369, %parallel_loop3A_372 : vector<16xf32>
        %parallel_loop3A_374 = arith.mulf %parallel_loop3A_373, %parallel_loop3A_373 : vector<16xf32>
        %parallel_loop3A_375 = arith.constant 1.000000e-01 : f32
        %parallel_loop3A_376 = vector.broadcast %parallel_loop3A_375 : f32 to vector<16xf32>
        %parallel_loop3A_377 = arith.cmpf ogt, %parallel_loop3A_372, %parallel_loop3A_376 : vector<16xf32>
        %parallel_loop3A_378 = arith.constant 1.000000e+00 : f32
        %parallel_loop3A_379 = arith.constant 0.000000e+00 : f32
        %parallel_loop3A_380 = vector.broadcast %parallel_loop3A_378 : f32 to vector<16xf32>
        %parallel_loop3A_381 = vector.broadcast %parallel_loop3A_379 : f32 to vector<16xf32>
        %parallel_loop3A_382 = arith.select %parallel_loop3A_377, %parallel_loop3A_380, %parallel_loop3A_381 : vector<16xi1>, vector<16xf32>
        %parallel_loop3A_383 = arith.addf %parallel_loop3A_245, %parallel_loop3A_382 : vector<16xf32>
        %parallel_loop3A_384 = arith.constant 0.000000e+00 : f32
        %parallel_loop3A_385 = vector.broadcast %parallel_loop3A_384 : f32 to vector<16xf32>
        %parallel_loop3A_386 = arith.select %parallel_loop3A_377, %parallel_loop3A_374, %parallel_loop3A_385 : vector<16xi1>, vector<16xf32>
        %parallel_loop3A_387 = arith.addf %parallel_loop3A_249, %parallel_loop3A_386 : vector<16xf32>
        %parallel_loop3A_388 = arith.constant 2.000000e-01 : f32
        %parallel_loop3A_389 = vector.broadcast %parallel_loop3A_388 : f32 to vector<16xf32>
        %parallel_loop3A_390 = arith.cmpf ogt, %parallel_loop3A_372, %parallel_loop3A_389 : vector<16xf32>
        %parallel_loop3A_391 = arith.constant 1.000000e+00 : f32
        %parallel_loop3A_392 = arith.constant 0.000000e+00 : f32
        %parallel_loop3A_393 = vector.broadcast %parallel_loop3A_391 : f32 to vector<16xf32>
        %parallel_loop3A_394 = vector.broadcast %parallel_loop3A_392 : f32 to vector<16xf32>
        %parallel_loop3A_395 = arith.select %parallel_loop3A_390, %parallel_loop3A_393, %parallel_loop3A_394 : vector<16xi1>, vector<16xf32>
        %parallel_loop3A_396 = arith.addf %parallel_loop3A_258, %parallel_loop3A_395 : vector<16xf32>
        %parallel_loop3A_397 = arith.constant 0.000000e+00 : f32
        %parallel_loop3A_398 = vector.broadcast %parallel_loop3A_397 : f32 to vector<16xf32>
        %parallel_loop3A_399 = arith.select %parallel_loop3A_390, %parallel_loop3A_374, %parallel_loop3A_398 : vector<16xi1>, vector<16xf32>
        %parallel_loop3A_400 = arith.addf %parallel_loop3A_262, %parallel_loop3A_399 : vector<16xf32>
        %parallel_loop3A_401 = arith.constant 3.000000e-01 : f32
        %parallel_loop3A_402 = vector.broadcast %parallel_loop3A_401 : f32 to vector<16xf32>
        %parallel_loop3A_403 = arith.cmpf ogt, %parallel_loop3A_372, %parallel_loop3A_402 : vector<16xf32>
        %parallel_loop3A_404 = arith.constant 1.000000e+00 : f32
        %parallel_loop3A_405 = arith.constant 0.000000e+00 : f32
        %parallel_loop3A_406 = vector.broadcast %parallel_loop3A_404 : f32 to vector<16xf32>
        %parallel_loop3A_407 = vector.broadcast %parallel_loop3A_405 : f32 to vector<16xf32>
        %parallel_loop3A_408 = arith.select %parallel_loop3A_403, %parallel_loop3A_406, %parallel_loop3A_407 : vector<16xi1>, vector<16xf32>
        %parallel_loop3A_409 = arith.addf %parallel_loop3A_271, %parallel_loop3A_408 : vector<16xf32>
        %parallel_loop3A_410 = arith.constant 0.000000e+00 : f32
        %parallel_loop3A_411 = vector.broadcast %parallel_loop3A_410 : f32 to vector<16xf32>
        %parallel_loop3A_412 = arith.select %parallel_loop3A_403, %parallel_loop3A_374, %parallel_loop3A_411 : vector<16xi1>, vector<16xf32>
        %parallel_loop3A_413 = arith.addf %parallel_loop3A_275, %parallel_loop3A_412 : vector<16xf32>
        %parallel_loop3A_414 = arith.constant 4.000000e-01 : f32
        %parallel_loop3A_415 = vector.broadcast %parallel_loop3A_414 : f32 to vector<16xf32>
        %parallel_loop3A_416 = arith.cmpf ogt, %parallel_loop3A_372, %parallel_loop3A_415 : vector<16xf32>
        %parallel_loop3A_417 = arith.constant 1.000000e+00 : f32
        %parallel_loop3A_418 = arith.constant 0.000000e+00 : f32
        %parallel_loop3A_419 = vector.broadcast %parallel_loop3A_417 : f32 to vector<16xf32>
        %parallel_loop3A_420 = vector.broadcast %parallel_loop3A_418 : f32 to vector<16xf32>
        %parallel_loop3A_421 = arith.select %parallel_loop3A_416, %parallel_loop3A_419, %parallel_loop3A_420 : vector<16xi1>, vector<16xf32>
        %parallel_loop3A_422 = arith.addf %parallel_loop3A_284, %parallel_loop3A_421 : vector<16xf32>
        %parallel_loop3A_423 = arith.constant 0.000000e+00 : f32
        %parallel_loop3A_424 = vector.broadcast %parallel_loop3A_423 : f32 to vector<16xf32>
        %parallel_loop3A_425 = arith.select %parallel_loop3A_416, %parallel_loop3A_374, %parallel_loop3A_424 : vector<16xi1>, vector<16xf32>
        %parallel_loop3A_426 = arith.addf %parallel_loop3A_288, %parallel_loop3A_425 : vector<16xf32>
        %parallel_loop3A_427 = arith.constant 5.000000e-01 : f32
        %parallel_loop3A_428 = vector.broadcast %parallel_loop3A_427 : f32 to vector<16xf32>
        %parallel_loop3A_429 = arith.cmpf ogt, %parallel_loop3A_372, %parallel_loop3A_428 : vector<16xf32>
        %parallel_loop3A_430 = arith.constant 1.000000e+00 : f32
        %parallel_loop3A_431 = arith.constant 0.000000e+00 : f32
        %parallel_loop3A_432 = vector.broadcast %parallel_loop3A_430 : f32 to vector<16xf32>
        %parallel_loop3A_433 = vector.broadcast %parallel_loop3A_431 : f32 to vector<16xf32>
        %parallel_loop3A_434 = arith.select %parallel_loop3A_429, %parallel_loop3A_432, %parallel_loop3A_433 : vector<16xi1>, vector<16xf32>
        %parallel_loop3A_435 = arith.addf %parallel_loop3A_297, %parallel_loop3A_434 : vector<16xf32>
        %parallel_loop3A_436 = arith.constant 0.000000e+00 : f32
        %parallel_loop3A_437 = vector.broadcast %parallel_loop3A_436 : f32 to vector<16xf32>
        %parallel_loop3A_438 = arith.select %parallel_loop3A_429, %parallel_loop3A_374, %parallel_loop3A_437 : vector<16xi1>, vector<16xf32>
        %parallel_loop3A_439 = arith.addf %parallel_loop3A_301, %parallel_loop3A_438 : vector<16xf32>
        %parallel_loop3A_440 = arith.constant 6.000000e-01 : f32
        %parallel_loop3A_441 = vector.broadcast %parallel_loop3A_440 : f32 to vector<16xf32>
        %parallel_loop3A_442 = arith.cmpf ogt, %parallel_loop3A_372, %parallel_loop3A_441 : vector<16xf32>
        %parallel_loop3A_443 = arith.constant 1.000000e+00 : f32
        %parallel_loop3A_444 = arith.constant 0.000000e+00 : f32
        %parallel_loop3A_445 = vector.broadcast %parallel_loop3A_443 : f32 to vector<16xf32>
        %parallel_loop3A_446 = vector.broadcast %parallel_loop3A_444 : f32 to vector<16xf32>
        %parallel_loop3A_447 = arith.select %parallel_loop3A_442, %parallel_loop3A_445, %parallel_loop3A_446 : vector<16xi1>, vector<16xf32>
        %parallel_loop3A_448 = arith.addf %parallel_loop3A_310, %parallel_loop3A_447 : vector<16xf32>
        %parallel_loop3A_449 = arith.constant 0.000000e+00 : f32
        %parallel_loop3A_450 = vector.broadcast %parallel_loop3A_449 : f32 to vector<16xf32>
        %parallel_loop3A_451 = arith.select %parallel_loop3A_442, %parallel_loop3A_374, %parallel_loop3A_450 : vector<16xi1>, vector<16xf32>
        %parallel_loop3A_452 = arith.addf %parallel_loop3A_314, %parallel_loop3A_451 : vector<16xf32>
        %parallel_loop3A_453 = arith.constant 0.699999988 : f32
        %parallel_loop3A_454 = vector.broadcast %parallel_loop3A_453 : f32 to vector<16xf32>
        %parallel_loop3A_455 = arith.cmpf ogt, %parallel_loop3A_372, %parallel_loop3A_454 : vector<16xf32>
        %parallel_loop3A_456 = arith.constant 1.000000e+00 : f32
        %parallel_loop3A_457 = arith.constant 0.000000e+00 : f32
        %parallel_loop3A_458 = vector.broadcast %parallel_loop3A_456 : f32 to vector<16xf32>
        %parallel_loop3A_459 = vector.broadcast %parallel_loop3A_457 : f32 to vector<16xf32>
        %parallel_loop3A_460 = arith.select %parallel_loop3A_455, %parallel_loop3A_458, %parallel_loop3A_459 : vector<16xi1>, vector<16xf32>
        %parallel_loop3A_461 = arith.addf %parallel_loop3A_323, %parallel_loop3A_460 : vector<16xf32>
        %parallel_loop3A_462 = arith.constant 0.000000e+00 : f32
        %parallel_loop3A_463 = vector.broadcast %parallel_loop3A_462 : f32 to vector<16xf32>
        %parallel_loop3A_464 = arith.select %parallel_loop3A_455, %parallel_loop3A_374, %parallel_loop3A_463 : vector<16xi1>, vector<16xf32>
        %parallel_loop3A_465 = arith.addf %parallel_loop3A_327, %parallel_loop3A_464 : vector<16xf32>
        %parallel_loop3A_466 = arith.constant 8.000000e-01 : f32
        %parallel_loop3A_467 = vector.broadcast %parallel_loop3A_466 : f32 to vector<16xf32>
        %parallel_loop3A_468 = arith.cmpf ogt, %parallel_loop3A_372, %parallel_loop3A_467 : vector<16xf32>
        %parallel_loop3A_469 = arith.constant 1.000000e+00 : f32
        %parallel_loop3A_470 = arith.constant 0.000000e+00 : f32
        %parallel_loop3A_471 = vector.broadcast %parallel_loop3A_469 : f32 to vector<16xf32>
        %parallel_loop3A_472 = vector.broadcast %parallel_loop3A_470 : f32 to vector<16xf32>
        %parallel_loop3A_473 = arith.select %parallel_loop3A_468, %parallel_loop3A_471, %parallel_loop3A_472 : vector<16xi1>, vector<16xf32>
        %parallel_loop3A_474 = arith.addf %parallel_loop3A_336, %parallel_loop3A_473 : vector<16xf32>
        %parallel_loop3A_475 = arith.constant 0.000000e+00 : f32
        %parallel_loop3A_476 = vector.broadcast %parallel_loop3A_475 : f32 to vector<16xf32>
        %parallel_loop3A_477 = arith.select %parallel_loop3A_468, %parallel_loop3A_374, %parallel_loop3A_476 : vector<16xi1>, vector<16xf32>
        %parallel_loop3A_478 = arith.addf %parallel_loop3A_340, %parallel_loop3A_477 : vector<16xf32>
        %parallel_loop3A_479 = arith.constant 0.900000035 : f32
        %parallel_loop3A_480 = vector.broadcast %parallel_loop3A_479 : f32 to vector<16xf32>
        %parallel_loop3A_481 = arith.cmpf ogt, %parallel_loop3A_372, %parallel_loop3A_480 : vector<16xf32>
        %parallel_loop3A_482 = arith.constant 1.000000e+00 : f32
        %parallel_loop3A_483 = arith.constant 0.000000e+00 : f32
        %parallel_loop3A_484 = vector.broadcast %parallel_loop3A_482 : f32 to vector<16xf32>
        %parallel_loop3A_485 = vector.broadcast %parallel_loop3A_483 : f32 to vector<16xf32>
        %parallel_loop3A_486 = arith.select %parallel_loop3A_481, %parallel_loop3A_484, %parallel_loop3A_485 : vector<16xi1>, vector<16xf32>
        %parallel_loop3A_487 = arith.addf %parallel_loop3A_349, %parallel_loop3A_486 : vector<16xf32>
        %parallel_loop3A_488 = arith.constant 0.000000e+00 : f32
        %parallel_loop3A_489 = vector.broadcast %parallel_loop3A_488 : f32 to vector<16xf32>
        %parallel_loop3A_490 = arith.select %parallel_loop3A_481, %parallel_loop3A_374, %parallel_loop3A_489 : vector<16xi1>, vector<16xf32>
        %parallel_loop3A_491 = arith.addf %parallel_loop3A_353, %parallel_loop3A_490 : vector<16xf32>
        %parallel_loop3A_492 = arith.addf %parallel_loop3A_354, %parallel_loop3A_374 : vector<16xf32>
        %parallel_loop3A_493 = arith.addf %parallel_loop3A_355, %parallel_loop3A_369 : vector<16xf32>
        %parallel_loop3A_494 = arith.addf %parallel_loop3A_356, %parallel_loop3A_372 : vector<16xf32>
        %parallel_loop3A_495 = arith.mulf %parallel_loop3A_369, %parallel_loop3A_369 : vector<16xf32>
        %parallel_loop3A_496 = arith.addf %parallel_loop3A_358, %parallel_loop3A_495 : vector<16xf32>
        %parallel_loop3A_497 = arith.mulf %parallel_loop3A_372, %parallel_loop3A_372 : vector<16xf32>
        %parallel_loop3A_498 = arith.addf %parallel_loop3A_360, %parallel_loop3A_497 : vector<16xf32>
        %parallel_loop3A_499 = arith.minimumf %parallel_loop3A_361, %parallel_loop3A_369 : vector<16xf32>
        %parallel_loop3A_500 = arith.maximumf %parallel_loop3A_362, %parallel_loop3A_369 : vector<16xf32>
        %parallel_loop3A_501 = arith.minimumf %parallel_loop3A_363, %parallel_loop3A_372 : vector<16xf32>
        %parallel_loop3A_502 = arith.maximumf %parallel_loop3A_364, %parallel_loop3A_372 : vector<16xf32>
        scf.yield %parallel_loop3A_383, %parallel_loop3A_396, %parallel_loop3A_409, %parallel_loop3A_422, %parallel_loop3A_435, %parallel_loop3A_448, %parallel_loop3A_461, %parallel_loop3A_474, %parallel_loop3A_487, %parallel_loop3A_387, %parallel_loop3A_400, %parallel_loop3A_413, %parallel_loop3A_426, %parallel_loop3A_439, %parallel_loop3A_452, %parallel_loop3A_465, %parallel_loop3A_478, %parallel_loop3A_491, %parallel_loop3A_492, %parallel_loop3A_493, %parallel_loop3A_496, %parallel_loop3A_494, %parallel_loop3A_498, %parallel_loop3A_499, %parallel_loop3A_500, %parallel_loop3A_501, %parallel_loop3A_502 : vector<16xf32>, vector<16xf32>, vector<16xf32>, vector<16xf32>, vector<16xf32>, vector<16xf32>, vector<16xf32>, vector<16xf32>, vector<16xf32>, vector<16xf32>, vector<16xf32>, vector<16xf32>, vector<16xf32>, vector<16xf32>, vector<16xf32>, vector<16xf32>, vector<16xf32>, vector<16xf32>, vector<16xf32>, vector<16xf32>, vector<16xf32>, vector<16xf32>, vector<16xf32>, vector<16xf32>, vector<16xf32>, vector<16xf32>, vector<16xf32>
      } {sc.loop_unroll_factor = 1 : i64, sc.parallel_access}
      scf.yield %parallel_loop3A_198#0, %parallel_loop3A_198#1, %parallel_loop3A_198#2, %parallel_loop3A_198#3, %parallel_loop3A_198#4, %parallel_loop3A_198#5, %parallel_loop3A_198#6, %parallel_loop3A_198#7, %parallel_loop3A_198#8, %parallel_loop3A_198#9, %parallel_loop3A_198#10, %parallel_loop3A_198#11, %parallel_loop3A_198#12, %parallel_loop3A_198#13, %parallel_loop3A_198#14, %parallel_loop3A_198#15, %parallel_loop3A_198#16, %parallel_loop3A_198#17, %parallel_loop3A_198#18, %parallel_loop3A_198#19, %parallel_loop3A_198#20, %parallel_loop3A_198#21, %parallel_loop3A_198#22, %parallel_loop3A_198#23, %parallel_loop3A_198#24, %parallel_loop3A_198#25, %parallel_loop3A_198#26 : vector<16xf32>, vector<16xf32>, vector<16xf32>, vector<16xf32>, vector<16xf32>, vector<16xf32>, vector<16xf32>, vector<16xf32>, vector<16xf32>, vector<16xf32>, vector<16xf32>, vector<16xf32>, vector<16xf32>, vector<16xf32>, vector<16xf32>, vector<16xf32>, vector<16xf32>, vector<16xf32>, vector<16xf32>, vector<16xf32>, vector<16xf32>, vector<16xf32>, vector<16xf32>, vector<16xf32>, vector<16xf32>, vector<16xf32>, vector<16xf32>
    }
    %scan3A_22 = arith.constant 4 : i32
    %swap3A = arith.constant 0 : index
    %swap3A_23 = tpu.vector_load %arg9[%swap3A] {strides = array<i32>} : memref<512xf32, #tpu.memory_space<vmem>>, vector<16xf32>,
    %swap3A_24 = vector.shape_cast %swap3A_23 : vector<16xf32> to vector<16xf32>
    %swap3A_25 = vector.shape_cast %scan3A_21#0 : vector<16xf32> to vector<16xf32>
    tpu.vector_store %arg9[%swap3A], %swap3A_25 {strides = array<i32>} : memref<512xf32, #tpu.memory_space<vmem>>, vector<16xf32>,
    %swap3A_26 = arith.constant 16 : index
    %swap3A_27 = tpu.vector_load %arg9[%swap3A_26] {strides = array<i32>} : memref<512xf32, #tpu.memory_space<vmem>>, vector<16xf32>,
    %swap3A_28 = vector.shape_cast %swap3A_27 : vector<16xf32> to vector<16xf32>
    %swap3A_29 = vector.shape_cast %scan3A_21#1 : vector<16xf32> to vector<16xf32>
    tpu.vector_store %arg9[%swap3A_26], %swap3A_29 {strides = array<i32>} : memref<512xf32, #tpu.memory_space<vmem>>, vector<16xf32>,
    %swap3A_30 = arith.constant 32 : index
    %swap3A_31 = tpu.vector_load %arg9[%swap3A_30] {strides = array<i32>} : memref<512xf32, #tpu.memory_space<vmem>>, vector<16xf32>,
    %swap3A_32 = vector.shape_cast %swap3A_31 : vector<16xf32> to vector<16xf32>
    %swap3A_33 = vector.shape_cast %scan3A_21#2 : vector<16xf32> to vector<16xf32>
    tpu.vector_store %arg9[%swap3A_30], %swap3A_33 {strides = array<i32>} : memref<512xf32, #tpu.memory_space<vmem>>, vector<16xf32>,
    %swap3A_34 = arith.constant 48 : index
    %swap3A_35 = tpu.vector_load %arg9[%swap3A_34] {strides = array<i32>} : memref<512xf32, #tpu.memory_space<vmem>>, vector<16xf32>,
    %swap3A_36 = vector.shape_cast %swap3A_35 : vector<16xf32> to vector<16xf32>
    %swap3A_37 = vector.shape_cast %scan3A_21#3 : vector<16xf32> to vector<16xf32>
    tpu.vector_store %arg9[%swap3A_34], %swap3A_37 {strides = array<i32>} : memref<512xf32, #tpu.memory_space<vmem>>, vector<16xf32>,
    %swap3A_38 = arith.constant 64 : index
    %swap3A_39 = tpu.vector_load %arg9[%swap3A_38] {strides = array<i32>} : memref<512xf32, #tpu.memory_space<vmem>>, vector<16xf32>,
    %swap3A_40 = vector.shape_cast %swap3A_39 : vector<16xf32> to vector<16xf32>
    %swap3A_41 = vector.shape_cast %scan3A_21#4 : vector<16xf32> to vector<16xf32>
    tpu.vector_store %arg9[%swap3A_38], %swap3A_41 {strides = array<i32>} : memref<512xf32, #tpu.memory_space<vmem>>, vector<16xf32>,
    %swap3A_42 = arith.constant 80 : index
    %swap3A_43 = tpu.vector_load %arg9[%swap3A_42] {strides = array<i32>} : memref<512xf32, #tpu.memory_space<vmem>>, vector<16xf32>,
    %swap3A_44 = vector.shape_cast %swap3A_43 : vector<16xf32> to vector<16xf32>
    %swap3A_45 = vector.shape_cast %scan3A_21#5 : vector<16xf32> to vector<16xf32>
    tpu.vector_store %arg9[%swap3A_42], %swap3A_45 {strides = array<i32>} : memref<512xf32, #tpu.memory_space<vmem>>, vector<16xf32>,
    %swap3A_46 = arith.constant 96 : index
    %swap3A_47 = tpu.vector_load %arg9[%swap3A_46] {strides = array<i32>} : memref<512xf32, #tpu.memory_space<vmem>>, vector<16xf32>,
    %swap3A_48 = vector.shape_cast %swap3A_47 : vector<16xf32> to vector<16xf32>
    %swap3A_49 = vector.shape_cast %scan3A_21#6 : vector<16xf32> to vector<16xf32>
    tpu.vector_store %arg9[%swap3A_46], %swap3A_49 {strides = array<i32>} : memref<512xf32, #tpu.memory_space<vmem>>, vector<16xf32>,
    %swap3A_50 = arith.constant 112 : index
    %swap3A_51 = tpu.vector_load %arg9[%swap3A_50] {strides = array<i32>} : memref<512xf32, #tpu.memory_space<vmem>>, vector<16xf32>,
    %swap3A_52 = vector.shape_cast %swap3A_51 : vector<16xf32> to vector<16xf32>
    %swap3A_53 = vector.shape_cast %scan3A_21#7 : vector<16xf32> to vector<16xf32>
    tpu.vector_store %arg9[%swap3A_50], %swap3A_53 {strides = array<i32>} : memref<512xf32, #tpu.memory_space<vmem>>, vector<16xf32>,
    %swap3A_54 = arith.constant 128 : index
    %swap3A_55 = tpu.vector_load %arg9[%swap3A_54] {strides = array<i32>} : memref<512xf32, #tpu.memory_space<vmem>>, vector<16xf32>,
    %swap3A_56 = vector.shape_cast %swap3A_55 : vector<16xf32> to vector<16xf32>
    %swap3A_57 = vector.shape_cast %scan3A_21#8 : vector<16xf32> to vector<16xf32>
    tpu.vector_store %arg9[%swap3A_54], %swap3A_57 {strides = array<i32>} : memref<512xf32, #tpu.memory_space<vmem>>, vector<16xf32>,
    %swap3A_58 = arith.constant 144 : index
    %swap3A_59 = tpu.vector_load %arg9[%swap3A_58] {strides = array<i32>} : memref<512xf32, #tpu.memory_space<vmem>>, vector<16xf32>,
    %swap3A_60 = vector.shape_cast %swap3A_59 : vector<16xf32> to vector<16xf32>
    %swap3A_61 = vector.shape_cast %scan3A_21#9 : vector<16xf32> to vector<16xf32>
    tpu.vector_store %arg9[%swap3A_58], %swap3A_61 {strides = array<i32>} : memref<512xf32, #tpu.memory_space<vmem>>, vector<16xf32>,
    %swap3A_62 = arith.constant 160 : index
    %swap3A_63 = tpu.vector_load %arg9[%swap3A_62] {strides = array<i32>} : memref<512xf32, #tpu.memory_space<vmem>>, vector<16xf32>,
    %swap3A_64 = vector.shape_cast %swap3A_63 : vector<16xf32> to vector<16xf32>
    %swap3A_65 = vector.shape_cast %scan3A_21#10 : vector<16xf32> to vector<16xf32>
    tpu.vector_store %arg9[%swap3A_62], %swap3A_65 {strides = array<i32>} : memref<512xf32, #tpu.memory_space<vmem>>, vector<16xf32>,
    %swap3A_66 = arith.constant 176 : index
    %swap3A_67 = tpu.vector_load %arg9[%swap3A_66] {strides = array<i32>} : memref<512xf32, #tpu.memory_space<vmem>>, vector<16xf32>,
    %swap3A_68 = vector.shape_cast %swap3A_67 : vector<16xf32> to vector<16xf32>
    %swap3A_69 = vector.shape_cast %scan3A_21#11 : vector<16xf32> to vector<16xf32>
    tpu.vector_store %arg9[%swap3A_66], %swap3A_69 {strides = array<i32>} : memref<512xf32, #tpu.memory_space<vmem>>, vector<16xf32>,
    %swap3A_70 = arith.constant 192 : index
    %swap3A_71 = tpu.vector_load %arg9[%swap3A_70] {strides = array<i32>} : memref<512xf32, #tpu.memory_space<vmem>>, vector<16xf32>,
    %swap3A_72 = vector.shape_cast %swap3A_71 : vector<16xf32> to vector<16xf32>
    %swap3A_73 = vector.shape_cast %scan3A_21#12 : vector<16xf32> to vector<16xf32>
    tpu.vector_store %arg9[%swap3A_70], %swap3A_73 {strides = array<i32>} : memref<512xf32, #tpu.memory_space<vmem>>, vector<16xf32>,
    %swap3A_74 = arith.constant 208 : index
    %swap3A_75 = tpu.vector_load %arg9[%swap3A_74] {strides = array<i32>} : memref<512xf32, #tpu.memory_space<vmem>>, vector<16xf32>,
    %swap3A_76 = vector.shape_cast %swap3A_75 : vector<16xf32> to vector<16xf32>
    %swap3A_77 = vector.shape_cast %scan3A_21#13 : vector<16xf32> to vector<16xf32>
    tpu.vector_store %arg9[%swap3A_74], %swap3A_77 {strides = array<i32>} : memref<512xf32, #tpu.memory_space<vmem>>, vector<16xf32>,
    %swap3A_78 = arith.constant 224 : index
    %swap3A_79 = tpu.vector_load %arg9[%swap3A_78] {strides = array<i32>} : memref<512xf32, #tpu.memory_space<vmem>>, vector<16xf32>,
    %swap3A_80 = vector.shape_cast %swap3A_79 : vector<16xf32> to vector<16xf32>
    %swap3A_81 = vector.shape_cast %scan3A_21#14 : vector<16xf32> to vector<16xf32>
    tpu.vector_store %arg9[%swap3A_78], %swap3A_81 {strides = array<i32>} : memref<512xf32, #tpu.memory_space<vmem>>, vector<16xf32>,
    %swap3A_82 = arith.constant 240 : index
    %swap3A_83 = tpu.vector_load %arg9[%swap3A_82] {strides = array<i32>} : memref<512xf32, #tpu.memory_space<vmem>>, vector<16xf32>,
    %swap3A_84 = vector.shape_cast %swap3A_83 : vector<16xf32> to vector<16xf32>
    %swap3A_85 = vector.shape_cast %scan3A_21#15 : vector<16xf32> to vector<16xf32>
    tpu.vector_store %arg9[%swap3A_82], %swap3A_85 {strides = array<i32>} : memref<512xf32, #tpu.memory_space<vmem>>, vector<16xf32>,
    %swap3A_86 = arith.constant 256 : index
    %swap3A_87 = tpu.vector_load %arg9[%swap3A_86] {strides = array<i32>} : memref<512xf32, #tpu.memory_space<vmem>>, vector<16xf32>,
    %swap3A_88 = vector.shape_cast %swap3A_87 : vector<16xf32> to vector<16xf32>
    %swap3A_89 = vector.shape_cast %scan3A_21#16 : vector<16xf32> to vector<16xf32>
    tpu.vector_store %arg9[%swap3A_86], %swap3A_89 {strides = array<i32>} : memref<512xf32, #tpu.memory_space<vmem>>, vector<16xf32>,
    %swap3A_90 = arith.constant 272 : index
    %swap3A_91 = tpu.vector_load %arg9[%swap3A_90] {strides = array<i32>} : memref<512xf32, #tpu.memory_space<vmem>>, vector<16xf32>,
    %swap3A_92 = vector.shape_cast %swap3A_91 : vector<16xf32> to vector<16xf32>
    %swap3A_93 = vector.shape_cast %scan3A_21#17 : vector<16xf32> to vector<16xf32>
    tpu.vector_store %arg9[%swap3A_90], %swap3A_93 {strides = array<i32>} : memref<512xf32, #tpu.memory_space<vmem>>, vector<16xf32>,
    %swap3A_94 = arith.constant 288 : index
    %swap3A_95 = tpu.vector_load %arg9[%swap3A_94] {strides = array<i32>} : memref<512xf32, #tpu.memory_space<vmem>>, vector<16xf32>,
    %swap3A_96 = vector.shape_cast %swap3A_95 : vector<16xf32> to vector<16xf32>
    %swap3A_97 = vector.shape_cast %scan3A_21#18 : vector<16xf32> to vector<16xf32>
    tpu.vector_store %arg9[%swap3A_94], %swap3A_97 {strides = array<i32>} : memref<512xf32, #tpu.memory_space<vmem>>, vector<16xf32>,
    %swap3A_98 = arith.constant 304 : index
    %swap3A_99 = tpu.vector_load %arg9[%swap3A_98] {strides = array<i32>} : memref<512xf32, #tpu.memory_space<vmem>>, vector<16xf32>,
    %swap3A_100 = vector.shape_cast %swap3A_99 : vector<16xf32> to vector<16xf32>
    %swap3A_101 = vector.shape_cast %scan3A_21#19 : vector<16xf32> to vector<16xf32>
    tpu.vector_store %arg9[%swap3A_98], %swap3A_101 {strides = array<i32>} : memref<512xf32, #tpu.memory_space<vmem>>, vector<16xf32>,
    %swap3A_102 = arith.constant 320 : index
    %swap3A_103 = tpu.vector_load %arg9[%swap3A_102] {strides = array<i32>} : memref<512xf32, #tpu.memory_space<vmem>>, vector<16xf32>,
    %swap3A_104 = vector.shape_cast %swap3A_103 : vector<16xf32> to vector<16xf32>
    %swap3A_105 = vector.shape_cast %scan3A_21#20 : vector<16xf32> to vector<16xf32>
    tpu.vector_store %arg9[%swap3A_102], %swap3A_105 {strides = array<i32>} : memref<512xf32, #tpu.memory_space<vmem>>, vector<16xf32>,
    %swap3A_106 = arith.constant 336 : index
    %swap3A_107 = tpu.vector_load %arg9[%swap3A_106] {strides = array<i32>} : memref<512xf32, #tpu.memory_space<vmem>>, vector<16xf32>,
    %swap3A_108 = vector.shape_cast %swap3A_107 : vector<16xf32> to vector<16xf32>
    %swap3A_109 = vector.shape_cast %scan3A_21#21 : vector<16xf32> to vector<16xf32>
    tpu.vector_store %arg9[%swap3A_106], %swap3A_109 {strides = array<i32>} : memref<512xf32, #tpu.memory_space<vmem>>, vector<16xf32>,
    %swap3A_110 = arith.constant 352 : index
    %swap3A_111 = tpu.vector_load %arg9[%swap3A_110] {strides = array<i32>} : memref<512xf32, #tpu.memory_space<vmem>>, vector<16xf32>,
    %swap3A_112 = vector.shape_cast %swap3A_111 : vector<16xf32> to vector<16xf32>
    %swap3A_113 = vector.shape_cast %scan3A_21#22 : vector<16xf32> to vector<16xf32>
    tpu.vector_store %arg9[%swap3A_110], %swap3A_113 {strides = array<i32>} : memref<512xf32, #tpu.memory_space<vmem>>, vector<16xf32>,
    %swap3A_114 = arith.constant 368 : index
    %swap3A_115 = tpu.vector_load %arg9[%swap3A_114] {strides = array<i32>} : memref<512xf32, #tpu.memory_space<vmem>>, vector<16xf32>,
    %swap3A_116 = vector.shape_cast %swap3A_115 : vector<16xf32> to vector<16xf32>
    %swap3A_117 = vector.shape_cast %scan3A_21#23 : vector<16xf32> to vector<16xf32>
    tpu.vector_store %arg9[%swap3A_114], %swap3A_117 {strides = array<i32>} : memref<512xf32, #tpu.memory_space<vmem>>, vector<16xf32>,
    %swap3A_118 = arith.constant 384 : index
    %swap3A_119 = tpu.vector_load %arg9[%swap3A_118] {strides = array<i32>} : memref<512xf32, #tpu.memory_space<vmem>>, vector<16xf32>,
    %swap3A_120 = vector.shape_cast %swap3A_119 : vector<16xf32> to vector<16xf32>
    %swap3A_121 = vector.shape_cast %scan3A_21#24 : vector<16xf32> to vector<16xf32>
    tpu.vector_store %arg9[%swap3A_118], %swap3A_121 {strides = array<i32>} : memref<512xf32, #tpu.memory_space<vmem>>, vector<16xf32>,
    %swap3A_122 = arith.constant 400 : index
    %swap3A_123 = tpu.vector_load %arg9[%swap3A_122] {strides = array<i32>} : memref<512xf32, #tpu.memory_space<vmem>>, vector<16xf32>,
    %swap3A_124 = vector.shape_cast %swap3A_123 : vector<16xf32> to vector<16xf32>
    %swap3A_125 = vector.shape_cast %scan3A_21#25 : vector<16xf32> to vector<16xf32>
    tpu.vector_store %arg9[%swap3A_122], %swap3A_125 {strides = array<i32>} : memref<512xf32, #tpu.memory_space<vmem>>, vector<16xf32>,
    %swap3A_126 = arith.constant 416 : index
    %swap3A_127 = tpu.vector_load %arg9[%swap3A_126] {strides = array<i32>} : memref<512xf32, #tpu.memory_space<vmem>>, vector<16xf32>,
    %swap3A_128 = vector.shape_cast %swap3A_127 : vector<16xf32> to vector<16xf32>
    %swap3A_129 = vector.shape_cast %scan3A_21#26 : vector<16xf32> to vector<16xf32>
    tpu.vector_store %arg9[%swap3A_126], %swap3A_129 {strides = array<i32>} : memref<512xf32, #tpu.memory_space<vmem>>, vector<16xf32>,
    "tpu.region"() ({
      %run_scoped3A = tpu.sem_alloc : memref<!tpu.dma_semaphore, #tpu.memory_space<semaphore_mem>>
      %dma_start3A_130 = arith.constant 0 : i32
      %dma_start3A_131 = tpu.memref_slice %arg4[%add3A, %dma_start3A_130] : memref<32x512xf32, #tpu.memory_space<hbm>> -> memref<1x512xf32, #tpu.memory_space<hbm>>
      %dma_start3A_132 = tpu.memref_squeeze %dma_start3A_131 : memref<1x512xf32, #tpu.memory_space<hbm>> -> memref<512xf32, #tpu.memory_space<hbm>>
      %dma_start3A_133 = arith.constant 0 : i32
      %dma_start3A_134 = tpu.memref_slice %arg4[%add3A, %dma_start3A_133] : memref<32x512xf32, #tpu.memory_space<hbm>> -> memref<1x512xf32, #tpu.memory_space<hbm>>
      %dma_start3A_135 = tpu.memref_squeeze %dma_start3A_134 : memref<1x512xf32, #tpu.memory_space<hbm>> -> memref<512xf32, #tpu.memory_space<hbm>>
      tpu.enqueue_dma source(%arg9 : memref<512xf32, #tpu.memory_space<vmem>>) target(%dma_start3A_135 : memref<512xf32, #tpu.memory_space<hbm>>) target_semaphore(%run_scoped3A : memref<!tpu.dma_semaphore, #tpu.memory_space<semaphore_mem>>)
      %dma_wait3A = arith.constant 0 : i32
      %dma_wait3A_136 = tpu.memref_slice %arg4[%add3A, %dma_wait3A] : memref<32x512xf32, #tpu.memory_space<hbm>> -> memref<1x512xf32, #tpu.memory_space<hbm>>
      %dma_wait3A_137 = tpu.memref_squeeze %dma_wait3A_136 : memref<1x512xf32, #tpu.memory_space<hbm>> -> memref<512xf32, #tpu.memory_space<hbm>>
      %dma_wait3A_138 = arith.constant 0 : i32
      %dma_wait3A_139 = tpu.memref_slice %arg4[%add3A, %dma_wait3A_138] : memref<32x512xf32, #tpu.memory_space<hbm>> -> memref<1x512xf32, #tpu.memory_space<hbm>>
      %dma_wait3A_140 = tpu.memref_squeeze %dma_wait3A_139 : memref<1x512xf32, #tpu.memory_space<hbm>> -> memref<512xf32, #tpu.memory_space<hbm>>
      tpu.wait_dma2 semaphore(%run_scoped3A : memref<!tpu.dma_semaphore, #tpu.memory_space<semaphore_mem>>) src(%arg9 : memref<512xf32, #tpu.memory_space<vmem>>) dst(%dma_wait3A_140 : memref<512xf32, #tpu.memory_space<hbm>>)
      tpu.yield
    }) : () -> ()
    return
  }
}

module attributes {stable_mosaic.version = 14 : i64} {
  func.func @_tc_partial_kernel(%arg0: i32, %arg1: memref<1024x128xf32, #tpu.memory_space<vmem>>, %arg2: memref<1024x128xf32, #tpu.memory_space<vmem>>, %arg3: memref<1x27xf32, #tpu.memory_space<smem>>, %arg4: memref<23x8x128xf32, #tpu.memory_space<vmem>>, %arg5: memref<4x8x128xf32, #tpu.memory_space<vmem>>) attributes {dimension_semantics = [#tpu.dimension_semantics<arbitrary>], iteration_bounds = array<i64: 96>, scalar_prefetch = 0 : i64, scratch_operands = 2 : i64, tpu.core_type = #tpu.core_type<tc>, window_params = [{transform_indices = @transform_0, window_bounds = array<i64: 1024, 128>}, {transform_indices = @transform_1, window_bounds = array<i64: 1024, 128>}, {transform_indices = @transform_2, window_bounds = array<i64: 1, 27>}]} {
    %eq3A = arith.constant 0 : i32
    %eq3A_0 = arith.cmpi eq, %arg0, %eq3A : i32
    %convert_element_type3A = arith.extui %eq3A_0 : i1 to i32
    %cond3A = arith.constant 0 : i32
    %cond3A_1 = arith.cmpi ne, %convert_element_type3A, %cond3A : i32
    scf.if %cond3A_1 {
      %broadcast_in_dim3A = arith.constant 0.000000e+00 : f32
      %broadcast_in_dim3A_462 = vector.broadcast %broadcast_in_dim3A : f32 to vector<23x8x128xf32>
      %swap3A_463 = arith.constant 0 : index
      %swap3A_464 = arith.constant 0 : index
      %swap3A_465 = arith.constant 0 : index
      %swap3A_466 = vector.load %arg4[%swap3A_463, %swap3A_464, %swap3A_465] : memref<23x8x128xf32, #tpu.memory_space<vmem>>, vector<23x8x128xf32>
      tpu.vector_store %arg4[%swap3A_463, %swap3A_464, %swap3A_465], %broadcast_in_dim3A_462 {strides = array<i32>} : memref<23x8x128xf32, #tpu.memory_space<vmem>>, vector<23x8x128xf32>,
      %broadcast_in_dim3A_467 = arith.constant 0x7F800000 : f32
      %broadcast_in_dim3A_468 = vector.broadcast %broadcast_in_dim3A_467 : f32 to vector<8x128xf32>
      %swap3A_469 = arith.constant 0 : index
      %swap3A_470 = arith.constant 0 : index
      %swap3A_471 = arith.constant 0 : index
      %swap3A_472 = vector.load %arg5[%swap3A_469, %swap3A_470, %swap3A_471] : memref<4x8x128xf32, #tpu.memory_space<vmem>>, vector<1x8x128xf32>
      %swap3A_473 = vector.shape_cast %swap3A_472 : vector<1x8x128xf32> to vector<8x128xf32>
      %swap3A_474 = vector.shape_cast %broadcast_in_dim3A_468 : vector<8x128xf32> to vector<1x8x128xf32>
      tpu.vector_store %arg5[%swap3A_469, %swap3A_470, %swap3A_471], %swap3A_474 {strides = array<i32>} : memref<4x8x128xf32, #tpu.memory_space<vmem>>, vector<1x8x128xf32>,
      %neg3A = arith.constant 0.000000e+00 : f32
      %neg3A_475 = vector.broadcast %neg3A : f32 to vector<8x128xf32>
      %neg3A_476 = arith.subf %neg3A_475, %broadcast_in_dim3A_468 : vector<8x128xf32>
      %swap3A_477 = arith.constant 1 : index
      %swap3A_478 = arith.constant 0 : index
      %swap3A_479 = arith.constant 0 : index
      %swap3A_480 = vector.load %arg5[%swap3A_477, %swap3A_478, %swap3A_479] : memref<4x8x128xf32, #tpu.memory_space<vmem>>, vector<1x8x128xf32>
      %swap3A_481 = vector.shape_cast %swap3A_480 : vector<1x8x128xf32> to vector<8x128xf32>
      %swap3A_482 = vector.shape_cast %neg3A_476 : vector<8x128xf32> to vector<1x8x128xf32>
      tpu.vector_store %arg5[%swap3A_477, %swap3A_478, %swap3A_479], %swap3A_482 {strides = array<i32>} : memref<4x8x128xf32, #tpu.memory_space<vmem>>, vector<1x8x128xf32>,
      %swap3A_483 = arith.constant 2 : index
      %swap3A_484 = arith.constant 0 : index
      %swap3A_485 = arith.constant 0 : index
      %swap3A_486 = vector.load %arg5[%swap3A_483, %swap3A_484, %swap3A_485] : memref<4x8x128xf32, #tpu.memory_space<vmem>>, vector<1x8x128xf32>
      %swap3A_487 = vector.shape_cast %swap3A_486 : vector<1x8x128xf32> to vector<8x128xf32>
      %swap3A_488 = vector.shape_cast %broadcast_in_dim3A_468 : vector<8x128xf32> to vector<1x8x128xf32>
      tpu.vector_store %arg5[%swap3A_483, %swap3A_484, %swap3A_485], %swap3A_488 {strides = array<i32>} : memref<4x8x128xf32, #tpu.memory_space<vmem>>, vector<1x8x128xf32>,
      %neg3A_489 = arith.constant 0.000000e+00 : f32
      %neg3A_490 = vector.broadcast %neg3A_489 : f32 to vector<8x128xf32>
      %neg3A_491 = arith.subf %neg3A_490, %broadcast_in_dim3A_468 : vector<8x128xf32>
      %swap3A_492 = arith.constant 3 : index
      %swap3A_493 = arith.constant 0 : index
      %swap3A_494 = arith.constant 0 : index
      %swap3A_495 = vector.load %arg5[%swap3A_492, %swap3A_493, %swap3A_494] : memref<4x8x128xf32, #tpu.memory_space<vmem>>, vector<1x8x128xf32>
      %swap3A_496 = vector.shape_cast %swap3A_495 : vector<1x8x128xf32> to vector<8x128xf32>
      %swap3A_497 = vector.shape_cast %neg3A_491 : vector<8x128xf32> to vector<1x8x128xf32>
      tpu.vector_store %arg5[%swap3A_492, %swap3A_493, %swap3A_494], %swap3A_497 {strides = array<i32>} : memref<4x8x128xf32, #tpu.memory_space<vmem>>, vector<1x8x128xf32>,
    } else {
    }
    %get3A = arith.constant 0 : index
    %get3A_2 = arith.constant 0 : index
    %get3A_3 = vector.load %arg1[%get3A, %get3A_2] : memref<1024x128xf32, #tpu.memory_space<vmem>>, vector<1024x128xf32>
    %get3A_4 = arith.constant 0 : index
    %get3A_5 = arith.constant 0 : index
    %get3A_6 = vector.load %arg2[%get3A_4, %get3A_5] : memref<1024x128xf32, #tpu.memory_space<vmem>>, vector<1024x128xf32>
    %sub3A = arith.subf %get3A_3, %get3A_6 : vector<1024x128xf32>
    %mul3A = arith.mulf %sub3A, %sub3A : vector<1024x128xf32>
    %gt3A = arith.constant 1.000000e-01 : f32
    %gt3A_7 = vector.broadcast %gt3A : f32 to vector<1024x128xf32>
    %gt3A_8 = arith.cmpf ogt, %get3A_6, %gt3A_7 : vector<1024x128xf32>
    %convert_element_type3A_9 = arith.extui %gt3A_8 : vector<1024x128xi1> to vector<1024x128xi32>
    %convert_element_type3A_10 = arith.sitofp %convert_element_type3A_9 : vector<1024x128xi32> to vector<1024x128xf32>
    %get3A_11 = arith.constant 0 : index
    %get3A_12 = arith.constant 0 : index
    %get3A_13 = arith.constant 0 : index
    %get3A_14 = vector.load %arg4[%get3A_11, %get3A_12, %get3A_13] : memref<23x8x128xf32, #tpu.memory_space<vmem>>, vector<1x8x128xf32>
    %get3A_15 = vector.shape_cast %get3A_14 : vector<1x8x128xf32> to vector<8x128xf32>
    %reshape3A = vector.shape_cast %convert_element_type3A_10 : vector<1024x128xf32> to vector<128x8x128xf32>
    %reduce_sum3A = arith.constant dense<0.000000e+00> : vector<8x128xf32>
    %reduce_sum3A_16 = vector.multi_reduction <add>, %reshape3A, %reduce_sum3A [0] : vector<128x8x128xf32> to vector<8x128xf32>
    %add3A = arith.addf %get3A_15, %reduce_sum3A_16 : vector<8x128xf32>
    %swap3A = arith.constant 0 : index
    %swap3A_17 = arith.constant 0 : index
    %swap3A_18 = arith.constant 0 : index
    %swap3A_19 = vector.load %arg4[%swap3A, %swap3A_17, %swap3A_18] : memref<23x8x128xf32, #tpu.memory_space<vmem>>, vector<1x8x128xf32>
    %swap3A_20 = vector.shape_cast %swap3A_19 : vector<1x8x128xf32> to vector<8x128xf32>
    %swap3A_21 = vector.shape_cast %add3A : vector<8x128xf32> to vector<1x8x128xf32>
    tpu.vector_store %arg4[%swap3A, %swap3A_17, %swap3A_18], %swap3A_21 {strides = array<i32>} : memref<23x8x128xf32, #tpu.memory_space<vmem>>, vector<1x8x128xf32>,
    %get3A_22 = arith.constant 9 : index
    %get3A_23 = arith.constant 0 : index
    %get3A_24 = arith.constant 0 : index
    %get3A_25 = vector.load %arg4[%get3A_22, %get3A_23, %get3A_24] : memref<23x8x128xf32, #tpu.memory_space<vmem>>, vector<1x8x128xf32>
    %get3A_26 = vector.shape_cast %get3A_25 : vector<1x8x128xf32> to vector<8x128xf32>
    %mul3A_27 = arith.mulf %convert_element_type3A_10, %mul3A : vector<1024x128xf32>
    %reshape3A_28 = vector.shape_cast %mul3A_27 : vector<1024x128xf32> to vector<128x8x128xf32>
    %reduce_sum3A_29 = arith.constant dense<0.000000e+00> : vector<8x128xf32>
    %reduce_sum3A_30 = vector.multi_reduction <add>, %reshape3A_28, %reduce_sum3A_29 [0] : vector<128x8x128xf32> to vector<8x128xf32>
    %add3A_31 = arith.addf %get3A_26, %reduce_sum3A_30 : vector<8x128xf32>
    %swap3A_32 = arith.constant 9 : index
    %swap3A_33 = arith.constant 0 : index
    %swap3A_34 = arith.constant 0 : index
    %swap3A_35 = vector.load %arg4[%swap3A_32, %swap3A_33, %swap3A_34] : memref<23x8x128xf32, #tpu.memory_space<vmem>>, vector<1x8x128xf32>
    %swap3A_36 = vector.shape_cast %swap3A_35 : vector<1x8x128xf32> to vector<8x128xf32>
    %swap3A_37 = vector.shape_cast %add3A_31 : vector<8x128xf32> to vector<1x8x128xf32>
    tpu.vector_store %arg4[%swap3A_32, %swap3A_33, %swap3A_34], %swap3A_37 {strides = array<i32>} : memref<23x8x128xf32, #tpu.memory_space<vmem>>, vector<1x8x128xf32>,
    %gt3A_38 = arith.constant 2.000000e-01 : f32
    %gt3A_39 = vector.broadcast %gt3A_38 : f32 to vector<1024x128xf32>
    %gt3A_40 = arith.cmpf ogt, %get3A_6, %gt3A_39 : vector<1024x128xf32>
    %convert_element_type3A_41 = arith.extui %gt3A_40 : vector<1024x128xi1> to vector<1024x128xi32>
    %convert_element_type3A_42 = arith.sitofp %convert_element_type3A_41 : vector<1024x128xi32> to vector<1024x128xf32>
    %get3A_43 = arith.constant 1 : index
    %get3A_44 = arith.constant 0 : index
    %get3A_45 = arith.constant 0 : index
    %get3A_46 = vector.load %arg4[%get3A_43, %get3A_44, %get3A_45] : memref<23x8x128xf32, #tpu.memory_space<vmem>>, vector<1x8x128xf32>
    %get3A_47 = vector.shape_cast %get3A_46 : vector<1x8x128xf32> to vector<8x128xf32>
    %reshape3A_48 = vector.shape_cast %convert_element_type3A_42 : vector<1024x128xf32> to vector<128x8x128xf32>
    %reduce_sum3A_49 = arith.constant dense<0.000000e+00> : vector<8x128xf32>
    %reduce_sum3A_50 = vector.multi_reduction <add>, %reshape3A_48, %reduce_sum3A_49 [0] : vector<128x8x128xf32> to vector<8x128xf32>
    %add3A_51 = arith.addf %get3A_47, %reduce_sum3A_50 : vector<8x128xf32>
    %swap3A_52 = arith.constant 1 : index
    %swap3A_53 = arith.constant 0 : index
    %swap3A_54 = arith.constant 0 : index
    %swap3A_55 = vector.load %arg4[%swap3A_52, %swap3A_53, %swap3A_54] : memref<23x8x128xf32, #tpu.memory_space<vmem>>, vector<1x8x128xf32>
    %swap3A_56 = vector.shape_cast %swap3A_55 : vector<1x8x128xf32> to vector<8x128xf32>
    %swap3A_57 = vector.shape_cast %add3A_51 : vector<8x128xf32> to vector<1x8x128xf32>
    tpu.vector_store %arg4[%swap3A_52, %swap3A_53, %swap3A_54], %swap3A_57 {strides = array<i32>} : memref<23x8x128xf32, #tpu.memory_space<vmem>>, vector<1x8x128xf32>,
    %get3A_58 = arith.constant 10 : index
    %get3A_59 = arith.constant 0 : index
    %get3A_60 = arith.constant 0 : index
    %get3A_61 = vector.load %arg4[%get3A_58, %get3A_59, %get3A_60] : memref<23x8x128xf32, #tpu.memory_space<vmem>>, vector<1x8x128xf32>
    %get3A_62 = vector.shape_cast %get3A_61 : vector<1x8x128xf32> to vector<8x128xf32>
    %mul3A_63 = arith.mulf %convert_element_type3A_42, %mul3A : vector<1024x128xf32>
    %reshape3A_64 = vector.shape_cast %mul3A_63 : vector<1024x128xf32> to vector<128x8x128xf32>
    %reduce_sum3A_65 = arith.constant dense<0.000000e+00> : vector<8x128xf32>
    %reduce_sum3A_66 = vector.multi_reduction <add>, %reshape3A_64, %reduce_sum3A_65 [0] : vector<128x8x128xf32> to vector<8x128xf32>
    %add3A_67 = arith.addf %get3A_62, %reduce_sum3A_66 : vector<8x128xf32>
    %swap3A_68 = arith.constant 10 : index
    %swap3A_69 = arith.constant 0 : index
    %swap3A_70 = arith.constant 0 : index
    %swap3A_71 = vector.load %arg4[%swap3A_68, %swap3A_69, %swap3A_70] : memref<23x8x128xf32, #tpu.memory_space<vmem>>, vector<1x8x128xf32>
    %swap3A_72 = vector.shape_cast %swap3A_71 : vector<1x8x128xf32> to vector<8x128xf32>
    %swap3A_73 = vector.shape_cast %add3A_67 : vector<8x128xf32> to vector<1x8x128xf32>
    tpu.vector_store %arg4[%swap3A_68, %swap3A_69, %swap3A_70], %swap3A_73 {strides = array<i32>} : memref<23x8x128xf32, #tpu.memory_space<vmem>>, vector<1x8x128xf32>,
    %gt3A_74 = arith.constant 3.000000e-01 : f32
    %gt3A_75 = vector.broadcast %gt3A_74 : f32 to vector<1024x128xf32>
    %gt3A_76 = arith.cmpf ogt, %get3A_6, %gt3A_75 : vector<1024x128xf32>
    %convert_element_type3A_77 = arith.extui %gt3A_76 : vector<1024x128xi1> to vector<1024x128xi32>
    %convert_element_type3A_78 = arith.sitofp %convert_element_type3A_77 : vector<1024x128xi32> to vector<1024x128xf32>
    %get3A_79 = arith.constant 2 : index
    %get3A_80 = arith.constant 0 : index
    %get3A_81 = arith.constant 0 : index
    %get3A_82 = vector.load %arg4[%get3A_79, %get3A_80, %get3A_81] : memref<23x8x128xf32, #tpu.memory_space<vmem>>, vector<1x8x128xf32>
    %get3A_83 = vector.shape_cast %get3A_82 : vector<1x8x128xf32> to vector<8x128xf32>
    %reshape3A_84 = vector.shape_cast %convert_element_type3A_78 : vector<1024x128xf32> to vector<128x8x128xf32>
    %reduce_sum3A_85 = arith.constant dense<0.000000e+00> : vector<8x128xf32>
    %reduce_sum3A_86 = vector.multi_reduction <add>, %reshape3A_84, %reduce_sum3A_85 [0] : vector<128x8x128xf32> to vector<8x128xf32>
    %add3A_87 = arith.addf %get3A_83, %reduce_sum3A_86 : vector<8x128xf32>
    %swap3A_88 = arith.constant 2 : index
    %swap3A_89 = arith.constant 0 : index
    %swap3A_90 = arith.constant 0 : index
    %swap3A_91 = vector.load %arg4[%swap3A_88, %swap3A_89, %swap3A_90] : memref<23x8x128xf32, #tpu.memory_space<vmem>>, vector<1x8x128xf32>
    %swap3A_92 = vector.shape_cast %swap3A_91 : vector<1x8x128xf32> to vector<8x128xf32>
    %swap3A_93 = vector.shape_cast %add3A_87 : vector<8x128xf32> to vector<1x8x128xf32>
    tpu.vector_store %arg4[%swap3A_88, %swap3A_89, %swap3A_90], %swap3A_93 {strides = array<i32>} : memref<23x8x128xf32, #tpu.memory_space<vmem>>, vector<1x8x128xf32>,
    %get3A_94 = arith.constant 11 : index
    %get3A_95 = arith.constant 0 : index
    %get3A_96 = arith.constant 0 : index
    %get3A_97 = vector.load %arg4[%get3A_94, %get3A_95, %get3A_96] : memref<23x8x128xf32, #tpu.memory_space<vmem>>, vector<1x8x128xf32>
    %get3A_98 = vector.shape_cast %get3A_97 : vector<1x8x128xf32> to vector<8x128xf32>
    %mul3A_99 = arith.mulf %convert_element_type3A_78, %mul3A : vector<1024x128xf32>
    %reshape3A_100 = vector.shape_cast %mul3A_99 : vector<1024x128xf32> to vector<128x8x128xf32>
    %reduce_sum3A_101 = arith.constant dense<0.000000e+00> : vector<8x128xf32>
    %reduce_sum3A_102 = vector.multi_reduction <add>, %reshape3A_100, %reduce_sum3A_101 [0] : vector<128x8x128xf32> to vector<8x128xf32>
    %add3A_103 = arith.addf %get3A_98, %reduce_sum3A_102 : vector<8x128xf32>
    %swap3A_104 = arith.constant 11 : index
    %swap3A_105 = arith.constant 0 : index
    %swap3A_106 = arith.constant 0 : index
    %swap3A_107 = vector.load %arg4[%swap3A_104, %swap3A_105, %swap3A_106] : memref<23x8x128xf32, #tpu.memory_space<vmem>>, vector<1x8x128xf32>
    %swap3A_108 = vector.shape_cast %swap3A_107 : vector<1x8x128xf32> to vector<8x128xf32>
    %swap3A_109 = vector.shape_cast %add3A_103 : vector<8x128xf32> to vector<1x8x128xf32>
    tpu.vector_store %arg4[%swap3A_104, %swap3A_105, %swap3A_106], %swap3A_109 {strides = array<i32>} : memref<23x8x128xf32, #tpu.memory_space<vmem>>, vector<1x8x128xf32>,
    %gt3A_110 = arith.constant 4.000000e-01 : f32
    %gt3A_111 = vector.broadcast %gt3A_110 : f32 to vector<1024x128xf32>
    %gt3A_112 = arith.cmpf ogt, %get3A_6, %gt3A_111 : vector<1024x128xf32>
    %convert_element_type3A_113 = arith.extui %gt3A_112 : vector<1024x128xi1> to vector<1024x128xi32>
    %convert_element_type3A_114 = arith.sitofp %convert_element_type3A_113 : vector<1024x128xi32> to vector<1024x128xf32>
    %get3A_115 = arith.constant 3 : index
    %get3A_116 = arith.constant 0 : index
    %get3A_117 = arith.constant 0 : index
    %get3A_118 = vector.load %arg4[%get3A_115, %get3A_116, %get3A_117] : memref<23x8x128xf32, #tpu.memory_space<vmem>>, vector<1x8x128xf32>
    %get3A_119 = vector.shape_cast %get3A_118 : vector<1x8x128xf32> to vector<8x128xf32>
    %reshape3A_120 = vector.shape_cast %convert_element_type3A_114 : vector<1024x128xf32> to vector<128x8x128xf32>
    %reduce_sum3A_121 = arith.constant dense<0.000000e+00> : vector<8x128xf32>
    %reduce_sum3A_122 = vector.multi_reduction <add>, %reshape3A_120, %reduce_sum3A_121 [0] : vector<128x8x128xf32> to vector<8x128xf32>
    %add3A_123 = arith.addf %get3A_119, %reduce_sum3A_122 : vector<8x128xf32>
    %swap3A_124 = arith.constant 3 : index
    %swap3A_125 = arith.constant 0 : index
    %swap3A_126 = arith.constant 0 : index
    %swap3A_127 = vector.load %arg4[%swap3A_124, %swap3A_125, %swap3A_126] : memref<23x8x128xf32, #tpu.memory_space<vmem>>, vector<1x8x128xf32>
    %swap3A_128 = vector.shape_cast %swap3A_127 : vector<1x8x128xf32> to vector<8x128xf32>
    %swap3A_129 = vector.shape_cast %add3A_123 : vector<8x128xf32> to vector<1x8x128xf32>
    tpu.vector_store %arg4[%swap3A_124, %swap3A_125, %swap3A_126], %swap3A_129 {strides = array<i32>} : memref<23x8x128xf32, #tpu.memory_space<vmem>>, vector<1x8x128xf32>,
    %get3A_130 = arith.constant 12 : index
    %get3A_131 = arith.constant 0 : index
    %get3A_132 = arith.constant 0 : index
    %get3A_133 = vector.load %arg4[%get3A_130, %get3A_131, %get3A_132] : memref<23x8x128xf32, #tpu.memory_space<vmem>>, vector<1x8x128xf32>
    %get3A_134 = vector.shape_cast %get3A_133 : vector<1x8x128xf32> to vector<8x128xf32>
    %mul3A_135 = arith.mulf %convert_element_type3A_114, %mul3A : vector<1024x128xf32>
    %reshape3A_136 = vector.shape_cast %mul3A_135 : vector<1024x128xf32> to vector<128x8x128xf32>
    %reduce_sum3A_137 = arith.constant dense<0.000000e+00> : vector<8x128xf32>
    %reduce_sum3A_138 = vector.multi_reduction <add>, %reshape3A_136, %reduce_sum3A_137 [0] : vector<128x8x128xf32> to vector<8x128xf32>
    %add3A_139 = arith.addf %get3A_134, %reduce_sum3A_138 : vector<8x128xf32>
    %swap3A_140 = arith.constant 12 : index
    %swap3A_141 = arith.constant 0 : index
    %swap3A_142 = arith.constant 0 : index
    %swap3A_143 = vector.load %arg4[%swap3A_140, %swap3A_141, %swap3A_142] : memref<23x8x128xf32, #tpu.memory_space<vmem>>, vector<1x8x128xf32>
    %swap3A_144 = vector.shape_cast %swap3A_143 : vector<1x8x128xf32> to vector<8x128xf32>
    %swap3A_145 = vector.shape_cast %add3A_139 : vector<8x128xf32> to vector<1x8x128xf32>
    tpu.vector_store %arg4[%swap3A_140, %swap3A_141, %swap3A_142], %swap3A_145 {strides = array<i32>} : memref<23x8x128xf32, #tpu.memory_space<vmem>>, vector<1x8x128xf32>,
    %gt3A_146 = arith.constant 5.000000e-01 : f32
    %gt3A_147 = vector.broadcast %gt3A_146 : f32 to vector<1024x128xf32>
    %gt3A_148 = arith.cmpf ogt, %get3A_6, %gt3A_147 : vector<1024x128xf32>
    %convert_element_type3A_149 = arith.extui %gt3A_148 : vector<1024x128xi1> to vector<1024x128xi32>
    %convert_element_type3A_150 = arith.sitofp %convert_element_type3A_149 : vector<1024x128xi32> to vector<1024x128xf32>
    %get3A_151 = arith.constant 4 : index
    %get3A_152 = arith.constant 0 : index
    %get3A_153 = arith.constant 0 : index
    %get3A_154 = vector.load %arg4[%get3A_151, %get3A_152, %get3A_153] : memref<23x8x128xf32, #tpu.memory_space<vmem>>, vector<1x8x128xf32>
    %get3A_155 = vector.shape_cast %get3A_154 : vector<1x8x128xf32> to vector<8x128xf32>
    %reshape3A_156 = vector.shape_cast %convert_element_type3A_150 : vector<1024x128xf32> to vector<128x8x128xf32>
    %reduce_sum3A_157 = arith.constant dense<0.000000e+00> : vector<8x128xf32>
    %reduce_sum3A_158 = vector.multi_reduction <add>, %reshape3A_156, %reduce_sum3A_157 [0] : vector<128x8x128xf32> to vector<8x128xf32>
    %add3A_159 = arith.addf %get3A_155, %reduce_sum3A_158 : vector<8x128xf32>
    %swap3A_160 = arith.constant 4 : index
    %swap3A_161 = arith.constant 0 : index
    %swap3A_162 = arith.constant 0 : index
    %swap3A_163 = vector.load %arg4[%swap3A_160, %swap3A_161, %swap3A_162] : memref<23x8x128xf32, #tpu.memory_space<vmem>>, vector<1x8x128xf32>
    %swap3A_164 = vector.shape_cast %swap3A_163 : vector<1x8x128xf32> to vector<8x128xf32>
    %swap3A_165 = vector.shape_cast %add3A_159 : vector<8x128xf32> to vector<1x8x128xf32>
    tpu.vector_store %arg4[%swap3A_160, %swap3A_161, %swap3A_162], %swap3A_165 {strides = array<i32>} : memref<23x8x128xf32, #tpu.memory_space<vmem>>, vector<1x8x128xf32>,
    %get3A_166 = arith.constant 13 : index
    %get3A_167 = arith.constant 0 : index
    %get3A_168 = arith.constant 0 : index
    %get3A_169 = vector.load %arg4[%get3A_166, %get3A_167, %get3A_168] : memref<23x8x128xf32, #tpu.memory_space<vmem>>, vector<1x8x128xf32>
    %get3A_170 = vector.shape_cast %get3A_169 : vector<1x8x128xf32> to vector<8x128xf32>
    %mul3A_171 = arith.mulf %convert_element_type3A_150, %mul3A : vector<1024x128xf32>
    %reshape3A_172 = vector.shape_cast %mul3A_171 : vector<1024x128xf32> to vector<128x8x128xf32>
    %reduce_sum3A_173 = arith.constant dense<0.000000e+00> : vector<8x128xf32>
    %reduce_sum3A_174 = vector.multi_reduction <add>, %reshape3A_172, %reduce_sum3A_173 [0] : vector<128x8x128xf32> to vector<8x128xf32>
    %add3A_175 = arith.addf %get3A_170, %reduce_sum3A_174 : vector<8x128xf32>
    %swap3A_176 = arith.constant 13 : index
    %swap3A_177 = arith.constant 0 : index
    %swap3A_178 = arith.constant 0 : index
    %swap3A_179 = vector.load %arg4[%swap3A_176, %swap3A_177, %swap3A_178] : memref<23x8x128xf32, #tpu.memory_space<vmem>>, vector<1x8x128xf32>
    %swap3A_180 = vector.shape_cast %swap3A_179 : vector<1x8x128xf32> to vector<8x128xf32>
    %swap3A_181 = vector.shape_cast %add3A_175 : vector<8x128xf32> to vector<1x8x128xf32>
    tpu.vector_store %arg4[%swap3A_176, %swap3A_177, %swap3A_178], %swap3A_181 {strides = array<i32>} : memref<23x8x128xf32, #tpu.memory_space<vmem>>, vector<1x8x128xf32>,
    %gt3A_182 = arith.constant 6.000000e-01 : f32
    %gt3A_183 = vector.broadcast %gt3A_182 : f32 to vector<1024x128xf32>
    %gt3A_184 = arith.cmpf ogt, %get3A_6, %gt3A_183 : vector<1024x128xf32>
    %convert_element_type3A_185 = arith.extui %gt3A_184 : vector<1024x128xi1> to vector<1024x128xi32>
    %convert_element_type3A_186 = arith.sitofp %convert_element_type3A_185 : vector<1024x128xi32> to vector<1024x128xf32>
    %get3A_187 = arith.constant 5 : index
    %get3A_188 = arith.constant 0 : index
    %get3A_189 = arith.constant 0 : index
    %get3A_190 = vector.load %arg4[%get3A_187, %get3A_188, %get3A_189] : memref<23x8x128xf32, #tpu.memory_space<vmem>>, vector<1x8x128xf32>
    %get3A_191 = vector.shape_cast %get3A_190 : vector<1x8x128xf32> to vector<8x128xf32>
    %reshape3A_192 = vector.shape_cast %convert_element_type3A_186 : vector<1024x128xf32> to vector<128x8x128xf32>
    %reduce_sum3A_193 = arith.constant dense<0.000000e+00> : vector<8x128xf32>
    %reduce_sum3A_194 = vector.multi_reduction <add>, %reshape3A_192, %reduce_sum3A_193 [0] : vector<128x8x128xf32> to vector<8x128xf32>
    %add3A_195 = arith.addf %get3A_191, %reduce_sum3A_194 : vector<8x128xf32>
    %swap3A_196 = arith.constant 5 : index
    %swap3A_197 = arith.constant 0 : index
    %swap3A_198 = arith.constant 0 : index
    %swap3A_199 = vector.load %arg4[%swap3A_196, %swap3A_197, %swap3A_198] : memref<23x8x128xf32, #tpu.memory_space<vmem>>, vector<1x8x128xf32>
    %swap3A_200 = vector.shape_cast %swap3A_199 : vector<1x8x128xf32> to vector<8x128xf32>
    %swap3A_201 = vector.shape_cast %add3A_195 : vector<8x128xf32> to vector<1x8x128xf32>
    tpu.vector_store %arg4[%swap3A_196, %swap3A_197, %swap3A_198], %swap3A_201 {strides = array<i32>} : memref<23x8x128xf32, #tpu.memory_space<vmem>>, vector<1x8x128xf32>,
    %get3A_202 = arith.constant 14 : index
    %get3A_203 = arith.constant 0 : index
    %get3A_204 = arith.constant 0 : index
    %get3A_205 = vector.load %arg4[%get3A_202, %get3A_203, %get3A_204] : memref<23x8x128xf32, #tpu.memory_space<vmem>>, vector<1x8x128xf32>
    %get3A_206 = vector.shape_cast %get3A_205 : vector<1x8x128xf32> to vector<8x128xf32>
    %mul3A_207 = arith.mulf %convert_element_type3A_186, %mul3A : vector<1024x128xf32>
    %reshape3A_208 = vector.shape_cast %mul3A_207 : vector<1024x128xf32> to vector<128x8x128xf32>
    %reduce_sum3A_209 = arith.constant dense<0.000000e+00> : vector<8x128xf32>
    %reduce_sum3A_210 = vector.multi_reduction <add>, %reshape3A_208, %reduce_sum3A_209 [0] : vector<128x8x128xf32> to vector<8x128xf32>
    %add3A_211 = arith.addf %get3A_206, %reduce_sum3A_210 : vector<8x128xf32>
    %swap3A_212 = arith.constant 14 : index
    %swap3A_213 = arith.constant 0 : index
    %swap3A_214 = arith.constant 0 : index
    %swap3A_215 = vector.load %arg4[%swap3A_212, %swap3A_213, %swap3A_214] : memref<23x8x128xf32, #tpu.memory_space<vmem>>, vector<1x8x128xf32>
    %swap3A_216 = vector.shape_cast %swap3A_215 : vector<1x8x128xf32> to vector<8x128xf32>
    %swap3A_217 = vector.shape_cast %add3A_211 : vector<8x128xf32> to vector<1x8x128xf32>
    tpu.vector_store %arg4[%swap3A_212, %swap3A_213, %swap3A_214], %swap3A_217 {strides = array<i32>} : memref<23x8x128xf32, #tpu.memory_space<vmem>>, vector<1x8x128xf32>,
    %gt3A_218 = arith.constant 0.699999988 : f32
    %gt3A_219 = vector.broadcast %gt3A_218 : f32 to vector<1024x128xf32>
    %gt3A_220 = arith.cmpf ogt, %get3A_6, %gt3A_219 : vector<1024x128xf32>
    %convert_element_type3A_221 = arith.extui %gt3A_220 : vector<1024x128xi1> to vector<1024x128xi32>
    %convert_element_type3A_222 = arith.sitofp %convert_element_type3A_221 : vector<1024x128xi32> to vector<1024x128xf32>
    %get3A_223 = arith.constant 6 : index
    %get3A_224 = arith.constant 0 : index
    %get3A_225 = arith.constant 0 : index
    %get3A_226 = vector.load %arg4[%get3A_223, %get3A_224, %get3A_225] : memref<23x8x128xf32, #tpu.memory_space<vmem>>, vector<1x8x128xf32>
    %get3A_227 = vector.shape_cast %get3A_226 : vector<1x8x128xf32> to vector<8x128xf32>
    %reshape3A_228 = vector.shape_cast %convert_element_type3A_222 : vector<1024x128xf32> to vector<128x8x128xf32>
    %reduce_sum3A_229 = arith.constant dense<0.000000e+00> : vector<8x128xf32>
    %reduce_sum3A_230 = vector.multi_reduction <add>, %reshape3A_228, %reduce_sum3A_229 [0] : vector<128x8x128xf32> to vector<8x128xf32>
    %add3A_231 = arith.addf %get3A_227, %reduce_sum3A_230 : vector<8x128xf32>
    %swap3A_232 = arith.constant 6 : index
    %swap3A_233 = arith.constant 0 : index
    %swap3A_234 = arith.constant 0 : index
    %swap3A_235 = vector.load %arg4[%swap3A_232, %swap3A_233, %swap3A_234] : memref<23x8x128xf32, #tpu.memory_space<vmem>>, vector<1x8x128xf32>
    %swap3A_236 = vector.shape_cast %swap3A_235 : vector<1x8x128xf32> to vector<8x128xf32>
    %swap3A_237 = vector.shape_cast %add3A_231 : vector<8x128xf32> to vector<1x8x128xf32>
    tpu.vector_store %arg4[%swap3A_232, %swap3A_233, %swap3A_234], %swap3A_237 {strides = array<i32>} : memref<23x8x128xf32, #tpu.memory_space<vmem>>, vector<1x8x128xf32>,
    %get3A_238 = arith.constant 15 : index
    %get3A_239 = arith.constant 0 : index
    %get3A_240 = arith.constant 0 : index
    %get3A_241 = vector.load %arg4[%get3A_238, %get3A_239, %get3A_240] : memref<23x8x128xf32, #tpu.memory_space<vmem>>, vector<1x8x128xf32>
    %get3A_242 = vector.shape_cast %get3A_241 : vector<1x8x128xf32> to vector<8x128xf32>
    %mul3A_243 = arith.mulf %convert_element_type3A_222, %mul3A : vector<1024x128xf32>
    %reshape3A_244 = vector.shape_cast %mul3A_243 : vector<1024x128xf32> to vector<128x8x128xf32>
    %reduce_sum3A_245 = arith.constant dense<0.000000e+00> : vector<8x128xf32>
    %reduce_sum3A_246 = vector.multi_reduction <add>, %reshape3A_244, %reduce_sum3A_245 [0] : vector<128x8x128xf32> to vector<8x128xf32>
    %add3A_247 = arith.addf %get3A_242, %reduce_sum3A_246 : vector<8x128xf32>
    %swap3A_248 = arith.constant 15 : index
    %swap3A_249 = arith.constant 0 : index
    %swap3A_250 = arith.constant 0 : index
    %swap3A_251 = vector.load %arg4[%swap3A_248, %swap3A_249, %swap3A_250] : memref<23x8x128xf32, #tpu.memory_space<vmem>>, vector<1x8x128xf32>
    %swap3A_252 = vector.shape_cast %swap3A_251 : vector<1x8x128xf32> to vector<8x128xf32>
    %swap3A_253 = vector.shape_cast %add3A_247 : vector<8x128xf32> to vector<1x8x128xf32>
    tpu.vector_store %arg4[%swap3A_248, %swap3A_249, %swap3A_250], %swap3A_253 {strides = array<i32>} : memref<23x8x128xf32, #tpu.memory_space<vmem>>, vector<1x8x128xf32>,
    %gt3A_254 = arith.constant 8.000000e-01 : f32
    %gt3A_255 = vector.broadcast %gt3A_254 : f32 to vector<1024x128xf32>
    %gt3A_256 = arith.cmpf ogt, %get3A_6, %gt3A_255 : vector<1024x128xf32>
    %convert_element_type3A_257 = arith.extui %gt3A_256 : vector<1024x128xi1> to vector<1024x128xi32>
    %convert_element_type3A_258 = arith.sitofp %convert_element_type3A_257 : vector<1024x128xi32> to vector<1024x128xf32>
    %get3A_259 = arith.constant 7 : index
    %get3A_260 = arith.constant 0 : index
    %get3A_261 = arith.constant 0 : index
    %get3A_262 = vector.load %arg4[%get3A_259, %get3A_260, %get3A_261] : memref<23x8x128xf32, #tpu.memory_space<vmem>>, vector<1x8x128xf32>
    %get3A_263 = vector.shape_cast %get3A_262 : vector<1x8x128xf32> to vector<8x128xf32>
    %reshape3A_264 = vector.shape_cast %convert_element_type3A_258 : vector<1024x128xf32> to vector<128x8x128xf32>
    %reduce_sum3A_265 = arith.constant dense<0.000000e+00> : vector<8x128xf32>
    %reduce_sum3A_266 = vector.multi_reduction <add>, %reshape3A_264, %reduce_sum3A_265 [0] : vector<128x8x128xf32> to vector<8x128xf32>
    %add3A_267 = arith.addf %get3A_263, %reduce_sum3A_266 : vector<8x128xf32>
    %swap3A_268 = arith.constant 7 : index
    %swap3A_269 = arith.constant 0 : index
    %swap3A_270 = arith.constant 0 : index
    %swap3A_271 = vector.load %arg4[%swap3A_268, %swap3A_269, %swap3A_270] : memref<23x8x128xf32, #tpu.memory_space<vmem>>, vector<1x8x128xf32>
    %swap3A_272 = vector.shape_cast %swap3A_271 : vector<1x8x128xf32> to vector<8x128xf32>
    %swap3A_273 = vector.shape_cast %add3A_267 : vector<8x128xf32> to vector<1x8x128xf32>
    tpu.vector_store %arg4[%swap3A_268, %swap3A_269, %swap3A_270], %swap3A_273 {strides = array<i32>} : memref<23x8x128xf32, #tpu.memory_space<vmem>>, vector<1x8x128xf32>,
    %get3A_274 = arith.constant 16 : index
    %get3A_275 = arith.constant 0 : index
    %get3A_276 = arith.constant 0 : index
    %get3A_277 = vector.load %arg4[%get3A_274, %get3A_275, %get3A_276] : memref<23x8x128xf32, #tpu.memory_space<vmem>>, vector<1x8x128xf32>
    %get3A_278 = vector.shape_cast %get3A_277 : vector<1x8x128xf32> to vector<8x128xf32>
    %mul3A_279 = arith.mulf %convert_element_type3A_258, %mul3A : vector<1024x128xf32>
    %reshape3A_280 = vector.shape_cast %mul3A_279 : vector<1024x128xf32> to vector<128x8x128xf32>
    %reduce_sum3A_281 = arith.constant dense<0.000000e+00> : vector<8x128xf32>
    %reduce_sum3A_282 = vector.multi_reduction <add>, %reshape3A_280, %reduce_sum3A_281 [0] : vector<128x8x128xf32> to vector<8x128xf32>
    %add3A_283 = arith.addf %get3A_278, %reduce_sum3A_282 : vector<8x128xf32>
    %swap3A_284 = arith.constant 16 : index
    %swap3A_285 = arith.constant 0 : index
    %swap3A_286 = arith.constant 0 : index
    %swap3A_287 = vector.load %arg4[%swap3A_284, %swap3A_285, %swap3A_286] : memref<23x8x128xf32, #tpu.memory_space<vmem>>, vector<1x8x128xf32>
    %swap3A_288 = vector.shape_cast %swap3A_287 : vector<1x8x128xf32> to vector<8x128xf32>
    %swap3A_289 = vector.shape_cast %add3A_283 : vector<8x128xf32> to vector<1x8x128xf32>
    tpu.vector_store %arg4[%swap3A_284, %swap3A_285, %swap3A_286], %swap3A_289 {strides = array<i32>} : memref<23x8x128xf32, #tpu.memory_space<vmem>>, vector<1x8x128xf32>,
    %gt3A_290 = arith.constant 0.900000035 : f32
    %gt3A_291 = vector.broadcast %gt3A_290 : f32 to vector<1024x128xf32>
    %gt3A_292 = arith.cmpf ogt, %get3A_6, %gt3A_291 : vector<1024x128xf32>
    %convert_element_type3A_293 = arith.extui %gt3A_292 : vector<1024x128xi1> to vector<1024x128xi32>
    %convert_element_type3A_294 = arith.sitofp %convert_element_type3A_293 : vector<1024x128xi32> to vector<1024x128xf32>
    %get3A_295 = arith.constant 8 : index
    %get3A_296 = arith.constant 0 : index
    %get3A_297 = arith.constant 0 : index
    %get3A_298 = vector.load %arg4[%get3A_295, %get3A_296, %get3A_297] : memref<23x8x128xf32, #tpu.memory_space<vmem>>, vector<1x8x128xf32>
    %get3A_299 = vector.shape_cast %get3A_298 : vector<1x8x128xf32> to vector<8x128xf32>
    %reshape3A_300 = vector.shape_cast %convert_element_type3A_294 : vector<1024x128xf32> to vector<128x8x128xf32>
    %reduce_sum3A_301 = arith.constant dense<0.000000e+00> : vector<8x128xf32>
    %reduce_sum3A_302 = vector.multi_reduction <add>, %reshape3A_300, %reduce_sum3A_301 [0] : vector<128x8x128xf32> to vector<8x128xf32>
    %add3A_303 = arith.addf %get3A_299, %reduce_sum3A_302 : vector<8x128xf32>
    %swap3A_304 = arith.constant 8 : index
    %swap3A_305 = arith.constant 0 : index
    %swap3A_306 = arith.constant 0 : index
    %swap3A_307 = vector.load %arg4[%swap3A_304, %swap3A_305, %swap3A_306] : memref<23x8x128xf32, #tpu.memory_space<vmem>>, vector<1x8x128xf32>
    %swap3A_308 = vector.shape_cast %swap3A_307 : vector<1x8x128xf32> to vector<8x128xf32>
    %swap3A_309 = vector.shape_cast %add3A_303 : vector<8x128xf32> to vector<1x8x128xf32>
    tpu.vector_store %arg4[%swap3A_304, %swap3A_305, %swap3A_306], %swap3A_309 {strides = array<i32>} : memref<23x8x128xf32, #tpu.memory_space<vmem>>, vector<1x8x128xf32>,
    %get3A_310 = arith.constant 17 : index
    %get3A_311 = arith.constant 0 : index
    %get3A_312 = arith.constant 0 : index
    %get3A_313 = vector.load %arg4[%get3A_310, %get3A_311, %get3A_312] : memref<23x8x128xf32, #tpu.memory_space<vmem>>, vector<1x8x128xf32>
    %get3A_314 = vector.shape_cast %get3A_313 : vector<1x8x128xf32> to vector<8x128xf32>
    %mul3A_315 = arith.mulf %convert_element_type3A_294, %mul3A : vector<1024x128xf32>
    %reshape3A_316 = vector.shape_cast %mul3A_315 : vector<1024x128xf32> to vector<128x8x128xf32>
    %reduce_sum3A_317 = arith.constant dense<0.000000e+00> : vector<8x128xf32>
    %reduce_sum3A_318 = vector.multi_reduction <add>, %reshape3A_316, %reduce_sum3A_317 [0] : vector<128x8x128xf32> to vector<8x128xf32>
    %add3A_319 = arith.addf %get3A_314, %reduce_sum3A_318 : vector<8x128xf32>
    %swap3A_320 = arith.constant 17 : index
    %swap3A_321 = arith.constant 0 : index
    %swap3A_322 = arith.constant 0 : index
    %swap3A_323 = vector.load %arg4[%swap3A_320, %swap3A_321, %swap3A_322] : memref<23x8x128xf32, #tpu.memory_space<vmem>>, vector<1x8x128xf32>
    %swap3A_324 = vector.shape_cast %swap3A_323 : vector<1x8x128xf32> to vector<8x128xf32>
    %swap3A_325 = vector.shape_cast %add3A_319 : vector<8x128xf32> to vector<1x8x128xf32>
    tpu.vector_store %arg4[%swap3A_320, %swap3A_321, %swap3A_322], %swap3A_325 {strides = array<i32>} : memref<23x8x128xf32, #tpu.memory_space<vmem>>, vector<1x8x128xf32>,
    %get3A_326 = arith.constant 18 : index
    %get3A_327 = arith.constant 0 : index
    %get3A_328 = arith.constant 0 : index
    %get3A_329 = vector.load %arg4[%get3A_326, %get3A_327, %get3A_328] : memref<23x8x128xf32, #tpu.memory_space<vmem>>, vector<1x8x128xf32>
    %get3A_330 = vector.shape_cast %get3A_329 : vector<1x8x128xf32> to vector<8x128xf32>
    %reshape3A_331 = vector.shape_cast %mul3A : vector<1024x128xf32> to vector<128x8x128xf32>
    %reduce_sum3A_332 = arith.constant dense<0.000000e+00> : vector<8x128xf32>
    %reduce_sum3A_333 = vector.multi_reduction <add>, %reshape3A_331, %reduce_sum3A_332 [0] : vector<128x8x128xf32> to vector<8x128xf32>
    %add3A_334 = arith.addf %get3A_330, %reduce_sum3A_333 : vector<8x128xf32>
    %swap3A_335 = arith.constant 18 : index
    %swap3A_336 = arith.constant 0 : index
    %swap3A_337 = arith.constant 0 : index
    %swap3A_338 = vector.load %arg4[%swap3A_335, %swap3A_336, %swap3A_337] : memref<23x8x128xf32, #tpu.memory_space<vmem>>, vector<1x8x128xf32>
    %swap3A_339 = vector.shape_cast %swap3A_338 : vector<1x8x128xf32> to vector<8x128xf32>
    %swap3A_340 = vector.shape_cast %add3A_334 : vector<8x128xf32> to vector<1x8x128xf32>
    tpu.vector_store %arg4[%swap3A_335, %swap3A_336, %swap3A_337], %swap3A_340 {strides = array<i32>} : memref<23x8x128xf32, #tpu.memory_space<vmem>>, vector<1x8x128xf32>,
    %get3A_341 = arith.constant 19 : index
    %get3A_342 = arith.constant 0 : index
    %get3A_343 = arith.constant 0 : index
    %get3A_344 = vector.load %arg4[%get3A_341, %get3A_342, %get3A_343] : memref<23x8x128xf32, #tpu.memory_space<vmem>>, vector<1x8x128xf32>
    %get3A_345 = vector.shape_cast %get3A_344 : vector<1x8x128xf32> to vector<8x128xf32>
    %reshape3A_346 = vector.shape_cast %get3A_3 : vector<1024x128xf32> to vector<128x8x128xf32>
    %reduce_sum3A_347 = arith.constant dense<0.000000e+00> : vector<8x128xf32>
    %reduce_sum3A_348 = vector.multi_reduction <add>, %reshape3A_346, %reduce_sum3A_347 [0] : vector<128x8x128xf32> to vector<8x128xf32>
    %add3A_349 = arith.addf %get3A_345, %reduce_sum3A_348 : vector<8x128xf32>
    %swap3A_350 = arith.constant 19 : index
    %swap3A_351 = arith.constant 0 : index
    %swap3A_352 = arith.constant 0 : index
    %swap3A_353 = vector.load %arg4[%swap3A_350, %swap3A_351, %swap3A_352] : memref<23x8x128xf32, #tpu.memory_space<vmem>>, vector<1x8x128xf32>
    %swap3A_354 = vector.shape_cast %swap3A_353 : vector<1x8x128xf32> to vector<8x128xf32>
    %swap3A_355 = vector.shape_cast %add3A_349 : vector<8x128xf32> to vector<1x8x128xf32>
    tpu.vector_store %arg4[%swap3A_350, %swap3A_351, %swap3A_352], %swap3A_355 {strides = array<i32>} : memref<23x8x128xf32, #tpu.memory_space<vmem>>, vector<1x8x128xf32>,
    %get3A_356 = arith.constant 20 : index
    %get3A_357 = arith.constant 0 : index
    %get3A_358 = arith.constant 0 : index
    %get3A_359 = vector.load %arg4[%get3A_356, %get3A_357, %get3A_358] : memref<23x8x128xf32, #tpu.memory_space<vmem>>, vector<1x8x128xf32>
    %get3A_360 = vector.shape_cast %get3A_359 : vector<1x8x128xf32> to vector<8x128xf32>
    %mul3A_361 = arith.mulf %get3A_3, %get3A_3 : vector<1024x128xf32>
    %reshape3A_362 = vector.shape_cast %mul3A_361 : vector<1024x128xf32> to vector<128x8x128xf32>
    %reduce_sum3A_363 = arith.constant dense<0.000000e+00> : vector<8x128xf32>
    %reduce_sum3A_364 = vector.multi_reduction <add>, %reshape3A_362, %reduce_sum3A_363 [0] : vector<128x8x128xf32> to vector<8x128xf32>
    %add3A_365 = arith.addf %get3A_360, %reduce_sum3A_364 : vector<8x128xf32>
    %swap3A_366 = arith.constant 20 : index
    %swap3A_367 = arith.constant 0 : index
    %swap3A_368 = arith.constant 0 : index
    %swap3A_369 = vector.load %arg4[%swap3A_366, %swap3A_367, %swap3A_368] : memref<23x8x128xf32, #tpu.memory_space<vmem>>, vector<1x8x128xf32>
    %swap3A_370 = vector.shape_cast %swap3A_369 : vector<1x8x128xf32> to vector<8x128xf32>
    %swap3A_371 = vector.shape_cast %add3A_365 : vector<8x128xf32> to vector<1x8x128xf32>
    tpu.vector_store %arg4[%swap3A_366, %swap3A_367, %swap3A_368], %swap3A_371 {strides = array<i32>} : memref<23x8x128xf32, #tpu.memory_space<vmem>>, vector<1x8x128xf32>,
    %get3A_372 = arith.constant 21 : index
    %get3A_373 = arith.constant 0 : index
    %get3A_374 = arith.constant 0 : index
    %get3A_375 = vector.load %arg4[%get3A_372, %get3A_373, %get3A_374] : memref<23x8x128xf32, #tpu.memory_space<vmem>>, vector<1x8x128xf32>
    %get3A_376 = vector.shape_cast %get3A_375 : vector<1x8x128xf32> to vector<8x128xf32>
    %reshape3A_377 = vector.shape_cast %get3A_6 : vector<1024x128xf32> to vector<128x8x128xf32>
    %reduce_sum3A_378 = arith.constant dense<0.000000e+00> : vector<8x128xf32>
    %reduce_sum3A_379 = vector.multi_reduction <add>, %reshape3A_377, %reduce_sum3A_378 [0] : vector<128x8x128xf32> to vector<8x128xf32>
    %add3A_380 = arith.addf %get3A_376, %reduce_sum3A_379 : vector<8x128xf32>
    %swap3A_381 = arith.constant 21 : index
    %swap3A_382 = arith.constant 0 : index
    %swap3A_383 = arith.constant 0 : index
    %swap3A_384 = vector.load %arg4[%swap3A_381, %swap3A_382, %swap3A_383] : memref<23x8x128xf32, #tpu.memory_space<vmem>>, vector<1x8x128xf32>
    %swap3A_385 = vector.shape_cast %swap3A_384 : vector<1x8x128xf32> to vector<8x128xf32>
    %swap3A_386 = vector.shape_cast %add3A_380 : vector<8x128xf32> to vector<1x8x128xf32>
    tpu.vector_store %arg4[%swap3A_381, %swap3A_382, %swap3A_383], %swap3A_386 {strides = array<i32>} : memref<23x8x128xf32, #tpu.memory_space<vmem>>, vector<1x8x128xf32>,
    %get3A_387 = arith.constant 22 : index
    %get3A_388 = arith.constant 0 : index
    %get3A_389 = arith.constant 0 : index
    %get3A_390 = vector.load %arg4[%get3A_387, %get3A_388, %get3A_389] : memref<23x8x128xf32, #tpu.memory_space<vmem>>, vector<1x8x128xf32>
    %get3A_391 = vector.shape_cast %get3A_390 : vector<1x8x128xf32> to vector<8x128xf32>
    %mul3A_392 = arith.mulf %get3A_6, %get3A_6 : vector<1024x128xf32>
    %reshape3A_393 = vector.shape_cast %mul3A_392 : vector<1024x128xf32> to vector<128x8x128xf32>
    %reduce_sum3A_394 = arith.constant dense<0.000000e+00> : vector<8x128xf32>
    %reduce_sum3A_395 = vector.multi_reduction <add>, %reshape3A_393, %reduce_sum3A_394 [0] : vector<128x8x128xf32> to vector<8x128xf32>
    %add3A_396 = arith.addf %get3A_391, %reduce_sum3A_395 : vector<8x128xf32>
    %swap3A_397 = arith.constant 22 : index
    %swap3A_398 = arith.constant 0 : index
    %swap3A_399 = arith.constant 0 : index
    %swap3A_400 = vector.load %arg4[%swap3A_397, %swap3A_398, %swap3A_399] : memref<23x8x128xf32, #tpu.memory_space<vmem>>, vector<1x8x128xf32>
    %swap3A_401 = vector.shape_cast %swap3A_400 : vector<1x8x128xf32> to vector<8x128xf32>
    %swap3A_402 = vector.shape_cast %add3A_396 : vector<8x128xf32> to vector<1x8x128xf32>
    tpu.vector_store %arg4[%swap3A_397, %swap3A_398, %swap3A_399], %swap3A_402 {strides = array<i32>} : memref<23x8x128xf32, #tpu.memory_space<vmem>>, vector<1x8x128xf32>,
    %reshape3A_403 = vector.shape_cast %get3A_3 : vector<1024x128xf32> to vector<128x8x128xf32>
    %reshape3A_404 = vector.shape_cast %get3A_6 : vector<1024x128xf32> to vector<128x8x128xf32>
    %get3A_405 = arith.constant 0 : index
    %get3A_406 = arith.constant 0 : index
    %get3A_407 = arith.constant 0 : index
    %get3A_408 = vector.load %arg5[%get3A_405, %get3A_406, %get3A_407] : memref<4x8x128xf32, #tpu.memory_space<vmem>>, vector<1x8x128xf32>
    %get3A_409 = vector.shape_cast %get3A_408 : vector<1x8x128xf32> to vector<8x128xf32>
    %reduce_min3A = arith.constant dense<0x7F800000> : vector<8x128xf32>
    %reduce_min3A_410 = vector.multi_reduction <minimumf>, %reshape3A_403, %reduce_min3A [0] : vector<128x8x128xf32> to vector<8x128xf32>
    %min3A = arith.minimumf %get3A_409, %reduce_min3A_410 : vector<8x128xf32>
    %swap3A_411 = arith.constant 0 : index
    %swap3A_412 = arith.constant 0 : index
    %swap3A_413 = arith.constant 0 : index
    %swap3A_414 = vector.load %arg5[%swap3A_411, %swap3A_412, %swap3A_413] : memref<4x8x128xf32, #tpu.memory_space<vmem>>, vector<1x8x128xf32>
    %swap3A_415 = vector.shape_cast %swap3A_414 : vector<1x8x128xf32> to vector<8x128xf32>
    %swap3A_416 = vector.shape_cast %min3A : vector<8x128xf32> to vector<1x8x128xf32>
    tpu.vector_store %arg5[%swap3A_411, %swap3A_412, %swap3A_413], %swap3A_416 {strides = array<i32>} : memref<4x8x128xf32, #tpu.memory_space<vmem>>, vector<1x8x128xf32>,
    %get3A_417 = arith.constant 1 : index
    %get3A_418 = arith.constant 0 : index
    %get3A_419 = arith.constant 0 : index
    %get3A_420 = vector.load %arg5[%get3A_417, %get3A_418, %get3A_419] : memref<4x8x128xf32, #tpu.memory_space<vmem>>, vector<1x8x128xf32>
    %get3A_421 = vector.shape_cast %get3A_420 : vector<1x8x128xf32> to vector<8x128xf32>
    %reduce_max3A = arith.constant dense<0xFF800000> : vector<8x128xf32>
    %reduce_max3A_422 = vector.multi_reduction <maximumf>, %reshape3A_403, %reduce_max3A [0] : vector<128x8x128xf32> to vector<8x128xf32>
    %max3A = arith.maximumf %get3A_421, %reduce_max3A_422 : vector<8x128xf32>
    %swap3A_423 = arith.constant 1 : index
    %swap3A_424 = arith.constant 0 : index
    %swap3A_425 = arith.constant 0 : index
    %swap3A_426 = vector.load %arg5[%swap3A_423, %swap3A_424, %swap3A_425] : memref<4x8x128xf32, #tpu.memory_space<vmem>>, vector<1x8x128xf32>
    %swap3A_427 = vector.shape_cast %swap3A_426 : vector<1x8x128xf32> to vector<8x128xf32>
    %swap3A_428 = vector.shape_cast %max3A : vector<8x128xf32> to vector<1x8x128xf32>
    tpu.vector_store %arg5[%swap3A_423, %swap3A_424, %swap3A_425], %swap3A_428 {strides = array<i32>} : memref<4x8x128xf32, #tpu.memory_space<vmem>>, vector<1x8x128xf32>,
    %get3A_429 = arith.constant 2 : index
    %get3A_430 = arith.constant 0 : index
    %get3A_431 = arith.constant 0 : index
    %get3A_432 = vector.load %arg5[%get3A_429, %get3A_430, %get3A_431] : memref<4x8x128xf32, #tpu.memory_space<vmem>>, vector<1x8x128xf32>
    %get3A_433 = vector.shape_cast %get3A_432 : vector<1x8x128xf32> to vector<8x128xf32>
    %reduce_min3A_434 = arith.constant dense<0x7F800000> : vector<8x128xf32>
    %reduce_min3A_435 = vector.multi_reduction <minimumf>, %reshape3A_404, %reduce_min3A_434 [0] : vector<128x8x128xf32> to vector<8x128xf32>
    %min3A_436 = arith.minimumf %get3A_433, %reduce_min3A_435 : vector<8x128xf32>
    %swap3A_437 = arith.constant 2 : index
    %swap3A_438 = arith.constant 0 : index
    %swap3A_439 = arith.constant 0 : index
    %swap3A_440 = vector.load %arg5[%swap3A_437, %swap3A_438, %swap3A_439] : memref<4x8x128xf32, #tpu.memory_space<vmem>>, vector<1x8x128xf32>
    %swap3A_441 = vector.shape_cast %swap3A_440 : vector<1x8x128xf32> to vector<8x128xf32>
    %swap3A_442 = vector.shape_cast %min3A_436 : vector<8x128xf32> to vector<1x8x128xf32>
    tpu.vector_store %arg5[%swap3A_437, %swap3A_438, %swap3A_439], %swap3A_442 {strides = array<i32>} : memref<4x8x128xf32, #tpu.memory_space<vmem>>, vector<1x8x128xf32>,
    %get3A_443 = arith.constant 3 : index
    %get3A_444 = arith.constant 0 : index
    %get3A_445 = arith.constant 0 : index
    %get3A_446 = vector.load %arg5[%get3A_443, %get3A_444, %get3A_445] : memref<4x8x128xf32, #tpu.memory_space<vmem>>, vector<1x8x128xf32>
    %get3A_447 = vector.shape_cast %get3A_446 : vector<1x8x128xf32> to vector<8x128xf32>
    %reduce_max3A_448 = arith.constant dense<0xFF800000> : vector<8x128xf32>
    %reduce_max3A_449 = vector.multi_reduction <maximumf>, %reshape3A_404, %reduce_max3A_448 [0] : vector<128x8x128xf32> to vector<8x128xf32>
    %max3A_450 = arith.maximumf %get3A_447, %reduce_max3A_449 : vector<8x128xf32>
    %swap3A_451 = arith.constant 3 : index
    %swap3A_452 = arith.constant 0 : index
    %swap3A_453 = arith.constant 0 : index
    %swap3A_454 = vector.load %arg5[%swap3A_451, %swap3A_452, %swap3A_453] : memref<4x8x128xf32, #tpu.memory_space<vmem>>, vector<1x8x128xf32>
    %swap3A_455 = vector.shape_cast %swap3A_454 : vector<1x8x128xf32> to vector<8x128xf32>
    %swap3A_456 = vector.shape_cast %max3A_450 : vector<8x128xf32> to vector<1x8x128xf32>
    tpu.vector_store %arg5[%swap3A_451, %swap3A_452, %swap3A_453], %swap3A_456 {strides = array<i32>} : memref<4x8x128xf32, #tpu.memory_space<vmem>>, vector<1x8x128xf32>,
    %eq3A_457 = arith.constant 95 : i32
    %eq3A_458 = arith.cmpi eq, %arg0, %eq3A_457 : i32
    %convert_element_type3A_459 = arith.extui %eq3A_458 : i1 to i32
    %cond3A_460 = arith.constant 0 : i32
    %cond3A_461 = arith.cmpi ne, %convert_element_type3A_459, %cond3A_460 : i32
    scf.if %cond3A_461 {
      %get3A_462 = arith.constant 0 : index
      %get3A_463 = arith.constant 0 : index
      %get3A_464 = arith.constant 0 : index
      %get3A_465 = vector.load %arg4[%get3A_462, %get3A_463, %get3A_464] : memref<23x8x128xf32, #tpu.memory_space<vmem>>, vector<1x8x128xf32>
      %get3A_466 = vector.shape_cast %get3A_465 : vector<1x8x128xf32> to vector<8x128xf32>
      %reduce_sum3A_467 = vector.shape_cast %get3A_466 : vector<8x128xf32> to vector<1x8x128xf32>
      %reduce_sum3A_468 = arith.constant dense<0.000000e+00> : vector<1xf32>
      %reduce_sum3A_469 = vector.multi_reduction <add>, %reduce_sum3A_467, %reduce_sum3A_468 [1, 2] : vector<1x8x128xf32> to vector<1xf32>
      %reduce_sum3A_470 = vector.shape_cast %reduce_sum3A_469 : vector<1xf32> to vector<1x1x1xf32>
      %reduce_sum3A_471 = vector.extract %reduce_sum3A_470[0, 0, 0] : f32 from vector<1x1x1xf32>
      %swap3A_472 = arith.constant 0 : index
      %swap3A_473 = arith.constant 0 : index
      %swap3A_474 = memref.load %arg3[%swap3A_472, %swap3A_473] : memref<1x27xf32, #tpu.memory_space<smem>>
      memref.store %reduce_sum3A_471, %arg3[%swap3A_472, %swap3A_473] : memref<1x27xf32, #tpu.memory_space<smem>>
      %get3A_475 = arith.constant 1 : index
      %get3A_476 = arith.constant 0 : index
      %get3A_477 = arith.constant 0 : index
      %get3A_478 = vector.load %arg4[%get3A_475, %get3A_476, %get3A_477] : memref<23x8x128xf32, #tpu.memory_space<vmem>>, vector<1x8x128xf32>
      %get3A_479 = vector.shape_cast %get3A_478 : vector<1x8x128xf32> to vector<8x128xf32>
      %reduce_sum3A_480 = vector.shape_cast %get3A_479 : vector<8x128xf32> to vector<1x8x128xf32>
      %reduce_sum3A_481 = arith.constant dense<0.000000e+00> : vector<1xf32>
      %reduce_sum3A_482 = vector.multi_reduction <add>, %reduce_sum3A_480, %reduce_sum3A_481 [1, 2] : vector<1x8x128xf32> to vector<1xf32>
      %reduce_sum3A_483 = vector.shape_cast %reduce_sum3A_482 : vector<1xf32> to vector<1x1x1xf32>
      %reduce_sum3A_484 = vector.extract %reduce_sum3A_483[0, 0, 0] : f32 from vector<1x1x1xf32>
      %swap3A_485 = arith.constant 0 : index
      %swap3A_486 = arith.constant 1 : index
      %swap3A_487 = memref.load %arg3[%swap3A_485, %swap3A_486] : memref<1x27xf32, #tpu.memory_space<smem>>
      memref.store %reduce_sum3A_484, %arg3[%swap3A_485, %swap3A_486] : memref<1x27xf32, #tpu.memory_space<smem>>
      %get3A_488 = arith.constant 2 : index
      %get3A_489 = arith.constant 0 : index
      %get3A_490 = arith.constant 0 : index
      %get3A_491 = vector.load %arg4[%get3A_488, %get3A_489, %get3A_490] : memref<23x8x128xf32, #tpu.memory_space<vmem>>, vector<1x8x128xf32>
      %get3A_492 = vector.shape_cast %get3A_491 : vector<1x8x128xf32> to vector<8x128xf32>
      %reduce_sum3A_493 = vector.shape_cast %get3A_492 : vector<8x128xf32> to vector<1x8x128xf32>
      %reduce_sum3A_494 = arith.constant dense<0.000000e+00> : vector<1xf32>
      %reduce_sum3A_495 = vector.multi_reduction <add>, %reduce_sum3A_493, %reduce_sum3A_494 [1, 2] : vector<1x8x128xf32> to vector<1xf32>
      %reduce_sum3A_496 = vector.shape_cast %reduce_sum3A_495 : vector<1xf32> to vector<1x1x1xf32>
      %reduce_sum3A_497 = vector.extract %reduce_sum3A_496[0, 0, 0] : f32 from vector<1x1x1xf32>
      %swap3A_498 = arith.constant 0 : index
      %swap3A_499 = arith.constant 2 : index
      %swap3A_500 = memref.load %arg3[%swap3A_498, %swap3A_499] : memref<1x27xf32, #tpu.memory_space<smem>>
      memref.store %reduce_sum3A_497, %arg3[%swap3A_498, %swap3A_499] : memref<1x27xf32, #tpu.memory_space<smem>>
      %get3A_501 = arith.constant 3 : index
      %get3A_502 = arith.constant 0 : index
      %get3A_503 = arith.constant 0 : index
      %get3A_504 = vector.load %arg4[%get3A_501, %get3A_502, %get3A_503] : memref<23x8x128xf32, #tpu.memory_space<vmem>>, vector<1x8x128xf32>
      %get3A_505 = vector.shape_cast %get3A_504 : vector<1x8x128xf32> to vector<8x128xf32>
      %reduce_sum3A_506 = vector.shape_cast %get3A_505 : vector<8x128xf32> to vector<1x8x128xf32>
      %reduce_sum3A_507 = arith.constant dense<0.000000e+00> : vector<1xf32>
      %reduce_sum3A_508 = vector.multi_reduction <add>, %reduce_sum3A_506, %reduce_sum3A_507 [1, 2] : vector<1x8x128xf32> to vector<1xf32>
      %reduce_sum3A_509 = vector.shape_cast %reduce_sum3A_508 : vector<1xf32> to vector<1x1x1xf32>
      %reduce_sum3A_510 = vector.extract %reduce_sum3A_509[0, 0, 0] : f32 from vector<1x1x1xf32>
      %swap3A_511 = arith.constant 0 : index
      %swap3A_512 = arith.constant 3 : index
      %swap3A_513 = memref.load %arg3[%swap3A_511, %swap3A_512] : memref<1x27xf32, #tpu.memory_space<smem>>
      memref.store %reduce_sum3A_510, %arg3[%swap3A_511, %swap3A_512] : memref<1x27xf32, #tpu.memory_space<smem>>
      %get3A_514 = arith.constant 4 : index
      %get3A_515 = arith.constant 0 : index
      %get3A_516 = arith.constant 0 : index
      %get3A_517 = vector.load %arg4[%get3A_514, %get3A_515, %get3A_516] : memref<23x8x128xf32, #tpu.memory_space<vmem>>, vector<1x8x128xf32>
      %get3A_518 = vector.shape_cast %get3A_517 : vector<1x8x128xf32> to vector<8x128xf32>
      %reduce_sum3A_519 = vector.shape_cast %get3A_518 : vector<8x128xf32> to vector<1x8x128xf32>
      %reduce_sum3A_520 = arith.constant dense<0.000000e+00> : vector<1xf32>
      %reduce_sum3A_521 = vector.multi_reduction <add>, %reduce_sum3A_519, %reduce_sum3A_520 [1, 2] : vector<1x8x128xf32> to vector<1xf32>
      %reduce_sum3A_522 = vector.shape_cast %reduce_sum3A_521 : vector<1xf32> to vector<1x1x1xf32>
      %reduce_sum3A_523 = vector.extract %reduce_sum3A_522[0, 0, 0] : f32 from vector<1x1x1xf32>
      %swap3A_524 = arith.constant 0 : index
      %swap3A_525 = arith.constant 4 : index
      %swap3A_526 = memref.load %arg3[%swap3A_524, %swap3A_525] : memref<1x27xf32, #tpu.memory_space<smem>>
      memref.store %reduce_sum3A_523, %arg3[%swap3A_524, %swap3A_525] : memref<1x27xf32, #tpu.memory_space<smem>>
      %get3A_527 = arith.constant 5 : index
      %get3A_528 = arith.constant 0 : index
      %get3A_529 = arith.constant 0 : index
      %get3A_530 = vector.load %arg4[%get3A_527, %get3A_528, %get3A_529] : memref<23x8x128xf32, #tpu.memory_space<vmem>>, vector<1x8x128xf32>
      %get3A_531 = vector.shape_cast %get3A_530 : vector<1x8x128xf32> to vector<8x128xf32>
      %reduce_sum3A_532 = vector.shape_cast %get3A_531 : vector<8x128xf32> to vector<1x8x128xf32>
      %reduce_sum3A_533 = arith.constant dense<0.000000e+00> : vector<1xf32>
      %reduce_sum3A_534 = vector.multi_reduction <add>, %reduce_sum3A_532, %reduce_sum3A_533 [1, 2] : vector<1x8x128xf32> to vector<1xf32>
      %reduce_sum3A_535 = vector.shape_cast %reduce_sum3A_534 : vector<1xf32> to vector<1x1x1xf32>
      %reduce_sum3A_536 = vector.extract %reduce_sum3A_535[0, 0, 0] : f32 from vector<1x1x1xf32>
      %swap3A_537 = arith.constant 0 : index
      %swap3A_538 = arith.constant 5 : index
      %swap3A_539 = memref.load %arg3[%swap3A_537, %swap3A_538] : memref<1x27xf32, #tpu.memory_space<smem>>
      memref.store %reduce_sum3A_536, %arg3[%swap3A_537, %swap3A_538] : memref<1x27xf32, #tpu.memory_space<smem>>
      %get3A_540 = arith.constant 6 : index
      %get3A_541 = arith.constant 0 : index
      %get3A_542 = arith.constant 0 : index
      %get3A_543 = vector.load %arg4[%get3A_540, %get3A_541, %get3A_542] : memref<23x8x128xf32, #tpu.memory_space<vmem>>, vector<1x8x128xf32>
      %get3A_544 = vector.shape_cast %get3A_543 : vector<1x8x128xf32> to vector<8x128xf32>
      %reduce_sum3A_545 = vector.shape_cast %get3A_544 : vector<8x128xf32> to vector<1x8x128xf32>
      %reduce_sum3A_546 = arith.constant dense<0.000000e+00> : vector<1xf32>
      %reduce_sum3A_547 = vector.multi_reduction <add>, %reduce_sum3A_545, %reduce_sum3A_546 [1, 2] : vector<1x8x128xf32> to vector<1xf32>
      %reduce_sum3A_548 = vector.shape_cast %reduce_sum3A_547 : vector<1xf32> to vector<1x1x1xf32>
      %reduce_sum3A_549 = vector.extract %reduce_sum3A_548[0, 0, 0] : f32 from vector<1x1x1xf32>
      %swap3A_550 = arith.constant 0 : index
      %swap3A_551 = arith.constant 6 : index
      %swap3A_552 = memref.load %arg3[%swap3A_550, %swap3A_551] : memref<1x27xf32, #tpu.memory_space<smem>>
      memref.store %reduce_sum3A_549, %arg3[%swap3A_550, %swap3A_551] : memref<1x27xf32, #tpu.memory_space<smem>>
      %get3A_553 = arith.constant 7 : index
      %get3A_554 = arith.constant 0 : index
      %get3A_555 = arith.constant 0 : index
      %get3A_556 = vector.load %arg4[%get3A_553, %get3A_554, %get3A_555] : memref<23x8x128xf32, #tpu.memory_space<vmem>>, vector<1x8x128xf32>
      %get3A_557 = vector.shape_cast %get3A_556 : vector<1x8x128xf32> to vector<8x128xf32>
      %reduce_sum3A_558 = vector.shape_cast %get3A_557 : vector<8x128xf32> to vector<1x8x128xf32>
      %reduce_sum3A_559 = arith.constant dense<0.000000e+00> : vector<1xf32>
      %reduce_sum3A_560 = vector.multi_reduction <add>, %reduce_sum3A_558, %reduce_sum3A_559 [1, 2] : vector<1x8x128xf32> to vector<1xf32>
      %reduce_sum3A_561 = vector.shape_cast %reduce_sum3A_560 : vector<1xf32> to vector<1x1x1xf32>
      %reduce_sum3A_562 = vector.extract %reduce_sum3A_561[0, 0, 0] : f32 from vector<1x1x1xf32>
      %swap3A_563 = arith.constant 0 : index
      %swap3A_564 = arith.constant 7 : index
      %swap3A_565 = memref.load %arg3[%swap3A_563, %swap3A_564] : memref<1x27xf32, #tpu.memory_space<smem>>
      memref.store %reduce_sum3A_562, %arg3[%swap3A_563, %swap3A_564] : memref<1x27xf32, #tpu.memory_space<smem>>
      %get3A_566 = arith.constant 8 : index
      %get3A_567 = arith.constant 0 : index
      %get3A_568 = arith.constant 0 : index
      %get3A_569 = vector.load %arg4[%get3A_566, %get3A_567, %get3A_568] : memref<23x8x128xf32, #tpu.memory_space<vmem>>, vector<1x8x128xf32>
      %get3A_570 = vector.shape_cast %get3A_569 : vector<1x8x128xf32> to vector<8x128xf32>
      %reduce_sum3A_571 = vector.shape_cast %get3A_570 : vector<8x128xf32> to vector<1x8x128xf32>
      %reduce_sum3A_572 = arith.constant dense<0.000000e+00> : vector<1xf32>
      %reduce_sum3A_573 = vector.multi_reduction <add>, %reduce_sum3A_571, %reduce_sum3A_572 [1, 2] : vector<1x8x128xf32> to vector<1xf32>
      %reduce_sum3A_574 = vector.shape_cast %reduce_sum3A_573 : vector<1xf32> to vector<1x1x1xf32>
      %reduce_sum3A_575 = vector.extract %reduce_sum3A_574[0, 0, 0] : f32 from vector<1x1x1xf32>
      %swap3A_576 = arith.constant 0 : index
      %swap3A_577 = arith.constant 8 : index
      %swap3A_578 = memref.load %arg3[%swap3A_576, %swap3A_577] : memref<1x27xf32, #tpu.memory_space<smem>>
      memref.store %reduce_sum3A_575, %arg3[%swap3A_576, %swap3A_577] : memref<1x27xf32, #tpu.memory_space<smem>>
      %get3A_579 = arith.constant 9 : index
      %get3A_580 = arith.constant 0 : index
      %get3A_581 = arith.constant 0 : index
      %get3A_582 = vector.load %arg4[%get3A_579, %get3A_580, %get3A_581] : memref<23x8x128xf32, #tpu.memory_space<vmem>>, vector<1x8x128xf32>
      %get3A_583 = vector.shape_cast %get3A_582 : vector<1x8x128xf32> to vector<8x128xf32>
      %reduce_sum3A_584 = vector.shape_cast %get3A_583 : vector<8x128xf32> to vector<1x8x128xf32>
      %reduce_sum3A_585 = arith.constant dense<0.000000e+00> : vector<1xf32>
      %reduce_sum3A_586 = vector.multi_reduction <add>, %reduce_sum3A_584, %reduce_sum3A_585 [1, 2] : vector<1x8x128xf32> to vector<1xf32>
      %reduce_sum3A_587 = vector.shape_cast %reduce_sum3A_586 : vector<1xf32> to vector<1x1x1xf32>
      %reduce_sum3A_588 = vector.extract %reduce_sum3A_587[0, 0, 0] : f32 from vector<1x1x1xf32>
      %swap3A_589 = arith.constant 0 : index
      %swap3A_590 = arith.constant 9 : index
      %swap3A_591 = memref.load %arg3[%swap3A_589, %swap3A_590] : memref<1x27xf32, #tpu.memory_space<smem>>
      memref.store %reduce_sum3A_588, %arg3[%swap3A_589, %swap3A_590] : memref<1x27xf32, #tpu.memory_space<smem>>
      %get3A_592 = arith.constant 10 : index
      %get3A_593 = arith.constant 0 : index
      %get3A_594 = arith.constant 0 : index
      %get3A_595 = vector.load %arg4[%get3A_592, %get3A_593, %get3A_594] : memref<23x8x128xf32, #tpu.memory_space<vmem>>, vector<1x8x128xf32>
      %get3A_596 = vector.shape_cast %get3A_595 : vector<1x8x128xf32> to vector<8x128xf32>
      %reduce_sum3A_597 = vector.shape_cast %get3A_596 : vector<8x128xf32> to vector<1x8x128xf32>
      %reduce_sum3A_598 = arith.constant dense<0.000000e+00> : vector<1xf32>
      %reduce_sum3A_599 = vector.multi_reduction <add>, %reduce_sum3A_597, %reduce_sum3A_598 [1, 2] : vector<1x8x128xf32> to vector<1xf32>
      %reduce_sum3A_600 = vector.shape_cast %reduce_sum3A_599 : vector<1xf32> to vector<1x1x1xf32>
      %reduce_sum3A_601 = vector.extract %reduce_sum3A_600[0, 0, 0] : f32 from vector<1x1x1xf32>
      %swap3A_602 = arith.constant 0 : index
      %swap3A_603 = arith.constant 10 : index
      %swap3A_604 = memref.load %arg3[%swap3A_602, %swap3A_603] : memref<1x27xf32, #tpu.memory_space<smem>>
      memref.store %reduce_sum3A_601, %arg3[%swap3A_602, %swap3A_603] : memref<1x27xf32, #tpu.memory_space<smem>>
      %get3A_605 = arith.constant 11 : index
      %get3A_606 = arith.constant 0 : index
      %get3A_607 = arith.constant 0 : index
      %get3A_608 = vector.load %arg4[%get3A_605, %get3A_606, %get3A_607] : memref<23x8x128xf32, #tpu.memory_space<vmem>>, vector<1x8x128xf32>
      %get3A_609 = vector.shape_cast %get3A_608 : vector<1x8x128xf32> to vector<8x128xf32>
      %reduce_sum3A_610 = vector.shape_cast %get3A_609 : vector<8x128xf32> to vector<1x8x128xf32>
      %reduce_sum3A_611 = arith.constant dense<0.000000e+00> : vector<1xf32>
      %reduce_sum3A_612 = vector.multi_reduction <add>, %reduce_sum3A_610, %reduce_sum3A_611 [1, 2] : vector<1x8x128xf32> to vector<1xf32>
      %reduce_sum3A_613 = vector.shape_cast %reduce_sum3A_612 : vector<1xf32> to vector<1x1x1xf32>
      %reduce_sum3A_614 = vector.extract %reduce_sum3A_613[0, 0, 0] : f32 from vector<1x1x1xf32>
      %swap3A_615 = arith.constant 0 : index
      %swap3A_616 = arith.constant 11 : index
      %swap3A_617 = memref.load %arg3[%swap3A_615, %swap3A_616] : memref<1x27xf32, #tpu.memory_space<smem>>
      memref.store %reduce_sum3A_614, %arg3[%swap3A_615, %swap3A_616] : memref<1x27xf32, #tpu.memory_space<smem>>
      %get3A_618 = arith.constant 12 : index
      %get3A_619 = arith.constant 0 : index
      %get3A_620 = arith.constant 0 : index
      %get3A_621 = vector.load %arg4[%get3A_618, %get3A_619, %get3A_620] : memref<23x8x128xf32, #tpu.memory_space<vmem>>, vector<1x8x128xf32>
      %get3A_622 = vector.shape_cast %get3A_621 : vector<1x8x128xf32> to vector<8x128xf32>
      %reduce_sum3A_623 = vector.shape_cast %get3A_622 : vector<8x128xf32> to vector<1x8x128xf32>
      %reduce_sum3A_624 = arith.constant dense<0.000000e+00> : vector<1xf32>
      %reduce_sum3A_625 = vector.multi_reduction <add>, %reduce_sum3A_623, %reduce_sum3A_624 [1, 2] : vector<1x8x128xf32> to vector<1xf32>
      %reduce_sum3A_626 = vector.shape_cast %reduce_sum3A_625 : vector<1xf32> to vector<1x1x1xf32>
      %reduce_sum3A_627 = vector.extract %reduce_sum3A_626[0, 0, 0] : f32 from vector<1x1x1xf32>
      %swap3A_628 = arith.constant 0 : index
      %swap3A_629 = arith.constant 12 : index
      %swap3A_630 = memref.load %arg3[%swap3A_628, %swap3A_629] : memref<1x27xf32, #tpu.memory_space<smem>>
      memref.store %reduce_sum3A_627, %arg3[%swap3A_628, %swap3A_629] : memref<1x27xf32, #tpu.memory_space<smem>>
      %get3A_631 = arith.constant 13 : index
      %get3A_632 = arith.constant 0 : index
      %get3A_633 = arith.constant 0 : index
      %get3A_634 = vector.load %arg4[%get3A_631, %get3A_632, %get3A_633] : memref<23x8x128xf32, #tpu.memory_space<vmem>>, vector<1x8x128xf32>
      %get3A_635 = vector.shape_cast %get3A_634 : vector<1x8x128xf32> to vector<8x128xf32>
      %reduce_sum3A_636 = vector.shape_cast %get3A_635 : vector<8x128xf32> to vector<1x8x128xf32>
      %reduce_sum3A_637 = arith.constant dense<0.000000e+00> : vector<1xf32>
      %reduce_sum3A_638 = vector.multi_reduction <add>, %reduce_sum3A_636, %reduce_sum3A_637 [1, 2] : vector<1x8x128xf32> to vector<1xf32>
      %reduce_sum3A_639 = vector.shape_cast %reduce_sum3A_638 : vector<1xf32> to vector<1x1x1xf32>
      %reduce_sum3A_640 = vector.extract %reduce_sum3A_639[0, 0, 0] : f32 from vector<1x1x1xf32>
      %swap3A_641 = arith.constant 0 : index
      %swap3A_642 = arith.constant 13 : index
      %swap3A_643 = memref.load %arg3[%swap3A_641, %swap3A_642] : memref<1x27xf32, #tpu.memory_space<smem>>
      memref.store %reduce_sum3A_640, %arg3[%swap3A_641, %swap3A_642] : memref<1x27xf32, #tpu.memory_space<smem>>
      %get3A_644 = arith.constant 14 : index
      %get3A_645 = arith.constant 0 : index
      %get3A_646 = arith.constant 0 : index
      %get3A_647 = vector.load %arg4[%get3A_644, %get3A_645, %get3A_646] : memref<23x8x128xf32, #tpu.memory_space<vmem>>, vector<1x8x128xf32>
      %get3A_648 = vector.shape_cast %get3A_647 : vector<1x8x128xf32> to vector<8x128xf32>
      %reduce_sum3A_649 = vector.shape_cast %get3A_648 : vector<8x128xf32> to vector<1x8x128xf32>
      %reduce_sum3A_650 = arith.constant dense<0.000000e+00> : vector<1xf32>
      %reduce_sum3A_651 = vector.multi_reduction <add>, %reduce_sum3A_649, %reduce_sum3A_650 [1, 2] : vector<1x8x128xf32> to vector<1xf32>
      %reduce_sum3A_652 = vector.shape_cast %reduce_sum3A_651 : vector<1xf32> to vector<1x1x1xf32>
      %reduce_sum3A_653 = vector.extract %reduce_sum3A_652[0, 0, 0] : f32 from vector<1x1x1xf32>
      %swap3A_654 = arith.constant 0 : index
      %swap3A_655 = arith.constant 14 : index
      %swap3A_656 = memref.load %arg3[%swap3A_654, %swap3A_655] : memref<1x27xf32, #tpu.memory_space<smem>>
      memref.store %reduce_sum3A_653, %arg3[%swap3A_654, %swap3A_655] : memref<1x27xf32, #tpu.memory_space<smem>>
      %get3A_657 = arith.constant 15 : index
      %get3A_658 = arith.constant 0 : index
      %get3A_659 = arith.constant 0 : index
      %get3A_660 = vector.load %arg4[%get3A_657, %get3A_658, %get3A_659] : memref<23x8x128xf32, #tpu.memory_space<vmem>>, vector<1x8x128xf32>
      %get3A_661 = vector.shape_cast %get3A_660 : vector<1x8x128xf32> to vector<8x128xf32>
      %reduce_sum3A_662 = vector.shape_cast %get3A_661 : vector<8x128xf32> to vector<1x8x128xf32>
      %reduce_sum3A_663 = arith.constant dense<0.000000e+00> : vector<1xf32>
      %reduce_sum3A_664 = vector.multi_reduction <add>, %reduce_sum3A_662, %reduce_sum3A_663 [1, 2] : vector<1x8x128xf32> to vector<1xf32>
      %reduce_sum3A_665 = vector.shape_cast %reduce_sum3A_664 : vector<1xf32> to vector<1x1x1xf32>
      %reduce_sum3A_666 = vector.extract %reduce_sum3A_665[0, 0, 0] : f32 from vector<1x1x1xf32>
      %swap3A_667 = arith.constant 0 : index
      %swap3A_668 = arith.constant 15 : index
      %swap3A_669 = memref.load %arg3[%swap3A_667, %swap3A_668] : memref<1x27xf32, #tpu.memory_space<smem>>
      memref.store %reduce_sum3A_666, %arg3[%swap3A_667, %swap3A_668] : memref<1x27xf32, #tpu.memory_space<smem>>
      %get3A_670 = arith.constant 16 : index
      %get3A_671 = arith.constant 0 : index
      %get3A_672 = arith.constant 0 : index
      %get3A_673 = vector.load %arg4[%get3A_670, %get3A_671, %get3A_672] : memref<23x8x128xf32, #tpu.memory_space<vmem>>, vector<1x8x128xf32>
      %get3A_674 = vector.shape_cast %get3A_673 : vector<1x8x128xf32> to vector<8x128xf32>
      %reduce_sum3A_675 = vector.shape_cast %get3A_674 : vector<8x128xf32> to vector<1x8x128xf32>
      %reduce_sum3A_676 = arith.constant dense<0.000000e+00> : vector<1xf32>
      %reduce_sum3A_677 = vector.multi_reduction <add>, %reduce_sum3A_675, %reduce_sum3A_676 [1, 2] : vector<1x8x128xf32> to vector<1xf32>
      %reduce_sum3A_678 = vector.shape_cast %reduce_sum3A_677 : vector<1xf32> to vector<1x1x1xf32>
      %reduce_sum3A_679 = vector.extract %reduce_sum3A_678[0, 0, 0] : f32 from vector<1x1x1xf32>
      %swap3A_680 = arith.constant 0 : index
      %swap3A_681 = arith.constant 16 : index
      %swap3A_682 = memref.load %arg3[%swap3A_680, %swap3A_681] : memref<1x27xf32, #tpu.memory_space<smem>>
      memref.store %reduce_sum3A_679, %arg3[%swap3A_680, %swap3A_681] : memref<1x27xf32, #tpu.memory_space<smem>>
      %get3A_683 = arith.constant 17 : index
      %get3A_684 = arith.constant 0 : index
      %get3A_685 = arith.constant 0 : index
      %get3A_686 = vector.load %arg4[%get3A_683, %get3A_684, %get3A_685] : memref<23x8x128xf32, #tpu.memory_space<vmem>>, vector<1x8x128xf32>
      %get3A_687 = vector.shape_cast %get3A_686 : vector<1x8x128xf32> to vector<8x128xf32>
      %reduce_sum3A_688 = vector.shape_cast %get3A_687 : vector<8x128xf32> to vector<1x8x128xf32>
      %reduce_sum3A_689 = arith.constant dense<0.000000e+00> : vector<1xf32>
      %reduce_sum3A_690 = vector.multi_reduction <add>, %reduce_sum3A_688, %reduce_sum3A_689 [1, 2] : vector<1x8x128xf32> to vector<1xf32>
      %reduce_sum3A_691 = vector.shape_cast %reduce_sum3A_690 : vector<1xf32> to vector<1x1x1xf32>
      %reduce_sum3A_692 = vector.extract %reduce_sum3A_691[0, 0, 0] : f32 from vector<1x1x1xf32>
      %swap3A_693 = arith.constant 0 : index
      %swap3A_694 = arith.constant 17 : index
      %swap3A_695 = memref.load %arg3[%swap3A_693, %swap3A_694] : memref<1x27xf32, #tpu.memory_space<smem>>
      memref.store %reduce_sum3A_692, %arg3[%swap3A_693, %swap3A_694] : memref<1x27xf32, #tpu.memory_space<smem>>
      %get3A_696 = arith.constant 18 : index
      %get3A_697 = arith.constant 0 : index
      %get3A_698 = arith.constant 0 : index
      %get3A_699 = vector.load %arg4[%get3A_696, %get3A_697, %get3A_698] : memref<23x8x128xf32, #tpu.memory_space<vmem>>, vector<1x8x128xf32>
      %get3A_700 = vector.shape_cast %get3A_699 : vector<1x8x128xf32> to vector<8x128xf32>
      %reduce_sum3A_701 = vector.shape_cast %get3A_700 : vector<8x128xf32> to vector<1x8x128xf32>
      %reduce_sum3A_702 = arith.constant dense<0.000000e+00> : vector<1xf32>
      %reduce_sum3A_703 = vector.multi_reduction <add>, %reduce_sum3A_701, %reduce_sum3A_702 [1, 2] : vector<1x8x128xf32> to vector<1xf32>
      %reduce_sum3A_704 = vector.shape_cast %reduce_sum3A_703 : vector<1xf32> to vector<1x1x1xf32>
      %reduce_sum3A_705 = vector.extract %reduce_sum3A_704[0, 0, 0] : f32 from vector<1x1x1xf32>
      %swap3A_706 = arith.constant 0 : index
      %swap3A_707 = arith.constant 18 : index
      %swap3A_708 = memref.load %arg3[%swap3A_706, %swap3A_707] : memref<1x27xf32, #tpu.memory_space<smem>>
      memref.store %reduce_sum3A_705, %arg3[%swap3A_706, %swap3A_707] : memref<1x27xf32, #tpu.memory_space<smem>>
      %get3A_709 = arith.constant 19 : index
      %get3A_710 = arith.constant 0 : index
      %get3A_711 = arith.constant 0 : index
      %get3A_712 = vector.load %arg4[%get3A_709, %get3A_710, %get3A_711] : memref<23x8x128xf32, #tpu.memory_space<vmem>>, vector<1x8x128xf32>
      %get3A_713 = vector.shape_cast %get3A_712 : vector<1x8x128xf32> to vector<8x128xf32>
      %reduce_sum3A_714 = vector.shape_cast %get3A_713 : vector<8x128xf32> to vector<1x8x128xf32>
      %reduce_sum3A_715 = arith.constant dense<0.000000e+00> : vector<1xf32>
      %reduce_sum3A_716 = vector.multi_reduction <add>, %reduce_sum3A_714, %reduce_sum3A_715 [1, 2] : vector<1x8x128xf32> to vector<1xf32>
      %reduce_sum3A_717 = vector.shape_cast %reduce_sum3A_716 : vector<1xf32> to vector<1x1x1xf32>
      %reduce_sum3A_718 = vector.extract %reduce_sum3A_717[0, 0, 0] : f32 from vector<1x1x1xf32>
      %swap3A_719 = arith.constant 0 : index
      %swap3A_720 = arith.constant 19 : index
      %swap3A_721 = memref.load %arg3[%swap3A_719, %swap3A_720] : memref<1x27xf32, #tpu.memory_space<smem>>
      memref.store %reduce_sum3A_718, %arg3[%swap3A_719, %swap3A_720] : memref<1x27xf32, #tpu.memory_space<smem>>
      %get3A_722 = arith.constant 20 : index
      %get3A_723 = arith.constant 0 : index
      %get3A_724 = arith.constant 0 : index
      %get3A_725 = vector.load %arg4[%get3A_722, %get3A_723, %get3A_724] : memref<23x8x128xf32, #tpu.memory_space<vmem>>, vector<1x8x128xf32>
      %get3A_726 = vector.shape_cast %get3A_725 : vector<1x8x128xf32> to vector<8x128xf32>
      %reduce_sum3A_727 = vector.shape_cast %get3A_726 : vector<8x128xf32> to vector<1x8x128xf32>
      %reduce_sum3A_728 = arith.constant dense<0.000000e+00> : vector<1xf32>
      %reduce_sum3A_729 = vector.multi_reduction <add>, %reduce_sum3A_727, %reduce_sum3A_728 [1, 2] : vector<1x8x128xf32> to vector<1xf32>
      %reduce_sum3A_730 = vector.shape_cast %reduce_sum3A_729 : vector<1xf32> to vector<1x1x1xf32>
      %reduce_sum3A_731 = vector.extract %reduce_sum3A_730[0, 0, 0] : f32 from vector<1x1x1xf32>
      %swap3A_732 = arith.constant 0 : index
      %swap3A_733 = arith.constant 20 : index
      %swap3A_734 = memref.load %arg3[%swap3A_732, %swap3A_733] : memref<1x27xf32, #tpu.memory_space<smem>>
      memref.store %reduce_sum3A_731, %arg3[%swap3A_732, %swap3A_733] : memref<1x27xf32, #tpu.memory_space<smem>>
      %get3A_735 = arith.constant 21 : index
      %get3A_736 = arith.constant 0 : index
      %get3A_737 = arith.constant 0 : index
      %get3A_738 = vector.load %arg4[%get3A_735, %get3A_736, %get3A_737] : memref<23x8x128xf32, #tpu.memory_space<vmem>>, vector<1x8x128xf32>
      %get3A_739 = vector.shape_cast %get3A_738 : vector<1x8x128xf32> to vector<8x128xf32>
      %reduce_sum3A_740 = vector.shape_cast %get3A_739 : vector<8x128xf32> to vector<1x8x128xf32>
      %reduce_sum3A_741 = arith.constant dense<0.000000e+00> : vector<1xf32>
      %reduce_sum3A_742 = vector.multi_reduction <add>, %reduce_sum3A_740, %reduce_sum3A_741 [1, 2] : vector<1x8x128xf32> to vector<1xf32>
      %reduce_sum3A_743 = vector.shape_cast %reduce_sum3A_742 : vector<1xf32> to vector<1x1x1xf32>
      %reduce_sum3A_744 = vector.extract %reduce_sum3A_743[0, 0, 0] : f32 from vector<1x1x1xf32>
      %swap3A_745 = arith.constant 0 : index
      %swap3A_746 = arith.constant 21 : index
      %swap3A_747 = memref.load %arg3[%swap3A_745, %swap3A_746] : memref<1x27xf32, #tpu.memory_space<smem>>
      memref.store %reduce_sum3A_744, %arg3[%swap3A_745, %swap3A_746] : memref<1x27xf32, #tpu.memory_space<smem>>
      %get3A_748 = arith.constant 22 : index
      %get3A_749 = arith.constant 0 : index
      %get3A_750 = arith.constant 0 : index
      %get3A_751 = vector.load %arg4[%get3A_748, %get3A_749, %get3A_750] : memref<23x8x128xf32, #tpu.memory_space<vmem>>, vector<1x8x128xf32>
      %get3A_752 = vector.shape_cast %get3A_751 : vector<1x8x128xf32> to vector<8x128xf32>
      %reduce_sum3A_753 = vector.shape_cast %get3A_752 : vector<8x128xf32> to vector<1x8x128xf32>
      %reduce_sum3A_754 = arith.constant dense<0.000000e+00> : vector<1xf32>
      %reduce_sum3A_755 = vector.multi_reduction <add>, %reduce_sum3A_753, %reduce_sum3A_754 [1, 2] : vector<1x8x128xf32> to vector<1xf32>
      %reduce_sum3A_756 = vector.shape_cast %reduce_sum3A_755 : vector<1xf32> to vector<1x1x1xf32>
      %reduce_sum3A_757 = vector.extract %reduce_sum3A_756[0, 0, 0] : f32 from vector<1x1x1xf32>
      %swap3A_758 = arith.constant 0 : index
      %swap3A_759 = arith.constant 22 : index
      %swap3A_760 = memref.load %arg3[%swap3A_758, %swap3A_759] : memref<1x27xf32, #tpu.memory_space<smem>>
      memref.store %reduce_sum3A_757, %arg3[%swap3A_758, %swap3A_759] : memref<1x27xf32, #tpu.memory_space<smem>>
      %get3A_761 = arith.constant 0 : index
      %get3A_762 = arith.constant 0 : index
      %get3A_763 = arith.constant 0 : index
      %get3A_764 = vector.load %arg5[%get3A_761, %get3A_762, %get3A_763] : memref<4x8x128xf32, #tpu.memory_space<vmem>>, vector<1x8x128xf32>
      %get3A_765 = vector.shape_cast %get3A_764 : vector<1x8x128xf32> to vector<8x128xf32>
      %reduce_min3A_766 = vector.shape_cast %get3A_765 : vector<8x128xf32> to vector<1x8x128xf32>
      %reduce_min3A_767 = arith.constant dense<0x7F800000> : vector<1xf32>
      %reduce_min3A_768 = vector.multi_reduction <minimumf>, %reduce_min3A_766, %reduce_min3A_767 [1, 2] : vector<1x8x128xf32> to vector<1xf32>
      %reduce_min3A_769 = vector.shape_cast %reduce_min3A_768 : vector<1xf32> to vector<1x1x1xf32>
      %reduce_min3A_770 = vector.extract %reduce_min3A_769[0, 0, 0] : f32 from vector<1x1x1xf32>
      %swap3A_771 = arith.constant 0 : index
      %swap3A_772 = arith.constant 23 : index
      %swap3A_773 = memref.load %arg3[%swap3A_771, %swap3A_772] : memref<1x27xf32, #tpu.memory_space<smem>>
      memref.store %reduce_min3A_770, %arg3[%swap3A_771, %swap3A_772] : memref<1x27xf32, #tpu.memory_space<smem>>
      %get3A_774 = arith.constant 1 : index
      %get3A_775 = arith.constant 0 : index
      %get3A_776 = arith.constant 0 : index
      %get3A_777 = vector.load %arg5[%get3A_774, %get3A_775, %get3A_776] : memref<4x8x128xf32, #tpu.memory_space<vmem>>, vector<1x8x128xf32>
      %get3A_778 = vector.shape_cast %get3A_777 : vector<1x8x128xf32> to vector<8x128xf32>
      %reduce_max3A_779 = vector.shape_cast %get3A_778 : vector<8x128xf32> to vector<1x8x128xf32>
      %reduce_max3A_780 = arith.constant dense<0xFF800000> : vector<1xf32>
      %reduce_max3A_781 = vector.multi_reduction <maximumf>, %reduce_max3A_779, %reduce_max3A_780 [1, 2] : vector<1x8x128xf32> to vector<1xf32>
      %reduce_max3A_782 = vector.shape_cast %reduce_max3A_781 : vector<1xf32> to vector<1x1x1xf32>
      %reduce_max3A_783 = vector.extract %reduce_max3A_782[0, 0, 0] : f32 from vector<1x1x1xf32>
      %swap3A_784 = arith.constant 0 : index
      %swap3A_785 = arith.constant 24 : index
      %swap3A_786 = memref.load %arg3[%swap3A_784, %swap3A_785] : memref<1x27xf32, #tpu.memory_space<smem>>
      memref.store %reduce_max3A_783, %arg3[%swap3A_784, %swap3A_785] : memref<1x27xf32, #tpu.memory_space<smem>>
      %get3A_787 = arith.constant 2 : index
      %get3A_788 = arith.constant 0 : index
      %get3A_789 = arith.constant 0 : index
      %get3A_790 = vector.load %arg5[%get3A_787, %get3A_788, %get3A_789] : memref<4x8x128xf32, #tpu.memory_space<vmem>>, vector<1x8x128xf32>
      %get3A_791 = vector.shape_cast %get3A_790 : vector<1x8x128xf32> to vector<8x128xf32>
      %reduce_min3A_792 = vector.shape_cast %get3A_791 : vector<8x128xf32> to vector<1x8x128xf32>
      %reduce_min3A_793 = arith.constant dense<0x7F800000> : vector<1xf32>
      %reduce_min3A_794 = vector.multi_reduction <minimumf>, %reduce_min3A_792, %reduce_min3A_793 [1, 2] : vector<1x8x128xf32> to vector<1xf32>
      %reduce_min3A_795 = vector.shape_cast %reduce_min3A_794 : vector<1xf32> to vector<1x1x1xf32>
      %reduce_min3A_796 = vector.extract %reduce_min3A_795[0, 0, 0] : f32 from vector<1x1x1xf32>
      %swap3A_797 = arith.constant 0 : index
      %swap3A_798 = arith.constant 25 : index
      %swap3A_799 = memref.load %arg3[%swap3A_797, %swap3A_798] : memref<1x27xf32, #tpu.memory_space<smem>>
      memref.store %reduce_min3A_796, %arg3[%swap3A_797, %swap3A_798] : memref<1x27xf32, #tpu.memory_space<smem>>
      %get3A_800 = arith.constant 3 : index
      %get3A_801 = arith.constant 0 : index
      %get3A_802 = arith.constant 0 : index
      %get3A_803 = vector.load %arg5[%get3A_800, %get3A_801, %get3A_802] : memref<4x8x128xf32, #tpu.memory_space<vmem>>, vector<1x8x128xf32>
      %get3A_804 = vector.shape_cast %get3A_803 : vector<1x8x128xf32> to vector<8x128xf32>
      %reduce_max3A_805 = vector.shape_cast %get3A_804 : vector<8x128xf32> to vector<1x8x128xf32>
      %reduce_max3A_806 = arith.constant dense<0xFF800000> : vector<1xf32>
      %reduce_max3A_807 = vector.multi_reduction <maximumf>, %reduce_max3A_805, %reduce_max3A_806 [1, 2] : vector<1x8x128xf32> to vector<1xf32>
      %reduce_max3A_808 = vector.shape_cast %reduce_max3A_807 : vector<1xf32> to vector<1x1x1xf32>
      %reduce_max3A_809 = vector.extract %reduce_max3A_808[0, 0, 0] : f32 from vector<1x1x1xf32>
      %swap3A_810 = arith.constant 0 : index
      %swap3A_811 = arith.constant 26 : index
      %swap3A_812 = memref.load %arg3[%swap3A_810, %swap3A_811] : memref<1x27xf32, #tpu.memory_space<smem>>
      memref.store %reduce_max3A_809, %arg3[%swap3A_810, %swap3A_811] : memref<1x27xf32, #tpu.memory_space<smem>>
    } else {
    }
    return
  }
  func.func @transform_0(%arg0: i32) -> (i32, i32) {
    %c0_i32 = arith.constant 0 : i32
    %c0_i32_0 = arith.constant 0 : i32
    return %arg0, %c0_i32 : i32, i32
  }
  func.func @transform_1(%arg0: i32) -> (i32, i32) {
    %c0_i32 = arith.constant 0 : i32
    %c0_i32_0 = arith.constant 0 : i32
    return %arg0, %c0_i32 : i32, i32
  }
  func.func @transform_2(%arg0: i32) -> (i32, i32) {
    %c0_i32 = arith.constant 0 : i32
    %c0_i32_0 = arith.constant 0 : i32
    %c0_i32_1 = arith.constant 0 : i32
    return %c0_i32, %c0_i32_0 : i32, i32
  }
}

module attributes {stable_mosaic.version = 14 : i64} {
  func.func @_combine_kernel(%arg0: memref<32x512xf32, #tpu.memory_space<vmem>>, %arg1: memref<1x27xf32, #tpu.memory_space<smem>>, %arg2: memref<1x1xf32, #tpu.memory_space<smem>>) attributes {dimension_semantics = [], scalar_prefetch = 0 : i64, scratch_operands = 0 : i64, tpu.core_type = #tpu.core_type<tc>} {
    %get3A = arith.constant 0 : index
    %get3A_0 = arith.constant 0 : index
    %get3A_1 = vector.load %arg0[%get3A, %get3A_0] : memref<32x512xf32, #tpu.memory_space<vmem>>, vector<32x512xf32>
    %slice3A = vector.extract_strided_slice %get3A_1 {offsets = [0, 0], sizes = [32, 16], strides = [1, 1]} : vector<32x512xf32> to vector<32x16xf32>
    %reduce_sum3A = vector.shape_cast %slice3A : vector<32x16xf32> to vector<1x32x16xf32>
    %reduce_sum3A_2 = arith.constant dense<0.000000e+00> : vector<1xf32>
    %reduce_sum3A_3 = vector.multi_reduction <add>, %reduce_sum3A, %reduce_sum3A_2 [1, 2] : vector<1x32x16xf32> to vector<1xf32>
    %reduce_sum3A_4 = vector.shape_cast %reduce_sum3A_3 : vector<1xf32> to vector<1x1x1xf32>
    %reduce_sum3A_5 = vector.extract %reduce_sum3A_4[0, 0, 0] : f32 from vector<1x1x1xf32>
    %get3A_6 = arith.constant 0 : index
    %get3A_7 = arith.constant 0 : index
    %get3A_8 = memref.load %arg1[%get3A_6, %get3A_7] : memref<1x27xf32, #tpu.memory_space<smem>>
    %add3A = arith.addf %reduce_sum3A_5, %get3A_8 : f32
    %slice3A_9 = vector.extract_strided_slice %get3A_1 {offsets = [0, 16], sizes = [32, 16], strides = [1, 1]} : vector<32x512xf32> to vector<32x16xf32>
    %reduce_sum3A_10 = vector.shape_cast %slice3A_9 : vector<32x16xf32> to vector<1x32x16xf32>
    %reduce_sum3A_11 = arith.constant dense<0.000000e+00> : vector<1xf32>
    %reduce_sum3A_12 = vector.multi_reduction <add>, %reduce_sum3A_10, %reduce_sum3A_11 [1, 2] : vector<1x32x16xf32> to vector<1xf32>
    %reduce_sum3A_13 = vector.shape_cast %reduce_sum3A_12 : vector<1xf32> to vector<1x1x1xf32>
    %reduce_sum3A_14 = vector.extract %reduce_sum3A_13[0, 0, 0] : f32 from vector<1x1x1xf32>
    %get3A_15 = arith.constant 0 : index
    %get3A_16 = arith.constant 1 : index
    %get3A_17 = memref.load %arg1[%get3A_15, %get3A_16] : memref<1x27xf32, #tpu.memory_space<smem>>
    %add3A_18 = arith.addf %reduce_sum3A_14, %get3A_17 : f32
    %slice3A_19 = vector.extract_strided_slice %get3A_1 {offsets = [0, 32], sizes = [32, 16], strides = [1, 1]} : vector<32x512xf32> to vector<32x16xf32>
    %reduce_sum3A_20 = vector.shape_cast %slice3A_19 : vector<32x16xf32> to vector<1x32x16xf32>
    %reduce_sum3A_21 = arith.constant dense<0.000000e+00> : vector<1xf32>
    %reduce_sum3A_22 = vector.multi_reduction <add>, %reduce_sum3A_20, %reduce_sum3A_21 [1, 2] : vector<1x32x16xf32> to vector<1xf32>
    %reduce_sum3A_23 = vector.shape_cast %reduce_sum3A_22 : vector<1xf32> to vector<1x1x1xf32>
    %reduce_sum3A_24 = vector.extract %reduce_sum3A_23[0, 0, 0] : f32 from vector<1x1x1xf32>
    %get3A_25 = arith.constant 0 : index
    %get3A_26 = arith.constant 2 : index
    %get3A_27 = memref.load %arg1[%get3A_25, %get3A_26] : memref<1x27xf32, #tpu.memory_space<smem>>
    %add3A_28 = arith.addf %reduce_sum3A_24, %get3A_27 : f32
    %slice3A_29 = vector.extract_strided_slice %get3A_1 {offsets = [0, 48], sizes = [32, 16], strides = [1, 1]} : vector<32x512xf32> to vector<32x16xf32>
    %reduce_sum3A_30 = vector.shape_cast %slice3A_29 : vector<32x16xf32> to vector<1x32x16xf32>
    %reduce_sum3A_31 = arith.constant dense<0.000000e+00> : vector<1xf32>
    %reduce_sum3A_32 = vector.multi_reduction <add>, %reduce_sum3A_30, %reduce_sum3A_31 [1, 2] : vector<1x32x16xf32> to vector<1xf32>
    %reduce_sum3A_33 = vector.shape_cast %reduce_sum3A_32 : vector<1xf32> to vector<1x1x1xf32>
    %reduce_sum3A_34 = vector.extract %reduce_sum3A_33[0, 0, 0] : f32 from vector<1x1x1xf32>
    %get3A_35 = arith.constant 0 : index
    %get3A_36 = arith.constant 3 : index
    %get3A_37 = memref.load %arg1[%get3A_35, %get3A_36] : memref<1x27xf32, #tpu.memory_space<smem>>
    %add3A_38 = arith.addf %reduce_sum3A_34, %get3A_37 : f32
    %slice3A_39 = vector.extract_strided_slice %get3A_1 {offsets = [0, 64], sizes = [32, 16], strides = [1, 1]} : vector<32x512xf32> to vector<32x16xf32>
    %reduce_sum3A_40 = vector.shape_cast %slice3A_39 : vector<32x16xf32> to vector<1x32x16xf32>
    %reduce_sum3A_41 = arith.constant dense<0.000000e+00> : vector<1xf32>
    %reduce_sum3A_42 = vector.multi_reduction <add>, %reduce_sum3A_40, %reduce_sum3A_41 [1, 2] : vector<1x32x16xf32> to vector<1xf32>
    %reduce_sum3A_43 = vector.shape_cast %reduce_sum3A_42 : vector<1xf32> to vector<1x1x1xf32>
    %reduce_sum3A_44 = vector.extract %reduce_sum3A_43[0, 0, 0] : f32 from vector<1x1x1xf32>
    %get3A_45 = arith.constant 0 : index
    %get3A_46 = arith.constant 4 : index
    %get3A_47 = memref.load %arg1[%get3A_45, %get3A_46] : memref<1x27xf32, #tpu.memory_space<smem>>
    %add3A_48 = arith.addf %reduce_sum3A_44, %get3A_47 : f32
    %slice3A_49 = vector.extract_strided_slice %get3A_1 {offsets = [0, 80], sizes = [32, 16], strides = [1, 1]} : vector<32x512xf32> to vector<32x16xf32>
    %reduce_sum3A_50 = vector.shape_cast %slice3A_49 : vector<32x16xf32> to vector<1x32x16xf32>
    %reduce_sum3A_51 = arith.constant dense<0.000000e+00> : vector<1xf32>
    %reduce_sum3A_52 = vector.multi_reduction <add>, %reduce_sum3A_50, %reduce_sum3A_51 [1, 2] : vector<1x32x16xf32> to vector<1xf32>
    %reduce_sum3A_53 = vector.shape_cast %reduce_sum3A_52 : vector<1xf32> to vector<1x1x1xf32>
    %reduce_sum3A_54 = vector.extract %reduce_sum3A_53[0, 0, 0] : f32 from vector<1x1x1xf32>
    %get3A_55 = arith.constant 0 : index
    %get3A_56 = arith.constant 5 : index
    %get3A_57 = memref.load %arg1[%get3A_55, %get3A_56] : memref<1x27xf32, #tpu.memory_space<smem>>
    %add3A_58 = arith.addf %reduce_sum3A_54, %get3A_57 : f32
    %slice3A_59 = vector.extract_strided_slice %get3A_1 {offsets = [0, 96], sizes = [32, 16], strides = [1, 1]} : vector<32x512xf32> to vector<32x16xf32>
    %reduce_sum3A_60 = vector.shape_cast %slice3A_59 : vector<32x16xf32> to vector<1x32x16xf32>
    %reduce_sum3A_61 = arith.constant dense<0.000000e+00> : vector<1xf32>
    %reduce_sum3A_62 = vector.multi_reduction <add>, %reduce_sum3A_60, %reduce_sum3A_61 [1, 2] : vector<1x32x16xf32> to vector<1xf32>
    %reduce_sum3A_63 = vector.shape_cast %reduce_sum3A_62 : vector<1xf32> to vector<1x1x1xf32>
    %reduce_sum3A_64 = vector.extract %reduce_sum3A_63[0, 0, 0] : f32 from vector<1x1x1xf32>
    %get3A_65 = arith.constant 0 : index
    %get3A_66 = arith.constant 6 : index
    %get3A_67 = memref.load %arg1[%get3A_65, %get3A_66] : memref<1x27xf32, #tpu.memory_space<smem>>
    %add3A_68 = arith.addf %reduce_sum3A_64, %get3A_67 : f32
    %slice3A_69 = vector.extract_strided_slice %get3A_1 {offsets = [0, 112], sizes = [32, 16], strides = [1, 1]} : vector<32x512xf32> to vector<32x16xf32>
    %reduce_sum3A_70 = vector.shape_cast %slice3A_69 : vector<32x16xf32> to vector<1x32x16xf32>
    %reduce_sum3A_71 = arith.constant dense<0.000000e+00> : vector<1xf32>
    %reduce_sum3A_72 = vector.multi_reduction <add>, %reduce_sum3A_70, %reduce_sum3A_71 [1, 2] : vector<1x32x16xf32> to vector<1xf32>
    %reduce_sum3A_73 = vector.shape_cast %reduce_sum3A_72 : vector<1xf32> to vector<1x1x1xf32>
    %reduce_sum3A_74 = vector.extract %reduce_sum3A_73[0, 0, 0] : f32 from vector<1x1x1xf32>
    %get3A_75 = arith.constant 0 : index
    %get3A_76 = arith.constant 7 : index
    %get3A_77 = memref.load %arg1[%get3A_75, %get3A_76] : memref<1x27xf32, #tpu.memory_space<smem>>
    %add3A_78 = arith.addf %reduce_sum3A_74, %get3A_77 : f32
    %slice3A_79 = vector.extract_strided_slice %get3A_1 {offsets = [0, 128], sizes = [32, 16], strides = [1, 1]} : vector<32x512xf32> to vector<32x16xf32>
    %reduce_sum3A_80 = vector.shape_cast %slice3A_79 : vector<32x16xf32> to vector<1x32x16xf32>
    %reduce_sum3A_81 = arith.constant dense<0.000000e+00> : vector<1xf32>
    %reduce_sum3A_82 = vector.multi_reduction <add>, %reduce_sum3A_80, %reduce_sum3A_81 [1, 2] : vector<1x32x16xf32> to vector<1xf32>
    %reduce_sum3A_83 = vector.shape_cast %reduce_sum3A_82 : vector<1xf32> to vector<1x1x1xf32>
    %reduce_sum3A_84 = vector.extract %reduce_sum3A_83[0, 0, 0] : f32 from vector<1x1x1xf32>
    %get3A_85 = arith.constant 0 : index
    %get3A_86 = arith.constant 8 : index
    %get3A_87 = memref.load %arg1[%get3A_85, %get3A_86] : memref<1x27xf32, #tpu.memory_space<smem>>
    %add3A_88 = arith.addf %reduce_sum3A_84, %get3A_87 : f32
    %slice3A_89 = vector.extract_strided_slice %get3A_1 {offsets = [0, 144], sizes = [32, 16], strides = [1, 1]} : vector<32x512xf32> to vector<32x16xf32>
    %reduce_sum3A_90 = vector.shape_cast %slice3A_89 : vector<32x16xf32> to vector<1x32x16xf32>
    %reduce_sum3A_91 = arith.constant dense<0.000000e+00> : vector<1xf32>
    %reduce_sum3A_92 = vector.multi_reduction <add>, %reduce_sum3A_90, %reduce_sum3A_91 [1, 2] : vector<1x32x16xf32> to vector<1xf32>
    %reduce_sum3A_93 = vector.shape_cast %reduce_sum3A_92 : vector<1xf32> to vector<1x1x1xf32>
    %reduce_sum3A_94 = vector.extract %reduce_sum3A_93[0, 0, 0] : f32 from vector<1x1x1xf32>
    %get3A_95 = arith.constant 0 : index
    %get3A_96 = arith.constant 9 : index
    %get3A_97 = memref.load %arg1[%get3A_95, %get3A_96] : memref<1x27xf32, #tpu.memory_space<smem>>
    %add3A_98 = arith.addf %reduce_sum3A_94, %get3A_97 : f32
    %slice3A_99 = vector.extract_strided_slice %get3A_1 {offsets = [0, 160], sizes = [32, 16], strides = [1, 1]} : vector<32x512xf32> to vector<32x16xf32>
    %reduce_sum3A_100 = vector.shape_cast %slice3A_99 : vector<32x16xf32> to vector<1x32x16xf32>
    %reduce_sum3A_101 = arith.constant dense<0.000000e+00> : vector<1xf32>
    %reduce_sum3A_102 = vector.multi_reduction <add>, %reduce_sum3A_100, %reduce_sum3A_101 [1, 2] : vector<1x32x16xf32> to vector<1xf32>
    %reduce_sum3A_103 = vector.shape_cast %reduce_sum3A_102 : vector<1xf32> to vector<1x1x1xf32>
    %reduce_sum3A_104 = vector.extract %reduce_sum3A_103[0, 0, 0] : f32 from vector<1x1x1xf32>
    %get3A_105 = arith.constant 0 : index
    %get3A_106 = arith.constant 10 : index
    %get3A_107 = memref.load %arg1[%get3A_105, %get3A_106] : memref<1x27xf32, #tpu.memory_space<smem>>
    %add3A_108 = arith.addf %reduce_sum3A_104, %get3A_107 : f32
    %slice3A_109 = vector.extract_strided_slice %get3A_1 {offsets = [0, 176], sizes = [32, 16], strides = [1, 1]} : vector<32x512xf32> to vector<32x16xf32>
    %reduce_sum3A_110 = vector.shape_cast %slice3A_109 : vector<32x16xf32> to vector<1x32x16xf32>
    %reduce_sum3A_111 = arith.constant dense<0.000000e+00> : vector<1xf32>
    %reduce_sum3A_112 = vector.multi_reduction <add>, %reduce_sum3A_110, %reduce_sum3A_111 [1, 2] : vector<1x32x16xf32> to vector<1xf32>
    %reduce_sum3A_113 = vector.shape_cast %reduce_sum3A_112 : vector<1xf32> to vector<1x1x1xf32>
    %reduce_sum3A_114 = vector.extract %reduce_sum3A_113[0, 0, 0] : f32 from vector<1x1x1xf32>
    %get3A_115 = arith.constant 0 : index
    %get3A_116 = arith.constant 11 : index
    %get3A_117 = memref.load %arg1[%get3A_115, %get3A_116] : memref<1x27xf32, #tpu.memory_space<smem>>
    %add3A_118 = arith.addf %reduce_sum3A_114, %get3A_117 : f32
    %slice3A_119 = vector.extract_strided_slice %get3A_1 {offsets = [0, 192], sizes = [32, 16], strides = [1, 1]} : vector<32x512xf32> to vector<32x16xf32>
    %reduce_sum3A_120 = vector.shape_cast %slice3A_119 : vector<32x16xf32> to vector<1x32x16xf32>
    %reduce_sum3A_121 = arith.constant dense<0.000000e+00> : vector<1xf32>
    %reduce_sum3A_122 = vector.multi_reduction <add>, %reduce_sum3A_120, %reduce_sum3A_121 [1, 2] : vector<1x32x16xf32> to vector<1xf32>
    %reduce_sum3A_123 = vector.shape_cast %reduce_sum3A_122 : vector<1xf32> to vector<1x1x1xf32>
    %reduce_sum3A_124 = vector.extract %reduce_sum3A_123[0, 0, 0] : f32 from vector<1x1x1xf32>
    %get3A_125 = arith.constant 0 : index
    %get3A_126 = arith.constant 12 : index
    %get3A_127 = memref.load %arg1[%get3A_125, %get3A_126] : memref<1x27xf32, #tpu.memory_space<smem>>
    %add3A_128 = arith.addf %reduce_sum3A_124, %get3A_127 : f32
    %slice3A_129 = vector.extract_strided_slice %get3A_1 {offsets = [0, 208], sizes = [32, 16], strides = [1, 1]} : vector<32x512xf32> to vector<32x16xf32>
    %reduce_sum3A_130 = vector.shape_cast %slice3A_129 : vector<32x16xf32> to vector<1x32x16xf32>
    %reduce_sum3A_131 = arith.constant dense<0.000000e+00> : vector<1xf32>
    %reduce_sum3A_132 = vector.multi_reduction <add>, %reduce_sum3A_130, %reduce_sum3A_131 [1, 2] : vector<1x32x16xf32> to vector<1xf32>
    %reduce_sum3A_133 = vector.shape_cast %reduce_sum3A_132 : vector<1xf32> to vector<1x1x1xf32>
    %reduce_sum3A_134 = vector.extract %reduce_sum3A_133[0, 0, 0] : f32 from vector<1x1x1xf32>
    %get3A_135 = arith.constant 0 : index
    %get3A_136 = arith.constant 13 : index
    %get3A_137 = memref.load %arg1[%get3A_135, %get3A_136] : memref<1x27xf32, #tpu.memory_space<smem>>
    %add3A_138 = arith.addf %reduce_sum3A_134, %get3A_137 : f32
    %slice3A_139 = vector.extract_strided_slice %get3A_1 {offsets = [0, 224], sizes = [32, 16], strides = [1, 1]} : vector<32x512xf32> to vector<32x16xf32>
    %reduce_sum3A_140 = vector.shape_cast %slice3A_139 : vector<32x16xf32> to vector<1x32x16xf32>
    %reduce_sum3A_141 = arith.constant dense<0.000000e+00> : vector<1xf32>
    %reduce_sum3A_142 = vector.multi_reduction <add>, %reduce_sum3A_140, %reduce_sum3A_141 [1, 2] : vector<1x32x16xf32> to vector<1xf32>
    %reduce_sum3A_143 = vector.shape_cast %reduce_sum3A_142 : vector<1xf32> to vector<1x1x1xf32>
    %reduce_sum3A_144 = vector.extract %reduce_sum3A_143[0, 0, 0] : f32 from vector<1x1x1xf32>
    %get3A_145 = arith.constant 0 : index
    %get3A_146 = arith.constant 14 : index
    %get3A_147 = memref.load %arg1[%get3A_145, %get3A_146] : memref<1x27xf32, #tpu.memory_space<smem>>
    %add3A_148 = arith.addf %reduce_sum3A_144, %get3A_147 : f32
    %slice3A_149 = vector.extract_strided_slice %get3A_1 {offsets = [0, 240], sizes = [32, 16], strides = [1, 1]} : vector<32x512xf32> to vector<32x16xf32>
    %reduce_sum3A_150 = vector.shape_cast %slice3A_149 : vector<32x16xf32> to vector<1x32x16xf32>
    %reduce_sum3A_151 = arith.constant dense<0.000000e+00> : vector<1xf32>
    %reduce_sum3A_152 = vector.multi_reduction <add>, %reduce_sum3A_150, %reduce_sum3A_151 [1, 2] : vector<1x32x16xf32> to vector<1xf32>
    %reduce_sum3A_153 = vector.shape_cast %reduce_sum3A_152 : vector<1xf32> to vector<1x1x1xf32>
    %reduce_sum3A_154 = vector.extract %reduce_sum3A_153[0, 0, 0] : f32 from vector<1x1x1xf32>
    %get3A_155 = arith.constant 0 : index
    %get3A_156 = arith.constant 15 : index
    %get3A_157 = memref.load %arg1[%get3A_155, %get3A_156] : memref<1x27xf32, #tpu.memory_space<smem>>
    %add3A_158 = arith.addf %reduce_sum3A_154, %get3A_157 : f32
    %slice3A_159 = vector.extract_strided_slice %get3A_1 {offsets = [0, 256], sizes = [32, 16], strides = [1, 1]} : vector<32x512xf32> to vector<32x16xf32>
    %reduce_sum3A_160 = vector.shape_cast %slice3A_159 : vector<32x16xf32> to vector<1x32x16xf32>
    %reduce_sum3A_161 = arith.constant dense<0.000000e+00> : vector<1xf32>
    %reduce_sum3A_162 = vector.multi_reduction <add>, %reduce_sum3A_160, %reduce_sum3A_161 [1, 2] : vector<1x32x16xf32> to vector<1xf32>
    %reduce_sum3A_163 = vector.shape_cast %reduce_sum3A_162 : vector<1xf32> to vector<1x1x1xf32>
    %reduce_sum3A_164 = vector.extract %reduce_sum3A_163[0, 0, 0] : f32 from vector<1x1x1xf32>
    %get3A_165 = arith.constant 0 : index
    %get3A_166 = arith.constant 16 : index
    %get3A_167 = memref.load %arg1[%get3A_165, %get3A_166] : memref<1x27xf32, #tpu.memory_space<smem>>
    %add3A_168 = arith.addf %reduce_sum3A_164, %get3A_167 : f32
    %slice3A_169 = vector.extract_strided_slice %get3A_1 {offsets = [0, 272], sizes = [32, 16], strides = [1, 1]} : vector<32x512xf32> to vector<32x16xf32>
    %reduce_sum3A_170 = vector.shape_cast %slice3A_169 : vector<32x16xf32> to vector<1x32x16xf32>
    %reduce_sum3A_171 = arith.constant dense<0.000000e+00> : vector<1xf32>
    %reduce_sum3A_172 = vector.multi_reduction <add>, %reduce_sum3A_170, %reduce_sum3A_171 [1, 2] : vector<1x32x16xf32> to vector<1xf32>
    %reduce_sum3A_173 = vector.shape_cast %reduce_sum3A_172 : vector<1xf32> to vector<1x1x1xf32>
    %reduce_sum3A_174 = vector.extract %reduce_sum3A_173[0, 0, 0] : f32 from vector<1x1x1xf32>
    %get3A_175 = arith.constant 0 : index
    %get3A_176 = arith.constant 17 : index
    %get3A_177 = memref.load %arg1[%get3A_175, %get3A_176] : memref<1x27xf32, #tpu.memory_space<smem>>
    %add3A_178 = arith.addf %reduce_sum3A_174, %get3A_177 : f32
    %slice3A_179 = vector.extract_strided_slice %get3A_1 {offsets = [0, 288], sizes = [32, 16], strides = [1, 1]} : vector<32x512xf32> to vector<32x16xf32>
    %reduce_sum3A_180 = vector.shape_cast %slice3A_179 : vector<32x16xf32> to vector<1x32x16xf32>
    %reduce_sum3A_181 = arith.constant dense<0.000000e+00> : vector<1xf32>
    %reduce_sum3A_182 = vector.multi_reduction <add>, %reduce_sum3A_180, %reduce_sum3A_181 [1, 2] : vector<1x32x16xf32> to vector<1xf32>
    %reduce_sum3A_183 = vector.shape_cast %reduce_sum3A_182 : vector<1xf32> to vector<1x1x1xf32>
    %reduce_sum3A_184 = vector.extract %reduce_sum3A_183[0, 0, 0] : f32 from vector<1x1x1xf32>
    %get3A_185 = arith.constant 0 : index
    %get3A_186 = arith.constant 18 : index
    %get3A_187 = memref.load %arg1[%get3A_185, %get3A_186] : memref<1x27xf32, #tpu.memory_space<smem>>
    %add3A_188 = arith.addf %reduce_sum3A_184, %get3A_187 : f32
    %slice3A_189 = vector.extract_strided_slice %get3A_1 {offsets = [0, 304], sizes = [32, 16], strides = [1, 1]} : vector<32x512xf32> to vector<32x16xf32>
    %reduce_sum3A_190 = vector.shape_cast %slice3A_189 : vector<32x16xf32> to vector<1x32x16xf32>
    %reduce_sum3A_191 = arith.constant dense<0.000000e+00> : vector<1xf32>
    %reduce_sum3A_192 = vector.multi_reduction <add>, %reduce_sum3A_190, %reduce_sum3A_191 [1, 2] : vector<1x32x16xf32> to vector<1xf32>
    %reduce_sum3A_193 = vector.shape_cast %reduce_sum3A_192 : vector<1xf32> to vector<1x1x1xf32>
    %reduce_sum3A_194 = vector.extract %reduce_sum3A_193[0, 0, 0] : f32 from vector<1x1x1xf32>
    %get3A_195 = arith.constant 0 : index
    %get3A_196 = arith.constant 19 : index
    %get3A_197 = memref.load %arg1[%get3A_195, %get3A_196] : memref<1x27xf32, #tpu.memory_space<smem>>
    %add3A_198 = arith.addf %reduce_sum3A_194, %get3A_197 : f32
    %slice3A_199 = vector.extract_strided_slice %get3A_1 {offsets = [0, 320], sizes = [32, 16], strides = [1, 1]} : vector<32x512xf32> to vector<32x16xf32>
    %reduce_sum3A_200 = vector.shape_cast %slice3A_199 : vector<32x16xf32> to vector<1x32x16xf32>
    %reduce_sum3A_201 = arith.constant dense<0.000000e+00> : vector<1xf32>
    %reduce_sum3A_202 = vector.multi_reduction <add>, %reduce_sum3A_200, %reduce_sum3A_201 [1, 2] : vector<1x32x16xf32> to vector<1xf32>
    %reduce_sum3A_203 = vector.shape_cast %reduce_sum3A_202 : vector<1xf32> to vector<1x1x1xf32>
    %reduce_sum3A_204 = vector.extract %reduce_sum3A_203[0, 0, 0] : f32 from vector<1x1x1xf32>
    %get3A_205 = arith.constant 0 : index
    %get3A_206 = arith.constant 20 : index
    %get3A_207 = memref.load %arg1[%get3A_205, %get3A_206] : memref<1x27xf32, #tpu.memory_space<smem>>
    %add3A_208 = arith.addf %reduce_sum3A_204, %get3A_207 : f32
    %slice3A_209 = vector.extract_strided_slice %get3A_1 {offsets = [0, 336], sizes = [32, 16], strides = [1, 1]} : vector<32x512xf32> to vector<32x16xf32>
    %reduce_sum3A_210 = vector.shape_cast %slice3A_209 : vector<32x16xf32> to vector<1x32x16xf32>
    %reduce_sum3A_211 = arith.constant dense<0.000000e+00> : vector<1xf32>
    %reduce_sum3A_212 = vector.multi_reduction <add>, %reduce_sum3A_210, %reduce_sum3A_211 [1, 2] : vector<1x32x16xf32> to vector<1xf32>
    %reduce_sum3A_213 = vector.shape_cast %reduce_sum3A_212 : vector<1xf32> to vector<1x1x1xf32>
    %reduce_sum3A_214 = vector.extract %reduce_sum3A_213[0, 0, 0] : f32 from vector<1x1x1xf32>
    %get3A_215 = arith.constant 0 : index
    %get3A_216 = arith.constant 21 : index
    %get3A_217 = memref.load %arg1[%get3A_215, %get3A_216] : memref<1x27xf32, #tpu.memory_space<smem>>
    %add3A_218 = arith.addf %reduce_sum3A_214, %get3A_217 : f32
    %slice3A_219 = vector.extract_strided_slice %get3A_1 {offsets = [0, 352], sizes = [32, 16], strides = [1, 1]} : vector<32x512xf32> to vector<32x16xf32>
    %reduce_sum3A_220 = vector.shape_cast %slice3A_219 : vector<32x16xf32> to vector<1x32x16xf32>
    %reduce_sum3A_221 = arith.constant dense<0.000000e+00> : vector<1xf32>
    %reduce_sum3A_222 = vector.multi_reduction <add>, %reduce_sum3A_220, %reduce_sum3A_221 [1, 2] : vector<1x32x16xf32> to vector<1xf32>
    %reduce_sum3A_223 = vector.shape_cast %reduce_sum3A_222 : vector<1xf32> to vector<1x1x1xf32>
    %reduce_sum3A_224 = vector.extract %reduce_sum3A_223[0, 0, 0] : f32 from vector<1x1x1xf32>
    %get3A_225 = arith.constant 0 : index
    %get3A_226 = arith.constant 22 : index
    %get3A_227 = memref.load %arg1[%get3A_225, %get3A_226] : memref<1x27xf32, #tpu.memory_space<smem>>
    %add3A_228 = arith.addf %reduce_sum3A_224, %get3A_227 : f32
    %slice3A_229 = vector.extract_strided_slice %get3A_1 {offsets = [0, 368], sizes = [32, 16], strides = [1, 1]} : vector<32x512xf32> to vector<32x16xf32>
    %reduce_min3A = vector.shape_cast %slice3A_229 : vector<32x16xf32> to vector<1x32x16xf32>
    %reduce_min3A_230 = arith.constant dense<0x7F800000> : vector<1xf32>
    %reduce_min3A_231 = vector.multi_reduction <minimumf>, %reduce_min3A, %reduce_min3A_230 [1, 2] : vector<1x32x16xf32> to vector<1xf32>
    %reduce_min3A_232 = vector.shape_cast %reduce_min3A_231 : vector<1xf32> to vector<1x1x1xf32>
    %reduce_min3A_233 = vector.extract %reduce_min3A_232[0, 0, 0] : f32 from vector<1x1x1xf32>
    %get3A_234 = arith.constant 0 : index
    %get3A_235 = arith.constant 23 : index
    %get3A_236 = memref.load %arg1[%get3A_234, %get3A_235] : memref<1x27xf32, #tpu.memory_space<smem>>
    %min3A = arith.minimumf %reduce_min3A_233, %get3A_236 : f32
    %slice3A_237 = vector.extract_strided_slice %get3A_1 {offsets = [0, 384], sizes = [32, 16], strides = [1, 1]} : vector<32x512xf32> to vector<32x16xf32>
    %reduce_max3A = vector.shape_cast %slice3A_237 : vector<32x16xf32> to vector<1x32x16xf32>
    %reduce_max3A_238 = arith.constant dense<0xFF800000> : vector<1xf32>
    %reduce_max3A_239 = vector.multi_reduction <maximumf>, %reduce_max3A, %reduce_max3A_238 [1, 2] : vector<1x32x16xf32> to vector<1xf32>
    %reduce_max3A_240 = vector.shape_cast %reduce_max3A_239 : vector<1xf32> to vector<1x1x1xf32>
    %reduce_max3A_241 = vector.extract %reduce_max3A_240[0, 0, 0] : f32 from vector<1x1x1xf32>
    %get3A_242 = arith.constant 0 : index
    %get3A_243 = arith.constant 24 : index
    %get3A_244 = memref.load %arg1[%get3A_242, %get3A_243] : memref<1x27xf32, #tpu.memory_space<smem>>
    %max3A = arith.maximumf %reduce_max3A_241, %get3A_244 : f32
    %slice3A_245 = vector.extract_strided_slice %get3A_1 {offsets = [0, 400], sizes = [32, 16], strides = [1, 1]} : vector<32x512xf32> to vector<32x16xf32>
    %reduce_min3A_246 = vector.shape_cast %slice3A_245 : vector<32x16xf32> to vector<1x32x16xf32>
    %reduce_min3A_247 = arith.constant dense<0x7F800000> : vector<1xf32>
    %reduce_min3A_248 = vector.multi_reduction <minimumf>, %reduce_min3A_246, %reduce_min3A_247 [1, 2] : vector<1x32x16xf32> to vector<1xf32>
    %reduce_min3A_249 = vector.shape_cast %reduce_min3A_248 : vector<1xf32> to vector<1x1x1xf32>
    %reduce_min3A_250 = vector.extract %reduce_min3A_249[0, 0, 0] : f32 from vector<1x1x1xf32>
    %get3A_251 = arith.constant 0 : index
    %get3A_252 = arith.constant 25 : index
    %get3A_253 = memref.load %arg1[%get3A_251, %get3A_252] : memref<1x27xf32, #tpu.memory_space<smem>>
    %min3A_254 = arith.minimumf %reduce_min3A_250, %get3A_253 : f32
    %slice3A_255 = vector.extract_strided_slice %get3A_1 {offsets = [0, 416], sizes = [32, 16], strides = [1, 1]} : vector<32x512xf32> to vector<32x16xf32>
    %reduce_max3A_256 = vector.shape_cast %slice3A_255 : vector<32x16xf32> to vector<1x32x16xf32>
    %reduce_max3A_257 = arith.constant dense<0xFF800000> : vector<1xf32>
    %reduce_max3A_258 = vector.multi_reduction <maximumf>, %reduce_max3A_256, %reduce_max3A_257 [1, 2] : vector<1x32x16xf32> to vector<1xf32>
    %reduce_max3A_259 = vector.shape_cast %reduce_max3A_258 : vector<1xf32> to vector<1x1x1xf32>
    %reduce_max3A_260 = vector.extract %reduce_max3A_259[0, 0, 0] : f32 from vector<1x1x1xf32>
    %get3A_261 = arith.constant 0 : index
    %get3A_262 = arith.constant 26 : index
    %get3A_263 = memref.load %arg1[%get3A_261, %get3A_262] : memref<1x27xf32, #tpu.memory_space<smem>>
    %max3A_264 = arith.maximumf %reduce_max3A_260, %get3A_263 : f32
    %sub3A = arith.constant 0x4B800000 : f32
    %sub3A_265 = arith.subf %sub3A, %add3A : f32
    %sub3A_266 = arith.subf %add3A, %add3A_18 : f32
    %sub3A_267 = arith.subf %add3A_18, %add3A_28 : f32
    %sub3A_268 = arith.subf %add3A_28, %add3A_38 : f32
    %sub3A_269 = arith.subf %add3A_38, %add3A_48 : f32
    %sub3A_270 = arith.subf %add3A_48, %add3A_58 : f32
    %sub3A_271 = arith.subf %add3A_58, %add3A_68 : f32
    %sub3A_272 = arith.subf %add3A_68, %add3A_78 : f32
    %sub3A_273 = arith.subf %add3A_78, %add3A_88 : f32
    %sub3A_274 = arith.subf %add3A_188, %add3A_98 : f32
    %sub3A_275 = arith.subf %add3A_98, %add3A_108 : f32
    %sub3A_276 = arith.subf %add3A_108, %add3A_118 : f32
    %sub3A_277 = arith.subf %add3A_118, %add3A_128 : f32
    %sub3A_278 = arith.subf %add3A_128, %add3A_138 : f32
    %sub3A_279 = arith.subf %add3A_138, %add3A_148 : f32
    %sub3A_280 = arith.subf %add3A_148, %add3A_158 : f32
    %sub3A_281 = arith.subf %add3A_158, %add3A_168 : f32
    %sub3A_282 = arith.subf %add3A_168, %add3A_178 : f32
    %gt3A = arith.constant 0.000000e+00 : f32
    %gt3A_283 = arith.cmpf ogt, %sub3A_265, %gt3A : f32
    %add3A_284 = arith.constant 9.99999997E-7 : f32
    %add3A_285 = arith.addf %sub3A_265, %add3A_284 : f32
    %div3A = arith.constant 1.000000e+00 : f32
    %div3A_286 = arith.divf %div3A, %add3A_285 : f32
    %jit3A = arith.constant 0.000000e+00 : f32
    %select_n3A = arith.select %gt3A_283, %div3A_286, %jit3A : f32
    %gt3A_287 = arith.constant 0.000000e+00 : f32
    %gt3A_288 = arith.cmpf ogt, %sub3A_266, %gt3A_287 : f32
    %add3A_289 = arith.constant 9.99999997E-7 : f32
    %add3A_290 = arith.addf %sub3A_266, %add3A_289 : f32
    %div3A_291 = arith.constant 1.000000e+00 : f32
    %div3A_292 = arith.divf %div3A_291, %add3A_290 : f32
    %jit3A_293 = arith.constant 0.000000e+00 : f32
    %select_n3A_294 = arith.select %gt3A_288, %div3A_292, %jit3A_293 : f32
    %gt3A_295 = arith.constant 0.000000e+00 : f32
    %gt3A_296 = arith.cmpf ogt, %sub3A_267, %gt3A_295 : f32
    %add3A_297 = arith.constant 9.99999997E-7 : f32
    %add3A_298 = arith.addf %sub3A_267, %add3A_297 : f32
    %div3A_299 = arith.constant 1.000000e+00 : f32
    %div3A_300 = arith.divf %div3A_299, %add3A_298 : f32
    %jit3A_301 = arith.constant 0.000000e+00 : f32
    %select_n3A_302 = arith.select %gt3A_296, %div3A_300, %jit3A_301 : f32
    %gt3A_303 = arith.constant 0.000000e+00 : f32
    %gt3A_304 = arith.cmpf ogt, %sub3A_268, %gt3A_303 : f32
    %add3A_305 = arith.constant 9.99999997E-7 : f32
    %add3A_306 = arith.addf %sub3A_268, %add3A_305 : f32
    %div3A_307 = arith.constant 1.000000e+00 : f32
    %div3A_308 = arith.divf %div3A_307, %add3A_306 : f32
    %jit3A_309 = arith.constant 0.000000e+00 : f32
    %select_n3A_310 = arith.select %gt3A_304, %div3A_308, %jit3A_309 : f32
    %gt3A_311 = arith.constant 0.000000e+00 : f32
    %gt3A_312 = arith.cmpf ogt, %sub3A_269, %gt3A_311 : f32
    %add3A_313 = arith.constant 9.99999997E-7 : f32
    %add3A_314 = arith.addf %sub3A_269, %add3A_313 : f32
    %div3A_315 = arith.constant 1.000000e+00 : f32
    %div3A_316 = arith.divf %div3A_315, %add3A_314 : f32
    %jit3A_317 = arith.constant 0.000000e+00 : f32
    %select_n3A_318 = arith.select %gt3A_312, %div3A_316, %jit3A_317 : f32
    %gt3A_319 = arith.constant 0.000000e+00 : f32
    %gt3A_320 = arith.cmpf ogt, %sub3A_270, %gt3A_319 : f32
    %add3A_321 = arith.constant 9.99999997E-7 : f32
    %add3A_322 = arith.addf %sub3A_270, %add3A_321 : f32
    %div3A_323 = arith.constant 1.000000e+00 : f32
    %div3A_324 = arith.divf %div3A_323, %add3A_322 : f32
    %jit3A_325 = arith.constant 0.000000e+00 : f32
    %select_n3A_326 = arith.select %gt3A_320, %div3A_324, %jit3A_325 : f32
    %gt3A_327 = arith.constant 0.000000e+00 : f32
    %gt3A_328 = arith.cmpf ogt, %sub3A_271, %gt3A_327 : f32
    %add3A_329 = arith.constant 9.99999997E-7 : f32
    %add3A_330 = arith.addf %sub3A_271, %add3A_329 : f32
    %div3A_331 = arith.constant 1.000000e+00 : f32
    %div3A_332 = arith.divf %div3A_331, %add3A_330 : f32
    %jit3A_333 = arith.constant 0.000000e+00 : f32
    %select_n3A_334 = arith.select %gt3A_328, %div3A_332, %jit3A_333 : f32
    %gt3A_335 = arith.constant 0.000000e+00 : f32
    %gt3A_336 = arith.cmpf ogt, %sub3A_272, %gt3A_335 : f32
    %add3A_337 = arith.constant 9.99999997E-7 : f32
    %add3A_338 = arith.addf %sub3A_272, %add3A_337 : f32
    %div3A_339 = arith.constant 1.000000e+00 : f32
    %div3A_340 = arith.divf %div3A_339, %add3A_338 : f32
    %jit3A_341 = arith.constant 0.000000e+00 : f32
    %select_n3A_342 = arith.select %gt3A_336, %div3A_340, %jit3A_341 : f32
    %gt3A_343 = arith.constant 0.000000e+00 : f32
    %gt3A_344 = arith.cmpf ogt, %sub3A_273, %gt3A_343 : f32
    %add3A_345 = arith.constant 9.99999997E-7 : f32
    %add3A_346 = arith.addf %sub3A_273, %add3A_345 : f32
    %div3A_347 = arith.constant 1.000000e+00 : f32
    %div3A_348 = arith.divf %div3A_347, %add3A_346 : f32
    %jit3A_349 = arith.constant 0.000000e+00 : f32
    %select_n3A_350 = arith.select %gt3A_344, %div3A_348, %jit3A_349 : f32
    %gt3A_351 = arith.constant 0.000000e+00 : f32
    %gt3A_352 = arith.cmpf ogt, %add3A_88, %gt3A_351 : f32
    %add3A_353 = arith.constant 9.99999997E-7 : f32
    %add3A_354 = arith.addf %add3A_88, %add3A_353 : f32
    %div3A_355 = arith.constant 1.000000e+00 : f32
    %div3A_356 = arith.divf %div3A_355, %add3A_354 : f32
    %jit3A_357 = arith.constant 0.000000e+00 : f32
    %select_n3A_358 = arith.select %gt3A_352, %div3A_356, %jit3A_357 : f32
    %add3A_359 = arith.addf %select_n3A, %select_n3A_294 : f32
    %add3A_360 = arith.addf %add3A_359, %select_n3A_302 : f32
    %add3A_361 = arith.addf %add3A_360, %select_n3A_310 : f32
    %add3A_362 = arith.addf %add3A_361, %select_n3A_318 : f32
    %add3A_363 = arith.addf %add3A_362, %select_n3A_326 : f32
    %add3A_364 = arith.addf %add3A_363, %select_n3A_334 : f32
    %add3A_365 = arith.addf %add3A_364, %select_n3A_342 : f32
    %add3A_366 = arith.addf %add3A_365, %select_n3A_350 : f32
    %add3A_367 = arith.addf %add3A_366, %select_n3A_358 : f32
    %div3A_368 = arith.constant 1.000000e+01 : f32
    %div3A_369 = arith.divf %add3A_367, %div3A_368 : f32
    %mul3A = arith.mulf %select_n3A, %sub3A_274 : f32
    %mul3A_370 = arith.mulf %select_n3A_294, %sub3A_275 : f32
    %mul3A_371 = arith.mulf %select_n3A_302, %sub3A_276 : f32
    %mul3A_372 = arith.mulf %select_n3A_310, %sub3A_277 : f32
    %mul3A_373 = arith.mulf %select_n3A_318, %sub3A_278 : f32
    %mul3A_374 = arith.mulf %select_n3A_326, %sub3A_279 : f32
    %mul3A_375 = arith.mulf %select_n3A_334, %sub3A_280 : f32
    %mul3A_376 = arith.mulf %select_n3A_342, %sub3A_281 : f32
    %mul3A_377 = arith.mulf %select_n3A_350, %sub3A_282 : f32
    %mul3A_378 = arith.mulf %select_n3A_358, %add3A_178 : f32
    %add3A_379 = arith.addf %mul3A, %mul3A_370 : f32
    %add3A_380 = arith.addf %add3A_379, %mul3A_371 : f32
    %add3A_381 = arith.addf %add3A_380, %mul3A_372 : f32
    %add3A_382 = arith.addf %add3A_381, %mul3A_373 : f32
    %add3A_383 = arith.addf %add3A_382, %mul3A_374 : f32
    %add3A_384 = arith.addf %add3A_383, %mul3A_375 : f32
    %add3A_385 = arith.addf %add3A_384, %mul3A_376 : f32
    %add3A_386 = arith.addf %add3A_385, %mul3A_377 : f32
    %add3A_387 = arith.addf %add3A_386, %mul3A_378 : f32
    %div3A_388 = arith.divf %add3A_387, %div3A_369 : f32
    %div3A_389 = arith.constant 0x4B800000 : f32
    %div3A_390 = arith.divf %div3A_388, %div3A_389 : f32
    %div3A_391 = arith.constant 0x4B800000 : f32
    %div3A_392 = arith.divf %add3A_208, %div3A_391 : f32
    %div3A_393 = arith.constant 0x4B800000 : f32
    %div3A_394 = arith.divf %add3A_198, %div3A_393 : f32
    %integer_pow3A = arith.mulf %div3A_394, %div3A_394 : f32
    %sub3A_395 = arith.subf %div3A_392, %integer_pow3A : f32
    %div3A_396 = arith.constant 0x4B800000 : f32
    %div3A_397 = arith.divf %add3A_228, %div3A_396 : f32
    %div3A_398 = arith.constant 0x4B800000 : f32
    %div3A_399 = arith.divf %add3A_218, %div3A_398 : f32
    %integer_pow3A_400 = arith.mulf %div3A_399, %div3A_399 : f32
    %sub3A_401 = arith.subf %div3A_397, %integer_pow3A_400 : f32
    %sub3A_402 = arith.subf %sub3A_395, %sub3A_401 : f32
    %abs3A = math.absf %sub3A_402 : f32
    %sub3A_403 = arith.subf %max3A_264, %min3A_254 : f32
    %mul3A_404 = arith.constant 5.000000e-01 : f32
    %mul3A_405 = arith.mulf %sub3A_403, %mul3A_404 : f32
    %sub3A_406 = arith.subf %max3A, %min3A : f32
    %sub3A_407 = arith.subf %mul3A_405, %sub3A_406 : f32
    %max3A_408 = arith.constant 0.000000e+00 : f32
    %max3A_409 = arith.maximumf %max3A_408, %sub3A_407 : f32
    %mul3A_410 = arith.constant 1.000000e-01 : f32
    %mul3A_411 = arith.mulf %mul3A_410, %abs3A : f32
    %add3A_412 = arith.addf %div3A_390, %mul3A_411 : f32
    %mul3A_413 = arith.constant 5.000000e-02 : f32
    %mul3A_414 = arith.mulf %mul3A_413, %max3A_409 : f32
    %add3A_415 = arith.addf %add3A_412, %mul3A_414 : f32
    %swap3A = arith.constant 0 : index
    %swap3A_416 = arith.constant 0 : index
    %swap3A_417 = memref.load %arg2[%swap3A, %swap3A_416] : memref<1x1xf32, #tpu.memory_space<smem>>
    memref.store %add3A_415, %arg2[%swap3A, %swap3A_416] : memref<1x1xf32, #tpu.memory_space<smem>>
    return
  }
}

</mosaic_0001>

<sc_bundles>
// kernel: kernel.5.cloned.1.call-start
scs
__scs_entry_jumppad:
0x0: {  	(pc) =	sbr.rel $0x88, $3  }
0x1: {  	(tag) =	ssettag $0x0;
	lr =	simm.s32 $0x1  }
0x2: {  	[smem:$0x3F9F] =	sst lr;
	_ =	strace $0xD0000000  }
0x3: {  	_ = 	snop  }
0x4: {  	_ = 	snop  }
0x5: {  	_ = 	snop  }
0x6: {  	_ = 	snop  }
0x7: {  	_ = 	snop  }
__scs_overlays_trampoline_lowered:
0x8: {  	[smem:$0x3FAE] =	sst s0  }
0x9: {  	[smem:$0x3FAF] =	sst s1  }
0xa: {  	[smem:$0x3FB0] =	sst s2  }
0xb: {  	[smem:$0x3FB1] =	sst s3  }
0xc: {  	[smem:$0x3FB2] =	sst s4  }
0xd: {  	[smem:$0x3FB3] =	sst s5  }
0xe: {  	[smem:$0x3FB4] =	sst s6  }
0xf: {  	[smem:$0x3FB5] =	sst s7  }
0x10: {  	[smem:$0x3FB6] =	sst s8  }
0x11: {  	[smem:$0x3FB7] =	sst s9;
	s0 =	simm.s32 @!p0 $0x0  }
0x12: {  	s1 =	sld [smem:$0x3F9D];
	s0 =	simm.s32 @p0 $0x1  }
0x13: {  	[smem:$0x3FB8] =	sst s0;
	s0 =	simm.s32 @!p1 $0x0  }
0x14: {  	s2 =	sld [smem:$0x3F9C];
	s0 =	simm.s32 @p1 $0x1  }
0x15: {  	[smem:$0x3FB9] =	sst s0;
	s0 =	simm.s32 @!p2 $0x0  }
0x16: {  	s3 =	sld [smem:$0x3FDB];
	s0 =	simm.s32 @p2 $0x1  }
0x17: {  	s4 =	simm.s32 $0x1BF5;
	[smem:$0x3FBB] =	sst s0  }
0x18: {  	s0 =	sld [smem:$0x3F9E];
	_ =	swait.ge [sflag:s4], $0x0  }
0x19: {  	s7 =	sld [smem:$0x3F9F]  }
0x1a: {  	s8 =	sadd.s32 $0xFFFFE003, lr  }
0x1b: {  	s9 =	sadd.s32 $0xFFFFFEF7, lr;
	s5 =	simm.s32 $0xFFFFFFFF;
	p2 =	slt.u32 s8, $0xFFFFF086  }
0x1c: {  	p1 =	slt.u32 s9, $0xF7A;
	s5 =	simm.s32 @!p2 $0x0  }
0x1d: {  	s5 =	simm.s32 @p1 $0x1;
	p0 =	seq.s32 s7, s2  }
0x1e: {  	s7 =	smul.u32 @!p0 $0xF7A, s2;
	p2 =	seq.s32 @!p0 s5, $0x0  }
0x1f: {  	s9 =	smul.u32 $0xF7A, s1;
	s8 =	simm.s32 @!p0 $0x1BF5;
	p2 =	por !p2, p0  }
0x20: {  	[sflag:s8] =	ssyncset.s32 @!p0 $0xFFFFF086;
	s6 =	sadd.s32 @!p0 s3, s7;
	s7 =	simm.s32 @!p0 $0x108  }
0x21: {  	s3 =	sadd.s32 s3, s9;
	s6 =	sadd.s32 @!p0 $0x88, s6;
	s7 =	simm.s32 @p2 $0x1082  }
0x22: {  	[simem:s7], [sflag:s8] =	dma.local @!p0 [hbm:s6], $0xF7A  }
0x23: {  	s9 =	sor.u32 $0xD0000000, s2;
	s6 =	simm.s32 $0x108;
	_ =	swait.ge @!p0 [sflag:s8], $0x0  }
0x24: {  	s3 =	sadd.s32 $0x88, s3;
	s6 =	simm.s32 @!p1 $0x1082;
	[sflag:s4] =	ssyncset.s32 $0xFFFFF086  }
0x25: {  	[simem:s6], [sflag:s4] =	dma.local [hbm:s3], $0xF7A  }
0x26: {  	[smem:$0x3F9F] =	sst s1;
	(tag) =	ssettag s2;
	_ =	strace s9  }
0x27: {  	s1 =	sld [smem:$0x3FAF]  }
0x28: {  	s2 =	sld [smem:$0x3FB0]  }
0x29: {  	s4 =	sld [smem:$0x3FB2]  }
0x2a: {  	p0 =	seq.s32 s5, $0x0;
	s5 =	sld [smem:$0x3FB3]  }
0x2b: {  	s6 =	sld [smem:$0x3FB4]  }
0x2c: {  	s7 =	sld [smem:$0x3FB5]  }
0x2d: {  	s3 =	simm.s32 $0x108;
	s8 =	sld [smem:$0x3FB6]  }
0x2e: {  	s3 =	simm.s32 @!p0 $0x1082;
	s9 =	sld [smem:$0x3FB7]  }
0x2f: {  	lr =	sadd.s32 s0, s3;
	s0 =	sld [smem:$0x3FAE]  }
0x30: {  	s3 =	sld [smem:$0x3FB1]  }
0x31: {  	[smem:$0x3FBA] =	sst s10  }
0x32: {  	s10 =	sld [smem:$0x3FB8];
	_ =	sdelay $0x3  }
0x33: {  	p0 =	seq.s32 s10, $0x1;
	s10 =	sld [smem:$0x3FBA];
	_ =	sdelay $0x3  }
0x34: {  	[smem:$0x3FBA] =	sst s10  }
0x35: {  	s10 =	sld [smem:$0x3FB9];
	_ =	sdelay $0x3  }
0x36: {  	p1 =	seq.s32 s10, $0x1;
	s10 =	sld [smem:$0x3FBA];
	_ =	sdelay $0x3  }
0x37: {  	[smem:$0x3FBA] =	sst s10  }
0x38: {  	s10 =	sld [smem:$0x3FBB]  }
0x39: {  	_ = 	snop;
	(pc) =	sbr.ind lr, $3  }
0x3a: {  	_ = 	snop  }
0x3b: {  	_ = 	snop  }
0x3c: {  	p2 =	seq.s32 s10, $0x1;
	s10 =	sld [smem:$0x3FBA]  }
0x3d: {  	_ =	shalt  }
0x3e: {  	_ =	shalt  }
0x3f: {  	_ =	shalt  }
0x40: {  	_ =	shalt  }
0x41: {  	_ =	shalt  }
0x42: {  	_ =	shalt  }
0x43: {  	_ =	shalt  }
0x44: {  	_ =	shalt  }
0x45: {  	_ =	shalt  }
0x46: {  	_ =	shalt  }
0x47: {  	_ =	shalt  }
0x48: {  	_ =	shalt  }
0x49: {  	_ =	shalt  }
0x4a: {  	_ =	shalt  }
0x4b: {  	_ =	shalt  }
0x4c: {  	_ =	shalt  }
0x4d: {  	_ =	shalt  }
0x4e: {  	_ =	shalt  }
0x4f: {  	_ =	shalt  }
0x50: {  	_ =	shalt  }
0x51: {  	_ =	shalt  }
0x52: {  	_ =	shalt  }
0x53: {  	_ =	shalt  }
0x54: {  	_ =	shalt  }
0x55: {  	_ =	shalt  }
0x56: {  	_ =	shalt  }
0x57: {  	_ =	shalt  }
0x58: {  	_ =	shalt  }
0x59: {  	_ =	shalt  }
0x5a: {  	_ =	shalt  }
0x5b: {  	_ =	shalt  }
0x5c: {  	_ =	shalt  }
0x5d: {  	_ =	shalt  }
0x5e: {  	_ =	shalt  }
0x5f: {  	_ =	shalt  }
0x60: {  	_ =	shalt  }
0x61: {  	_ =	shalt  }
0x62: {  	_ =	shalt  }
0x63: {  	_ =	shalt  }
0x64: {  	_ =	shalt  }
0x65: {  	_ =	shalt  }
0x66: {  	_ =	shalt  }
0x67: {  	_ =	shalt  }
0x68: {  	_ =	shalt  }
0x69: {  	_ =	shalt  }
0x6a: {  	_ =	shalt  }
0x6b: {  	_ =	shalt  }
0x6c: {  	_ =	shalt  }
0x6d: {  	_ =	shalt  }
0x6e: {  	_ =	shalt  }
0x6f: {  	_ =	shalt  }
0x70: {  	_ =	shalt  }
0x71: {  	_ =	shalt  }
0x72: {  	_ =	shalt  }
0x73: {  	_ =	shalt  }
0x74: {  	_ =	shalt  }
0x75: {  	_ =	shalt  }
0x76: {  	_ =	shalt  }
0x77: {  	_ =	shalt  }
0x78: {  	_ =	shalt  }
0x79: {  	_ =	shalt  }
0x7a: {  	_ =	shalt  }
0x7b: {  	_ =	shalt  }
0x7c: {  	_ =	shalt  }
0x7d: {  	_ =	shalt  }
0x7e: {  	_ =	shalt  }
0x7f: {  	_ =	shalt  }
0x80: {  	_ =	shalt  }
0x81: {  	_ =	shalt  }
0x82: {  	_ =	shalt  }
0x83: {  	_ =	shalt  }
0x84: {  	_ =	shalt  }
0x85: {  	_ =	shalt  }
0x86: {  	_ =	shalt  }
0x87: {  	_ =	shalt  }
.Lfunc_end0:
.L_simem_size_0:
called_computation_lowered:
.L_overlay_start_0:
0x88: {  	s2 =	sld [smem:$0x3FD9]  }
0x89: {  	s3 =	sld [smem:$0x3FFE];
	_ =	sdelay $0x1  }
0x8a: {  	s1 =	srdreg.scid  }
0x8b: {  	s0 =	sand.u32 $0x1, s1  }
0x8c: {  	s17 =	sshll.u32 s0, $0xA;
	s2 =	sadd.s32 s3, s2  }
0x8d: {  	s2 =	sadd.s32 s2, s17  }
0x8e: {  	[smem:$0x3FC6] =	sst s2  }
0x8f: {  	_ = 	snop  }
0x90: {  	s2 =	sld [smem:$0x3FC9]  }
0x91: {  	s18 =	sld [smem:$0x3FC8];
	(tm) =	ssettm $0x1  }
0x92: {  	s4 =	sld [smem:$0x3FFB];
	_ =	sdelay $0x3  }
0x93: {  	_ =	strace s4  }
0x94: {  	s4 =	sld [smem:$0x3FFC];
	_ =	sdelay $0x3  }
0x95: {  	_ =	strace s4  }
0x96: {  	s4 =	sld [smem:$0x3FFD];
	_ =	sdelay $0x3  }
0x97: {  	_ =	strace s4  }
0x98: {  	_ =	strace $0x8FFFFFFF  }
0x99: {  	s19 =	sld [smem:$0x3FDB];
	_ =	sdelay $0x1  }
0x9a: {  	s5 =	simm.s32 $_scs_section_size  }
0x9b: {  	s6 =	simm.s32 $_size__tile_overlayer_lowered;
	s7 =	simm.s32 $_tile_overlayer_lowered  }
0x9c: {  	s22 =	simm.s32 $0x1BFF;
	s21 =	sshll.u32 s7, $0x1;
	s4 =	sadd.s32 s5, s19  }
0x9d: {  	s8 =	simm.s32 $0x0;
	s20 =	sshll.u32 s6, $0x1;
	s6 =	sadd.s32 s21, s4  }
0x9e: {  	[timem:s8], [sflag:s22] =	dma.local [hbm:s6], s20  }
0x9f: {  	_ =	swait.ge [sflag:s22], s20  }
0xa0: {  	s5 =	ssub.s32 $0x0, s20;
	[sflag:s22] =	ssyncset.done $0x0  }
0xa1: {  	[sflag:s22] =	ssyncadd.s32 s5;
	_ =	sdelay $0x1  }
0xa2: {  	s23 =	simm.s32 $0x1B8B  }
0xa3: {  	_ =	swait.ge [sflag:s23], $0x1  }
0xa4: {  	[sflag:s23] =	ssyncset.done $0x0  }
0xa5: {  	s25 =	simm.s32 $0x1B8E;
	s24 =	sld [smem:$0x3FFE];
	[sflag:s23] =	ssyncadd.s32 $0xFFFFFFFF  }
0xa6: {  	s26 =	simm.s32 $execute0_lowered;
	[smem:$0x3FD2] =	sst s25  }
0xa7: {  	s6 =	sshll.u32 s26, $0x1;
	_ =	strace $0x80000046;
	[dreg:$0x1] =	wrdreg $0xFFFFFFFF  }
0xa8: {  	s28 =	simm.s32 $_size_execute0_lowered;
	s4 =	sadd.s32 s4, s6;
	[dreg:$0x0] =	wrdreg $0x0  }
0xa9: {  	s6 =	sshll.u32 s28, $0x1;
	[dreg:$0x2] =	wrdreg s4  }
0xaa: {  	[dreg:$0x3] =	wrdreg s6  }
0xab: {  	[dreg:$0x4] =	wrdreg $0xC0  }
0xac: {  	_ =	task [dreg:s8], $0x5FFFF  }
0xad: {  	[dreg:$0x1] =	wrdreg $0xFFFFFFFF  }
0xae: {  	[dreg:$0x0] =	wrdreg $0x60  }
0xaf: {  	[dreg:$0x2] =	wrdreg s2  }
0xb0: {  	[dreg:$0x3] =	wrdreg s18  }
0xb1: {  	[dreg:$0x4] =	wrdreg s24  }
0xb2: {  	[dreg:$0x5] =	wrdreg $0x9  }
0xb3: {  	_ =	task.clear_ibuf [dreg:s8], $0x6FFFF;
	_ =	strace $0x90000046  }
0xb4: {  	s29 =	simm.s32 $0x9;
	_ =	strace $0x80000048  }
0xb5: {  	_ =	swait.ge [sflag:s29], $0x1  }
0xb6: {  	[sflag:s29] =	ssyncadd.s32 $0xFFFFFFFF  }
0xb7: {  	_ =	strace $0x90000048  }
0xb8: {  	_ =	sfence  }
0xb9: {  	s30 =	sld [smem:$0x0];
	_ =	sdelay $0x2  }
0xba: {  	s31 =	sshll.u32 s1, $0xD;
	s1 =	sshrl.u32 s1, $0x2  }
0xbb: {  	s3 =	sand.u32 $0x4000, s31;
	s1 =	sadd.s32 s1, s30  }
0xbc: {  	s0 =	sor.u32 s3, s0;
	s1 =	sshll.u32 s1, $0x11  }
0xbd: {  	s0 =	sor.u32 s1, s0  }
0xbe: {  	s0 =	sadd.s32 $0x8F2B, s0  }
0xbf: {  	[sflag:s0] =	ssyncadd.remote.s32 $0x1  }
0xc0: {  	_ =	sfence.sel $0xFFFF  }
0xc1: {  	[dreg:$0x0] =	wrdreg $0xFFFFFFFF;
	(pc) =	sbr.abs _section_cstart, $3  }
0xc2: {  	[dreg:$0x1] =	wrdreg $0xFFFFFFFF  }
0xc3: {  	_ =	task.clear_ibuf [dreg:s8], $0x2FFFF;
	_ =	strace $0x9FFFFFFF  }
0xc4: {  	(tm) =	ssettm $0x7FFFFFFF  }
0xc5: {  	_ =	shalt  }
tec
execute0_lowered:
.L_overlay_start_1:
0x0: {  	(tag) =	ssettag $0x1  }
0x1: {  	s1 =	rddreg [dreg:$0x0]  }
0x2: {  	s2 =	rddreg [dreg:$0x1]  }
0x3: {  	s5 =	rddreg [dreg:$0x2]  }
0x4: {  	s0 =	rddreg [dreg:$0x3];
	s4 =	simm.s32 $0x0;
	s3 =	stileid.u32  }
0x5: {  	s6 =	srdreg.scid;
	s12 =	simm.s32 $0x4000;
	s13 =	simm.s32 $0xC000  }
0x6: {  	s14 =	simm.s32 $0x1;
	s15 =	simm.s32 $0x2;
	s16 =	simm.s32 $0x80  }
0x7: {  	s17 =	simm.s32 $0x400;
	s18 =	simm.s32 $0x10000;
	s19 =	simm.s32 $0x3  }
0x8: {  	s20 =	simm.s32 $0x0;
	[smem:$0x7FF] =	sst s4;
	s7 =	sshll.u32 s3, $0x7  }
0x9: {  	s6 =	sand.u32 $0x1, s6;
	s8 =	sshll.u32 s3, $0x1;
	_ =	strace $0x80000047  }
0xa: {  	s7 =	sand.u32 $0x600, s7;
	s9 =	ssub.s32 $0x2, s6;
	s6 =	sor.u32 s6, s8  }
0xb: {  	s10 =	sadd.s32 s7, s5;
	s29 =	sshrl.u32 s9, $0x1;
	s30 =	sshll.u32 s6, $0xE  }
0xc: {  	s8 =	sshll.u32 s6, $0x4;
	s5 =	sshll.u32 s6, $0x11;
	s11 =	ssub.s32 s9, s29  }
0xd: {  	s7 =	sor.u32 $0x180000, s30;
	s31 =	sand.u32 $0x70, s8;
	s8 =	sor.u32 $0xC08000, s5  }
0xe: {  	s6 =	sadd.s32 s1, s7;
	s7 =	sadd.s32 s2, s7;
	s9 =	sadd.s32 s31, s10  }
0xf: {  	v0 =	vimm.f32 $0.0e+00;
	s10 =	smax.u32 s11, $0x1;
	s11 =	simm.s32 $0x8000;
	s9 =	sadd.s32 $0x600, s9  }
.LBB2_1:
0x10: {  	v2 =	vimm.f32 $+Inf;
	v1 =	vimm.f32 $-Inf;
	v3 =	vimm.f32 $-Inf  }
0x11: {  	v4 =	vimm.f32 $+Inf;
	v8 =	vimm.f32 $0.0e+00;
	v34 =	vimm.f32 $0.0e+00  }
0x12: {  	v10 =	vimm.f32 $0.0e+00;
	v35 =	vimm.f32 $0.0e+00;
	v11 =	vimm.f32 $0.0e+00  }
0x13: {  	v12 =	vimm.f32 $0.0e+00;
	v13 =	vimm.f32 $0.0e+00;
	v15 =	vimm.f32 $0.0e+00  }
0x14: {  	v16 =	vimm.f32 $0.0e+00;
	v14 =	vimm.f32 $0.0e+00;
	v17 =	vimm.f32 $0.0e+00  }
0x15: {  	v18 =	vimm.f32 $0.0e+00;
	v19 =	vimm.f32 $0.0e+00;
	v20 =	vimm.f32 $0.0e+00  }
0x16: {  	[tilespmem:s4], [sflag:$0x1] =	stream.linear.gather [hbm4b:s6+s4], $0x4000, $0x38;
	v21 =	vimm.f32 $0.0e+00;
	v23 =	vimm.f32 $0.0e+00;
	v24 =	vimm.f32 $0.0e+00;
	[tilespmem:$0x10200] =	vst v63  }
0x17: {  	v22 =	vimm.f32 $0.0e+00;
	v25 =	vimm.f32 $0.0e+00;
	v26 =	vimm.f32 $0.0e+00;
	s21 =	simm.s32 $0x0  }
0x18: {  	v27 =	vimm.f32 $0.0e+00;
	v28 =	vimm.f32 $0.0e+00;
	v29 =	vimm.f32 $0.0e+00;
	[tilespmem:s11], [sflag:$0x1] =	stream.linear.gather [hbm4b:s7+s4], $0x4000, $0x38;
	[tilespmem:$0x10200] =	vst v63  }
.LBB2_2:
0x19: {  	s22 =	sshll.u32 s21, $0xF  }
0x1a: {  	s23 =	sor.u32 s22, s5  }
0x1b: {  	s23 =	sshrl.u32 s23, $0x3  }
0x1c: {  	s23 =	sor.u32 $0x180800, s23  }
0x1d: {  	s24 =	sadd.s32 s1, s23  }
0x1e: {  	[tilespmem:s12], [sflag:$0x2] =	stream.linear.gather [hbm4b:s24+s4], $0x4000, $0x38;
	[tilespmem:$0x10200] =	vst v63  }
0x1f: {  	s23 =	sadd.s32 s2, s23  }
0x20: {  	[tilespmem:s13], [sflag:$0x2] =	stream.linear.gather [hbm4b:s23+s4], $0x4000, $0x38;
	[tilespmem:$0x10200] =	vst v63  }
0x21: {  	_ =	swait.ge [sflag:s14], $0x4000  }
0x22: {  	[sflag:s14] =	ssyncset.done $0x0  }
0x23: {  	[sflag:s14] =	ssyncadd.s32 $0xFFFFC000  }
0x24: {  	_ =	swait.ge [sflag:s14], $0x4000  }
0x25: {  	[sflag:s14] =	ssyncset.done $0x0  }
0x26: {  	s31 =	simm.s32 $0x8010;
	[sflag:s14] =	ssyncadd.s32 $0xFFFFC000  }
0x27: {  	v5 =	vld [tilespmem:s31+$0x0]  }
0x28: {  	s23 =	simm.s32 $0x10;
	v6 =	vld [tilespmem:s31+$0xFFFFFFF0]  }
0x29: {  	v9 =	vld [tilespmem:s23+$0xFFFFFFF0]  }
0x2a: {  	v7 =	vld [tilespmem:s23+$0x0];
	_ =	sdelay $0x4  }
0x2b: {  	v30 =	vsub.f32 v9, v6;
	v31 =	vsub.f32 v7, v5  }
0x2c: {  	vm0 =	vgt.f32 v6, $1.000000010e-01;
	vm11 =	vgt.f32 v5, $1.000000010e-01;
	vm12 =	vgt.f32 v6, $2.000000030e-01  }
0x2d: {  	vm13 =	vgt.f32 v6, $3.000000120e-01;
	vm14 =	vgt.f32 v5, $2.000000030e-01;
	vm15 =	vgt.f32 v5, $3.000000120e-01  }
0x2e: {  	vm4 =	vgt.f32 v6, $4.000000060e-01;
	vm5 =	vgt.f32 v6, $5.000000000e-01;
	vm6 =	vgt.f32 v5, $4.000000060e-01  }
0x2f: {  	vm7 =	vgt.f32 v5, $5.000000000e-01;
	vm8 =	vgt.f32 v6, $6.000000240e-01;
	vm9 =	vgt.f32 v6, $6.999999880e-01  }
0x30: {  	vm10 =	vgt.f32 v5, $6.000000240e-01;
	v35 =	vadd.f32 v9, v35;
	v32 =	vsel vm0, $0x3F800000, v0  }
0x31: {  	v36 =	vsel vm11, $0x3F800000, v0;
	v38 =	vsel vm12, $0x3F800000, v0;
	v40 =	vsel vm13, $0x3F800000, v0  }
0x32: {  	v42 =	vsel vm14, $0x3F800000, v0;
	v44 =	vsel vm15, $0x3F800000, v0;
	v46 =	vsel vm4, $0x3F800000, v0  }
0x33: {  	v48 =	vsel vm5, $0x3F800000, v0;
	v50 =	vsel vm6, $0x3F800000, v0;
	v52 =	vsel vm7, $0x3F800000, v0  }
0x34: {  	v57 =	vsel vm8, $0x3F800000, v0;
	v58 =	vsel vm9, $0x3F800000, v0;
	v29 =	vadd.f32 v32, v29  }
0x35: {  	v30 =	vmul.f32 v30, v30;
	v28 =	vadd.f32 v38, v28;
	v27 =	vadd.f32 v40, v27  }
0x36: {  	v31 =	vmul.f32 v31, v31;
	v61 =	vadd.f32 v46, v26;
	v54 =	vadd.f32 v48, v25  }
0x37: {  	v59 =	vsel vm10, $0x3F800000, v0;
	v32 =	vadd.f32 v57, v22;
	v24 =	vadd.f32 v58, v24  }
0x38: {  	v38 =	vmul.f32 v7, v7;
	v33 =	vnsel vm0, $0x0, v30;
	v37 =	vnsel vm11, $0x0, v31  }
0x39: {  	v39 =	vnsel vm12, $0x0, v30;
	v41 =	vnsel vm13, $0x0, v30;
	v43 =	vnsel vm14, $0x0, v31  }
0x3a: {  	v45 =	vnsel vm15, $0x0, v31;
	v47 =	vnsel vm4, $0x0, v30;
	v49 =	vnsel vm5, $0x0, v30  }
0x3b: {  	v51 =	vnsel vm6, $0x0, v31;
	v53 =	vnsel vm7, $0x0, v31;
	v29 =	vadd.f32 v36, v29  }
0x3c: {  	v28 =	vadd.f32 v42, v28;
	vm11 =	vgt.f32 v5, $6.999999880e-01;
	vm12 =	vgt.f32 v6, $8.000000110e-01  }
0x3d: {  	vm13 =	vgt.f32 v6, $9.000000350e-01;
	v22 =	vadd.f32 v52, v54;
	vm14 =	vgt.f32 v5, $8.000000110e-01  }
0x3e: {  	vm15 =	vgt.f32 v5, $9.000000350e-01;
	v36 =	vmul.f32 v9, v9;
	v20 =	vadd.f32 v33, v20  }
0x3f: {  	v33 =	vnsel vm8, $0x0, v30;
	v19 =	vadd.f32 v39, v19;
	v60 =	vadd.f32 v41, v18  }
0x40: {  	v18 =	vadd.f32 v44, v27;
	v17 =	vadd.f32 v47, v17;
	v55 =	vnsel vm12, $0x0, v30  }
0x41: {  	v14 =	vadd.f32 v49, v14;
	v56 =	vsel vm13, $0x3F800000, v0;
	v16 =	vadd.f32 v33, v16  }
0x42: {  	v39 =	vnsel vm10, $0x0, v31;
	v13 =	vadd.f32 v55, v13;
	v21 =	vadd.f32 v56, v21  }
0x43: {  	v41 =	vsel vm11, $0x3F800000, v0;
	v20 =	vadd.f32 v37, v20;
	v26 =	vadd.f32 v43, v19  }
0x44: {  	v62 =	vnsel vm11, $0x0, v31;
	v27 =	vadd.f32 v45, v60;
	v19 =	vadd.f32 v50, v61  }
0x45: {  	v63 =	vsel vm12, $0x3F800000, v0;
	v25 =	vadd.f32 v51, v17;
	v17 =	vadd.f32 v53, v14  }
0x46: {  	v57 =	vnsel vm13, $0x0, v30;
	v14 =	vadd.f32 v59, v32;
	v60 =	vadd.f32 v63, v23  }
0x47: {  	v37 =	vnsel vm9, $0x0, v30;
	v32 =	vadd.f32 v57, v12;
	v30 =	vadd.f32 v30, v11  }
0x48: {  	v61 =	vnsel vm14, $0x0, v31;
	v59 =	vadd.f32 v37, v15;
	v15 =	vadd.f32 v39, v16  }
0x49: {  	v58 =	vsel vm14, $0x3F800000, v0;
	v16 =	vadd.f32 v41, v24;
	v11 =	vadd.f32 v61, v13  }
0x4a: {  	v63 =	vnsel vm15, $0x0, v31;
	v37 =	vadd.f32 v6, v34;
	v24 =	vadd.f32 v58, v60  }
0x4b: {  	v13 =	vadd.f32 v63, v32;
	v23 =	vadd.f32 v62, v59;
	v62 =	vsel vm15, $0x3F800000, v0  }
0x4c: {  	s25 =	simm.s32 $0x8030;
	s24 =	simm.s32 $0x0;
	v39 =	vmul.f32 v6, v6;
	v34 =	vmovc v5;
	v12 =	vadd.f32 v62, v21;
	v21 =	vadd.f32 v31, v30  }
.LBB2_3:
0x4d: {  	v32 =	vmul.f32 v34, v5;
	v4 =	vmin.f32 v4, v9  }
0x4e: {  	v3 =	vmax.f32 v3, v9;
	v2 =	vmin.f32 v2, v6;
	v1 =	vmax.f32 v1, v6  }
0x4f: {  	v34 =	vld [tilespmem:s25+$0x0];
	v47 =	vimm.s32 $0x0;
	v48 =	vimm.s32 $0x0;
	v49 =	vimm.s32 $0x0  }
0x50: {  	v6 =	vld [tilespmem:s25+$0xFFFFFFF0];
	v50 =	vimm.s32 $0x0;
	v51 =	vimm.s32 $0x0;
	v52 =	vimm.s32 $0x0  }
0x51: {  	v53 =	vimm.s32 $0x0;
	v10 =	vadd.f32 v36, v10;
	v8 =	vadd.f32 v39, v8  }
0x52: {  	v54 =	vimm.s32 $0x0;
	v30 =	vadd.f32 v7, v35;
	v31 =	vadd.f32 v5, v37  }
0x53: {  	v4 =	vmin.f32 v4, v7;
	v3 =	vmax.f32 v3, v7;
	v2 =	vmin.f32 v2, v5  }
0x54: {  	v1 =	vmax.f32 v1, v5;
	v10 =	vadd.f32 v38, v10;
	v8 =	vadd.f32 v32, v8  }
0x55: {  	s23 =	sadd.s32 $0x20, s23;
	vm7 =	vgt.f32 v34, $1.000000010e-01;
	vm6 =	vgt.f32 v34, $2.000000030e-01;
	vm8 =	vgt.f32 v6, $1.000000010e-01  }
0x56: {  	v7 =	vld [tilespmem:s23+$0x0];
	vm9 =	vgt.f32 v6, $2.000000030e-01;
	vm15 =	vgt.f32 v6, $3.000000120e-01;
	vm12 =	vgt.f32 v6, $4.000000060e-01  }
0x57: {  	v5 =	vmovc v34;
	vm11 =	vgt.f32 v6, $5.000000000e-01;
	vm14 =	vgt.f32 v6, $6.999999880e-01;
	vm13 =	vgt.f32 v6, $8.000000110e-01  }
0x58: {  	v39 =	vmul.f32 v6, v6;
	v9 =	vsel vm6, $0xFFFFFFFF, v47;
	vm10 =	vgt.f32 v5, $3.000000120e-01  }
0x59: {  	vm5 =	vgt.f32 v5, $4.000000060e-01;
	vm4 =	vgt.f32 v5, $5.000000000e-01;
	vm3 =	vgt.f32 v5, $6.000000240e-01  }
0x5a: {  	vm2 =	vgt.f32 v5, $6.999999880e-01;
	vm0 =	vgt.f32 v5, $8.000000110e-01;
	vm1 =	vgt.f32 v5, $9.000000350e-01  }
0x5b: {  	v55 =	vsub.f32 v7, v5;
	v56 =	vsel vm7, $0x3F800000, v0;
	v57 =	vsel vm6, $0x3F800000, v0  }
0x5c: {  	v44 =	vsel vm8, $0x3F800000, v0;
	v45 =	vsel vm9, $0x3F800000, v0;
	v47 =	vsel vm15, $0x3F800000, v0  }
0x5d: {  	v38 =	vmul.f32 v7, v7;
	v32 =	vsel vm5, $0xFFFFFFFF, v48;
	vm6 =	vmmov vm10  }
0x5e: {  	v58 =	vsel vm10, $0x3F800000, v0;
	v59 =	vsel vm5, $0x3F800000, v0;
	v40 =	vsel vm4, $0x3F800000, v0  }
0x5f: {  	v41 =	vsel vm3, $0x3F800000, v0;
	v42 =	vsel vm2, $0x3F800000, v0;
	vm10 =	vmmov vm2  }
0x60: {  	[tilespmem:$0x1FFB0] =	vst v9;
	v9 =	vld [tilespmem:s23+$0xFFFFFFF0];
	v43 =	vsel vm0, $0x3F800000, v0;
	v46 =	vsel vm1, $0x3F800000, v0;
	v48 =	vsel vm12, $0x3F800000, v0  }
0x61: {  	v29 =	vadd.f32 v44, v29;
	v28 =	vadd.f32 v45, v28;
	[tilespmem:$0x1FFC0] =	vst v32;
	v32 =	vsel vm4, $0xFFFFFFFF, v49  }
0x62: {  	v18 =	vadd.f32 v47, v18;
	v19 =	vadd.f32 v48, v19;
	[tilespmem:$0x1FFD0] =	vst v32;
	v32 =	vsel vm3, $0xFFFFFFFF, v50  }
0x63: {  	vm3 =	vmmov vm0;
	v29 =	vadd.f32 v56, v29;
	[tilespmem:$0x1FFE0] =	vst v32;
	v32 =	vsel vm1, $0xFFFFFFFF, v51  }
0x64: {  	v18 =	vadd.f32 v58, v18;
	v51 =	vsel vm14, $0x3F800000, v0;
	[tilespmem:$0x1FFF0] =	vst v32;
	v32 =	vsel vm11, $0xFFFFFFFF, v52  }
0x65: {  	vm11 =	vgt.f32 v6, $6.000000240e-01;
	v16 =	vadd.f32 v51, v16;
	v33 =	vsub.f32 v9, v6  }
0x66: {  	v47 =	vld [tilespmem:$0x1FFB0];
	[tilespmem:$0x1FF80] =	vst v32;
	v32 =	vsel vm13, $0xFFFFFFFF, v53;
	vm13 =	vgt.f32 v6, $9.000000350e-01;
	v50 =	vsel vm11, $0x3F800000, v0  }
0x67: {  	v58 =	vld [tilespmem:$0x1FFE0];
	[tilespmem:$0x1FF90] =	vst v32;
	v32 =	vsel vm13, $0xFFFFFFFF, v54;
	v14 =	vadd.f32 v50, v14;
	v33 =	vmul.f32 v33, v33  }
0x68: {  	v28 =	vadd.f32 v57, v28;
	v19 =	vadd.f32 v59, v19;
	[tilespmem:$0x1FFA0] =	vst v32;
	v32 =	vmul.f32 v55, v55  }
0x69: {  	v16 =	vadd.f32 v42, v16;
	v14 =	vadd.f32 v41, v14;
	v60 =	vnsel vm8, $0x0, v33  }
0x6a: {  	v49 =	vld [tilespmem:$0x1FF80];
	v63 =	vnsel vm7, $0x0, v32;
	v52 =	vnsel vm9, $0x0, v33;
	v37 =	vnsel vm15, $0x0, v33  }
0x6b: {  	v54 =	vld [tilespmem:$0x1FFC0];
	vm9 =	vnez.u8 v47;
	v48 =	vnsel vm6, $0x0, v32;
	v56 =	vnsel vm11, $0x0, v33  }
0x6c: {  	v57 =	vnsel vm14, $0x0, v33;
	vm14 =	vnez.u8 v58;
	v21 =	vadd.f32 v33, v21  }
0x6d: {  	v61 =	vld [tilespmem:$0x1FF90];
	v59 =	vnsel vm10, $0x0, v32;
	v20 =	vadd.f32 v60, v20;
	v26 =	vadd.f32 v52, v26  }
0x6e: {  	v55 =	vld [tilespmem:$0x1FFD0];
	v27 =	vadd.f32 v37, v27;
	v35 =	vnsel vm9, $0x0, v32;
	v15 =	vadd.f32 v56, v15  }
0x6f: {  	v52 =	vnsel vm12, $0x0, v33;
	v23 =	vadd.f32 v57, v23;
	v37 =	vadd.f32 v6, v31  }
0x70: {  	v62 =	vld [tilespmem:$0x1FFA0];
	vm13 =	vnez.u8 v49;
	v25 =	vadd.f32 v52, v25;
	vm12 =	vnez.u8 v54  }
0x71: {  	v21 =	vadd.f32 v32, v21;
	v49 =	vsel vm13, $0x3F800000, v0;
	v20 =	vadd.f32 v63, v20  }
0x72: {  	vm2 =	vnez.u8 v61;
	v26 =	vadd.f32 v35, v26;
	v27 =	vadd.f32 v48, v27  }
0x73: {  	v53 =	vnsel vm13, $0x0, v33;
	v35 =	vnsel vm12, $0x0, v32;
	vm13 =	vnez.u8 v55  }
0x74: {  	v23 =	vadd.f32 v59, v23;
	v44 =	vsel vm2, $0x3F800000, v0;
	v22 =	vadd.f32 v49, v22  }
0x75: {  	v63 =	vld [tilespmem:$0x1FFF0];
	vm1 =	vnez.u8 v62;
	v17 =	vadd.f32 v53, v17;
	v25 =	vadd.f32 v35, v25  }
0x76: {  	s24 =	sadd.s32 $0x20, s24;
	v35 =	vnsel vm13, $0x0, v32;
	v60 =	vnsel vm2, $0x0, v33;
	v62 =	vnsel vm3, $0x0, v32  }
0x77: {  	p0 =	slt.u32 s24, $0x3FE0;
	v45 =	vsel vm1, $0x3F800000, v0;
	v24 =	vadd.f32 v44, v24;
	v11 =	vadd.f32 v60, v11  }
.Ltmp0:
0x78: {  	v61 =	vnsel vm1, $0x0, v33;
	v22 =	vadd.f32 v40, v22;
	v17 =	vadd.f32 v35, v17;
	(pc) =	sbr.rel @p0 .LBB2_3-.Ltmp0, $4  }
0x79: {  	v35 =	vnsel vm14, $0x0, v32;
	v12 =	vadd.f32 v45, v12;
	v13 =	vadd.f32 v61, v13  }
0x7a: {  	v15 =	vadd.f32 v35, v15;
	v24 =	vadd.f32 v43, v24;
	vm15 =	vnez.u8 v63  }
0x7b: {  	v11 =	vadd.f32 v62, v11;
	v35 =	vadd.f32 v9, v30;
	v33 =	vnsel vm15, $0x0, v32  }
0x7c: {  	s25 =	sadd.s32 $0x20, s25;
	v36 =	vmul.f32 v9, v9;
	v12 =	vadd.f32 v46, v12;
	v13 =	vadd.f32 v33, v13  }
0x7d: {  	p0 =	seq.s32 s21, $0x3  }
0x7e: {  	s22 =	sadd.s32 @!p0 s22, s8  }
0x7f: {  	s22 =	sshrl.u32 @!p0 s22, $0x3  }
0x80: {  	s24 =	simm.s32 @!p0 $0x0;
	s23 =	sadd.s32 @!p0 s1, s22  }
0x81: {  	[tilespmem:s24], [sflag:$0x1] =	stream.linear.gather @!p0 [hbm4b:s23+s24], $0x4000, $0x38;
	[tilespmem:$0x10200] =	vst v63  }
0x82: {  	s22 =	sadd.s32 @!p0 s2, s22;
	s23 =	simm.s32 @!p0 $0x8000  }
0x83: {  	[tilespmem:s23], [sflag:$0x1] =	stream.linear.gather @!p0 [hbm4b:s22+s24], $0x4000, $0x38;
	[tilespmem:$0x10200] =	vst v63  }
0x84: {  	_ =	swait.ge [sflag:s15], $0x4000  }
0x85: {  	[sflag:s15] =	ssyncset.done $0x0  }
0x86: {  	[sflag:s15] =	ssyncadd.s32 $0xFFFFC000  }
0x87: {  	_ =	swait.ge [sflag:s15], $0x4000  }
0x88: {  	[sflag:s15] =	ssyncset.done $0x0  }
0x89: {  	s31 =	simm.s32 $0xC010;
	[sflag:s15] =	ssyncadd.s32 $0xFFFFC000  }
0x8a: {  	v30 =	vld [tilespmem:s31+$0x0]  }
0x8b: {  	s22 =	simm.s32 $0x4010;
	v31 =	vld [tilespmem:s31+$0xFFFFFFF0]  }
0x8c: {  	v33 =	vld [tilespmem:s22+$0xFFFFFFF0]  }
0x8d: {  	v34 =	vmul.f32 v34, v5;
	v4 =	vmin.f32 v4, v9;
	v32 =	vld [tilespmem:s22+$0x0]  }
0x8e: {  	v35 =	vadd.f32 v7, v35;
	v37 =	vadd.f32 v5, v37;
	v3 =	vmax.f32 v3, v9  }
0x8f: {  	v2 =	vmin.f32 v2, v6;
	v10 =	vadd.f32 v36, v10;
	v36 =	vadd.f32 v39, v8  }
0x90: {  	v6 =	vmax.f32 v1, v6;
	v4 =	vmin.f32 v4, v7;
	v1 =	vmax.f32 v3, v7  }
0x91: {  	v2 =	vmin.f32 v2, v5;
	v8 =	vadd.f32 v38, v10;
	v10 =	vadd.f32 v34, v36  }
0x92: {  	v3 =	vmax.f32 v6, v5;
	v40 =	vsub.f32 v33, v31;
	v41 =	vsub.f32 v32, v30  }
0x93: {  	vm0 =	vgt.f32 v31, $1.000000010e-01;
	vm11 =	vgt.f32 v30, $1.000000010e-01;
	vm12 =	vgt.f32 v31, $2.000000030e-01  }
0x94: {  	vm13 =	vgt.f32 v31, $3.000000120e-01;
	vm14 =	vgt.f32 v30, $2.000000030e-01;
	vm15 =	vgt.f32 v30, $3.000000120e-01  }
0x95: {  	vm4 =	vgt.f32 v31, $4.000000060e-01;
	vm5 =	vgt.f32 v31, $5.000000000e-01;
	vm6 =	vgt.f32 v30, $4.000000060e-01  }
0x96: {  	vm7 =	vgt.f32 v30, $5.000000000e-01;
	vm8 =	vgt.f32 v31, $6.000000240e-01;
	vm9 =	vgt.f32 v31, $6.999999880e-01  }
0x97: {  	vm10 =	vgt.f32 v30, $6.000000240e-01;
	v43 =	vsel vm11, $0x3F800000, v0;
	v45 =	vsel vm12, $0x3F800000, v0  }
0x98: {  	v47 =	vsel vm13, $0x3F800000, v0;
	v49 =	vsel vm14, $0x3F800000, v0;
	v51 =	vsel vm15, $0x3F800000, v0  }
0x99: {  	v53 =	vsel vm4, $0x3F800000, v0;
	v55 =	vsel vm5, $0x3F800000, v0;
	v57 =	vsel vm6, $0x3F800000, v0  }
0x9a: {  	v59 =	vsel vm7, $0x3F800000, v0;
	v61 =	vsel vm8, $0x3F800000, v0;
	v34 =	vsel vm9, $0x3F800000, v0  }
0x9b: {  	v39 =	vmul.f32 v40, v40;
	v40 =	vmul.f32 v41, v41;
	v28 =	vadd.f32 v45, v28  }
0x9c: {  	v41 =	vsel vm0, $0x3F800000, v0;
	v18 =	vadd.f32 v47, v18;
	v53 =	vadd.f32 v53, v19  }
0x9d: {  	v38 =	vsel vm10, $0x3F800000, v0;
	v22 =	vadd.f32 v55, v22;
	v29 =	vadd.f32 v41, v29  }
0x9e: {  	v42 =	vnsel vm0, $0x0, v39;
	v44 =	vnsel vm11, $0x0, v40;
	v46 =	vnsel vm12, $0x0, v39  }
0x9f: {  	v48 =	vnsel vm13, $0x0, v39;
	v50 =	vnsel vm14, $0x0, v40;
	v52 =	vnsel vm15, $0x0, v40  }
0xa0: {  	v54 =	vnsel vm4, $0x0, v39;
	v56 =	vnsel vm5, $0x0, v39;
	v58 =	vnsel vm6, $0x0, v40  }
0xa1: {  	v60 =	vnsel vm7, $0x0, v40;
	v62 =	vnsel vm8, $0x0, v39;
	v36 =	vnsel vm9, $0x0, v39  }
0xa2: {  	v41 =	vnsel vm10, $0x0, v40;
	vm11 =	vgt.f32 v30, $6.999999880e-01;
	v28 =	vadd.f32 v49, v28  }
0xa3: {  	vm12 =	vgt.f32 v31, $8.000000110e-01;
	v6 =	vadd.f32 v39, v21;
	v20 =	vadd.f32 v42, v20  }
0xa4: {  	vm13 =	vgt.f32 v31, $9.000000350e-01;
	v29 =	vadd.f32 v43, v29;
	v26 =	vadd.f32 v46, v26  }
0xa5: {  	vm14 =	vgt.f32 v30, $8.000000110e-01;
	v63 =	vadd.f32 v48, v27;
	v27 =	vadd.f32 v51, v18  }
0xa6: {  	v47 =	vnsel vm12, $0x0, v39;
	v25 =	vadd.f32 v54, v25;
	v9 =	vadd.f32 v62, v15  }
0xa7: {  	v48 =	vsel vm13, $0x3F800000, v0;
	v15 =	vadd.f32 v34, v16;
	v23 =	vadd.f32 v36, v23  }
0xa8: {  	vm15 =	vgt.f32 v30, $9.000000350e-01;
	v7 =	vadd.f32 v47, v11;
	v11 =	vadd.f32 v48, v12  }
0xa9: {  	v42 =	vsel vm11, $0x3F800000, v0;
	v20 =	vadd.f32 v44, v20;
	v19 =	vadd.f32 v50, v26  }
0xaa: {  	v43 =	vnsel vm11, $0x0, v40;
	v18 =	vadd.f32 v52, v63;
	v26 =	vadd.f32 v57, v53  }
0xab: {  	v49 =	vnsel vm14, $0x0, v40;
	v63 =	vadd.f32 v56, v17;
	v57 =	vadd.f32 v61, v14  }
0xac: {  	v44 =	vnsel vm13, $0x0, v39;
	v17 =	vadd.f32 v58, v25;
	v25 =	vadd.f32 v59, v22  }
0xad: {  	v56 =	vsel vm15, $0x3F800000, v0;
	v16 =	vadd.f32 v41, v9;
	v5 =	vadd.f32 v44, v13  }
0xae: {  	v45 =	vsel vm12, $0x3F800000, v0;
	v13 =	vadd.f32 v49, v7;
	v21 =	vadd.f32 v56, v11  }
0xaf: {  	v46 =	vsel vm14, $0x3F800000, v0;
	v11 =	vadd.f32 v40, v6;
	v6 =	vadd.f32 v33, v35  }
0xb0: {  	v34 =	vmul.f32 v31, v31;
	v7 =	vadd.f32 v31, v37;
	v14 =	vadd.f32 v60, v63  }
0xb1: {  	v36 =	vmul.f32 v32, v32;
	v22 =	vadd.f32 v38, v57;
	v63 =	vadd.f32 v45, v24  }
0xb2: {  	v61 =	vnsel vm15, $0x0, v40;
	v24 =	vadd.f32 v42, v15;
	v15 =	vadd.f32 v43, v23  }
0xb3: {  	s23 =	simm.s32 $0x0;
	s24 =	simm.s32 $0xC030;
	v9 =	vmul.f32 v33, v33;
	v12 =	vadd.f32 v61, v5;
	v23 =	vadd.f32 v46, v63;
	v5 =	vmovc v30  }
.LBB2_5:
0xb4: {  	v2 =	vmin.f32 v2, v31;
	v3 =	vmax.f32 v3, v31;
	v31 =	vld [tilespmem:s24+$0xFFFFFFF0]  }
0xb5: {  	v4 =	vmin.f32 v4, v33;
	v1 =	vmax.f32 v1, v33;
	v8 =	vadd.f32 v9, v8  }
0xb6: {  	v9 =	vadd.f32 v34, v10;
	v10 =	vmul.f32 v5, v30;
	v6 =	vadd.f32 v32, v6  }
0xb7: {  	s22 =	sadd.s32 $0x20, s22;
	v5 =	vld [tilespmem:s24+$0x0];
	v7 =	vadd.f32 v30, v7;
	v4 =	vmin.f32 v4, v32;
	v1 =	vmax.f32 v1, v32  }
0xb8: {  	v2 =	vmin.f32 v2, v30;
	v3 =	vmax.f32 v3, v30;
	v33 =	vld [tilespmem:s22+$0xFFFFFFF0];
	v8 =	vadd.f32 v36, v8  }
0xb9: {  	v10 =	vadd.f32 v10, v9;
	v9 =	vimm.s32 $0x0;
	vm8 =	vgt.f32 v31, $1.000000010e-01  }
0xba: {  	vm9 =	vgt.f32 v31, $2.000000030e-01;
	vm15 =	vgt.f32 v31, $3.000000120e-01;
	vm12 =	vgt.f32 v31, $4.000000060e-01  }
0xbb: {  	vm11 =	vgt.f32 v31, $5.000000000e-01;
	vm14 =	vgt.f32 v31, $6.999999880e-01;
	vm13 =	vgt.f32 v31, $8.000000110e-01  }
0xbc: {  	v7 =	vadd.f32 v31, v7;
	vm7 =	vgt.f32 v5, $1.000000010e-01;
	vm6 =	vgt.f32 v5, $2.000000030e-01  }
0xbd: {  	v32 =	vld [tilespmem:s22+$0x0];
	v35 =	vsub.f32 v33, v31;
	v44 =	vsel vm8, $0x3F800000, v0;
	v45 =	vsel vm9, $0x3F800000, v0  }
0xbe: {  	v30 =	vmovc v5;
	v47 =	vsel vm15, $0x3F800000, v0;
	v48 =	vsel vm12, $0x3F800000, v0;
	v51 =	vsel vm14, $0x3F800000, v0  }
0xbf: {  	v6 =	vadd.f32 v33, v6;
	v9 =	vsel vm6, $0xFFFFFFFF, v9;
	vm10 =	vgt.f32 v30, $3.000000120e-01  }
0xc0: {  	vm5 =	vgt.f32 v30, $4.000000060e-01;
	vm4 =	vgt.f32 v30, $5.000000000e-01;
	vm3 =	vgt.f32 v30, $6.000000240e-01  }
0xc1: {  	vm2 =	vgt.f32 v30, $6.999999880e-01;
	vm0 =	vgt.f32 v30, $8.000000110e-01;
	vm1 =	vgt.f32 v30, $9.000000350e-01  }
0xc2: {  	v56 =	vsub.f32 v32, v30;
	v57 =	vsel vm7, $0x3F800000, v0;
	v29 =	vadd.f32 v44, v29  }
0xc3: {  	v37 =	vsel vm6, $0x3F800000, v0;
	v28 =	vadd.f32 v45, v28;
	v27 =	vadd.f32 v47, v27  }
0xc4: {  	v26 =	vadd.f32 v48, v26;
	v24 =	vadd.f32 v51, v24;
	[tilespmem:$0x1FF30] =	vst v9;
	v9 =	vimm.s32 $0x0  }
0xc5: {  	vm6 =	vmmov vm10;
	v38 =	vsel vm10, $0x3F800000, v0;
	v39 =	vsel vm5, $0x3F800000, v0  }
0xc6: {  	v40 =	vsel vm4, $0x3F800000, v0;
	v41 =	vsel vm3, $0x3F800000, v0;
	v42 =	vsel vm2, $0x3F800000, v0  }
0xc7: {  	vm10 =	vmmov vm2;
	v43 =	vsel vm0, $0x3F800000, v0;
	v46 =	vsel vm1, $0x3F800000, v0  }
0xc8: {  	v35 =	vmul.f32 v35, v35;
	v9 =	vsel vm5, $0xFFFFFFFF, v9;
	v29 =	vadd.f32 v57, v29  }
0xc9: {  	v52 =	vmul.f32 v56, v56;
	v28 =	vadd.f32 v37, v28;
	v27 =	vadd.f32 v38, v27  }
0xca: {  	v26 =	vadd.f32 v39, v26;
	v24 =	vadd.f32 v42, v24;
	[tilespmem:$0x1FF40] =	vst v9;
	v9 =	vimm.s32 $0x0  }
0xcb: {  	v58 =	vnsel vm8, $0x0, v35;
	v62 =	vnsel vm9, $0x0, v35;
	v63 =	vnsel vm15, $0x0, v35  }
0xcc: {  	v48 =	vnsel vm12, $0x0, v35;
	v56 =	vnsel vm14, $0x0, v35;
	v9 =	vsel vm4, $0xFFFFFFFF, v9  }
0xcd: {  	v11 =	vadd.f32 v35, v11;
	v20 =	vadd.f32 v58, v20;
	[tilespmem:$0x1FF50] =	vst v9;
	v9 =	vimm.s32 $0x0  }
0xce: {  	v45 =	vld [tilespmem:$0x1FF30];
	v61 =	vnsel vm7, $0x0, v52;
	v19 =	vadd.f32 v62, v19;
	v9 =	vsel vm3, $0xFFFFFFFF, v9  }
0xcf: {  	v18 =	vadd.f32 v63, v18;
	v47 =	vnsel vm6, $0x0, v52;
	[tilespmem:$0x1FF60] =	vst v9;
	v9 =	vimm.s32 $0x0  }
0xd0: {  	v17 =	vadd.f32 v48, v17;
	v53 =	vld [tilespmem:$0x1FF40];
	v15 =	vadd.f32 v56, v15;
	v9 =	vsel vm1, $0xFFFFFFFF, v9  }
0xd1: {  	v58 =	vnsel vm10, $0x0, v52;
	v11 =	vadd.f32 v52, v11;
	[tilespmem:$0x1FF70] =	vst v9;
	v9 =	vimm.s32 $0x0  }
0xd2: {  	vm3 =	vmmov vm0;
	v20 =	vadd.f32 v61, v20;
	v9 =	vsel vm11, $0xFFFFFFFF, v9  }
0xd3: {  	v18 =	vadd.f32 v47, v18;
	vm9 =	vnez.u8 v45;
	v57 =	vld [tilespmem:$0x1FF60];
	[tilespmem:$0x1FF00] =	vst v9;
	v9 =	vimm.s32 $0x0  }
0xd4: {  	v15 =	vadd.f32 v58, v15;
	v36 =	vnsel vm9, $0x0, v52;
	v9 =	vsel vm13, $0xFFFFFFFF, v9;
	v49 =	vld [tilespmem:$0x1FF00]  }
0xd5: {  	v61 =	vnsel vm3, $0x0, v52;
	v19 =	vadd.f32 v36, v19;
	vm12 =	vnez.u8 v53;
	v62 =	vld [tilespmem:$0x1FF70];
	[tilespmem:$0x1FF10] =	vst v9  }
0xd6: {  	vm11 =	vgt.f32 v31, $6.000000240e-01;
	vm13 =	vgt.f32 v31, $9.000000350e-01;
	v9 =	vimm.s32 $0x0;
	v59 =	vld [tilespmem:$0x1FF10]  }
0xd7: {  	v54 =	vld [tilespmem:$0x1FF50];
	v36 =	vnsel vm12, $0x0, v52;
	v50 =	vsel vm11, $0x3F800000, v0;
	v9 =	vsel vm13, $0xFFFFFFFF, v9  }
0xd8: {  	v17 =	vadd.f32 v36, v17;
	v55 =	vnsel vm11, $0x0, v35;
	v22 =	vadd.f32 v50, v22;
	[tilespmem:$0x1FF20] =	vst v9  }
0xd9: {  	v16 =	vadd.f32 v55, v16;
	vm14 =	vnez.u8 v57;
	v60 =	vld [tilespmem:$0x1FF20];
	vm13 =	vnez.u8 v49  }
0xda: {  	v22 =	vadd.f32 v41, v22;
	v9 =	vmul.f32 v33, v33;
	v49 =	vsel vm13, $0x3F800000, v0  }
0xdb: {  	vm15 =	vnez.u8 v62;
	vm2 =	vnez.u8 v59;
	v25 =	vadd.f32 v49, v25  }
0xdc: {  	v49 =	vnsel vm13, $0x0, v35;
	vm13 =	vnez.u8 v54;
	v34 =	vsel vm2, $0x3F800000, v0  }
0xdd: {  	s23 =	sadd.s32 $0x20, s23;
	v14 =	vadd.f32 v49, v14;
	v36 =	vnsel vm13, $0x0, v52;
	v59 =	vnsel vm2, $0x0, v35  }
0xde: {  	p0 =	slt.u32 s23, $0x3FE0;
	vm1 =	vnez.u8 v60;
	v25 =	vadd.f32 v40, v25;
	v23 =	vadd.f32 v34, v23  }
.Ltmp1:
0xdf: {  	v34 =	vnsel vm14, $0x0, v52;
	v13 =	vadd.f32 v59, v13;
	v44 =	vsel vm1, $0x3F800000, v0;
	(pc) =	sbr.rel @p0 .LBB2_5-.Ltmp1, $4  }
0xe0: {  	v14 =	vadd.f32 v36, v14;
	v16 =	vadd.f32 v34, v16;
	v60 =	vnsel vm1, $0x0, v35  }
0xe1: {  	v63 =	vnsel vm15, $0x0, v52;
	v21 =	vadd.f32 v44, v21;
	v12 =	vadd.f32 v60, v12  }
0xe2: {  	v34 =	vmul.f32 v31, v31;
	v23 =	vadd.f32 v43, v23;
	v13 =	vadd.f32 v61, v13  }
0xe3: {  	s24 =	sadd.s32 $0x20, s24;
	v36 =	vmul.f32 v32, v32;
	v21 =	vadd.f32 v46, v21;
	v12 =	vadd.f32 v63, v12  }
0xe4: {  	s21 =	sadd.s32 $0x1, s21  }
0xe5: {  	p0 =	sne.s32 s21, $0x4  }
.Ltmp2:
0xe6: {  	v8 =	vadd.f32 v9, v8;
	v9 =	vadd.f32 v34, v10;
	v5 =	vmul.f32 v5, v30;
	(pc) =	sbr.rel @p0 .LBB2_2-.Ltmp2, $4  }
0xe7: {  	v4 =	vmin.f32 v4, v33;
	v35 =	vadd.f32 v32, v6;
	v34 =	vadd.f32 v30, v7  }
0xe8: {  	v1 =	vmax.f32 v1, v33;
	v2 =	vmin.f32 v2, v31;
	v4 =	vmin.f32 v4, v32  }
0xe9: {  	v10 =	vadd.f32 v36, v8;
	v8 =	vadd.f32 v5, v9;
	v5 =	vmax.f32 v3, v31  }
0xea: {  	v2 =	vmin.f32 v2, v30;
	v3 =	vmax.f32 v1, v32;
	v1 =	vmax.f32 v5, v30  }
0xeb: {  	[tilespmem:$0x10000] =	vst v29  }
0xec: {  	[tilespmem:$0x10010] =	vst v28  }
0xed: {  	[tilespmem:$0x10020] =	vst v27  }
0xee: {  	[tilespmem:$0x10030] =	vst v26  }
0xef: {  	[tilespmem:$0x10040] =	vst v25  }
0xf0: {  	[tilespmem:$0x10050] =	vst v22  }
0xf1: {  	[tilespmem:$0x10060] =	vst v24  }
0xf2: {  	[tilespmem:$0x10070] =	vst v23  }
0xf3: {  	[tilespmem:$0x10080] =	vst v21  }
0xf4: {  	[tilespmem:$0x10090] =	vst v20  }
0xf5: {  	[tilespmem:$0x100A0] =	vst v19  }
0xf6: {  	[tilespmem:$0x100B0] =	vst v18  }
0xf7: {  	[tilespmem:$0x100C0] =	vst v17  }
0xf8: {  	[tilespmem:$0x100D0] =	vst v14  }
0xf9: {  	[tilespmem:$0x100E0] =	vst v16  }
0xfa: {  	[tilespmem:$0x100F0] =	vst v15  }
0xfb: {  	[tilespmem:$0x10100] =	vst v13  }
0xfc: {  	[tilespmem:$0x10110] =	vst v12  }
0xfd: {  	[tilespmem:$0x10120] =	vst v11  }
0xfe: {  	[tilespmem:$0x10130] =	vst v35  }
0xff: {  	[tilespmem:$0x10140] =	vst v10  }
0x100: {  	[tilespmem:$0x10150] =	vst v34  }
0x101: {  	[tilespmem:$0x10160] =	vst v8  }
0x102: {  	[tilespmem:$0x10170] =	vst v4  }
0x103: {  	[tilespmem:$0x10180] =	vst v3;
	s20 =	sadd.s32 $0x1, s20  }
0x104: {  	[tilespmem:$0x10190] =	vst v2;
	p0 =	sne.s32 s20, s10  }
.Ltmp3:
0x105: {  	[tilespmem:$0x101A0] =	vst v1;
	(pc) =	sbr.rel @p0 .LBB2_1-.Ltmp3, $4  }
0x106: {  	[hbm4b:s9+s16] =	stream.strided.scatter [tilespmem:s18], [sflag:$0x3], $0x200, s17, s16, $0x38;
	[tilespmem:$0x10200] =	vst v63  }
0x107: {  	_ =	swait.ge [sflag:s19], $0x200  }
0x108: {  	[sflag:s19] =	ssyncset.done $0x0  }
0x109: {  	[sflag:s19] =	ssyncadd.s32 $0xFFFFFE00  }
0x10a: {  	_ =	sfence.sel $0x180000  }
0x10b: {  	[bflag:$0x0] =	sbarrier.arrive $0xFFFF  }
0x10c: {  	p0 =	sne.s32 s3, $0x0;
	_ =	strace $0x90000047  }
0x10d: {  	s0 =	sadd.s32 @!p0 $0x100000, s0;
	[bflag:$0x2] =	sbarrier.arrive $0xFFFF  }
0x10e: {  	[sflag:s0] =	ssyncadd.tile.s32 @!p0 $0x1;
	_ =	shalt  }
.Lfunc_end2:
_tile_overlayer_lowered:
.L_overlay_start_2:
0x10f: {  	(tag) =	ssettag $0x2  }
0x110: {  	s0 =	rddreg [dreg:$0x0];
	s2 =	stileid.u32  }
0x111: {  	s1 =	rddreg [dreg:$0x1];
	p0 =	sne.s32 s2, $0x0  }
0x112: {  	s3 =	rddreg [dreg:$0x2];
	[bflag:$0x3] =	sbarrier.arrive $0xFFFF;
	s2 =	simm.s32 @!p0 $0x1C03  }
0x113: {  	[timem:s3], [sflag:s2] =	dma.local @!p0 [hbm:s0], s1  }
0x114: {  	s0 =	simm.s32 @!p0 $0x3  }
0x115: {  	_ =	swait.ge @!p0 [sflag:s0], s1  }
0x116: {  	s1 =	ssub.s32 @!p0 $0x0, s1;
	[sflag:s0] =	ssyncset.done @!p0 $0x0  }
0x117: {  	[sflag:s0] =	ssyncadd.s32 @!p0 s1  }
0x118: {  	[bflag:$0x3] =	sbarrier.arrive $0xFFFF  }
0x119: {  	_ =	shalt  }

</sc_bundles>
